<compile_context>
chip_gen: v7x
topology: tpu7x:2x2x1
jax: 0.10.2.dev20260603
libtpu: 0.0.44.dev20260713+nightly
codegen_flags: <defaults>
</compile_context>

<pallas_src>
import functools

import jax
import jax.numpy as jnp
from jax import lax
from jax.experimental import pallas as pl
from jax.experimental.pallas import tpu as pltpu
from jax.experimental.pallas import tpu_sc as plsc

EMBED_DIM = 32
_SEQ = 50
_NSAMPLES = 16384
_NC, _NS = 2, 16
_NW = _NC * _NS
_S_PER_W = _NSAMPLES // _NW
_K = 32
_NBLK = _S_PER_W // _K

_mesh = plsc.VectorSubcoreMesh(core_axis_name="c", subcore_axis_name="s")


@functools.partial(
    pl.kernel,
    out_type=jax.ShapeDtypeStruct((_NSAMPLES, _SEQ, EMBED_DIM), jnp.float32),
    mesh=_mesh,
    compiler_params=pltpu.CompilerParams(use_tc_tiling_on_sc=False),
    scratch_types=[
        pltpu.VMEM((_S_PER_W, _SEQ), jnp.int32),
        pltpu.VMEM((2, _K, _SEQ, EMBED_DIM), jnp.float32),
        pltpu.SemaphoreType.DMA,
        pltpu.SemaphoreType.DMA,
    ],
)
def _gather(idx_hbm, table_hbm, out_hbm, idx_v, rows_v, sem0, sem1):
    wid = lax.axis_index("s") * _NC + lax.axis_index("c")
    sample0 = wid * _S_PER_W
    pltpu.sync_copy(idx_hbm.at[pl.ds(sample0, _S_PER_W)], idx_v)

    def start(blk, buf, sem):
        for j in range(_K):
            pltpu.async_copy(
                table_hbm.at[idx_v.at[blk * _K + j]], rows_v.at[buf, j], sem
            )

    def wait(buf, sem):
        pltpu.make_async_copy(
            out_hbm.at[pl.ds(sample0, _K)], rows_v.at[buf], sem
        ).wait()

    def flush(blk, buf):
        pltpu.sync_copy(
            rows_v.at[buf], out_hbm.at[pl.ds(sample0 + blk * _K, _K)]
        )

    start(0, 0, sem0)

    def body(i, carry):
        blk = 2 * i
        wait(0, sem0)
        start(blk + 1, 1, sem1)
        flush(blk, 0)
        wait(1, sem1)

        @pl.when(blk + 2 < _NBLK)
        def _start_next():
            start(blk + 2, 0, sem0)

        flush(blk + 1, 1)
        return carry

    lax.fori_loop(0, _NBLK // 2, body, 0)


def kernel(idx, embedding):
    return _gather(idx.astype(jnp.int32), embedding)

# --- scband reference (transcript-rebuilt; emitter-appended) ---
"""Pipeline reference for scband-poincare-embedding-layer-47476568490611 (READ-ONLY COPY).

The authoritative reference and input builder live on the scoring server;
editing this copy changes nothing except your own understanding.
"""

import jax, jax.numpy as jnp
import numpy as np

NUM_NODES = 1000000
EMBED_DIM = 32

def setup_inputs(seed: int = 0) -> dict:
    key = jax.random.key(seed)
    k_idx, k_emb = jax.random.split(key)
    idx = jax.random.randint(k_idx, (16384, 50), 0, NUM_NODES, dtype=jnp.int64 if jax.config.jax_enable_x64 else jnp.int32)
    # Keras 'uniform' initializer defaults to U(-0.05, 0.05)
    embedding = jax.random.uniform(k_emb, (NUM_NODES, EMBED_DIM), minval=-0.05, maxval=0.05, dtype=jnp.float32)
    return {"idx": idx, "embedding": embedding}

def reference(idx, embedding):
    # tf.gather(self.embedding, idx) -> table lookup along axis 0
    return jnp.take(embedding, idx, axis=0)

if __name__ == "__main__":
    import jax
    _d = setup_inputs()
    print(jax.jit(kernel)(*tuple(_d.values())))

</pallas_src>

<mosaic_0001>
#map = affine_map<(d0, d1) -> (0, 0)>
#map1 = affine_map<(d0, d1) -> (0, 0, 0)>
module attributes {stable_mosaic.version = 14 : i64} {
  func.func @_gather(%arg0: i32, %arg1: i32, %arg2: memref<16384x50xi32, #tpu.memory_space<hbm>>, %arg3: memref<1000000x32xf32, #tpu.memory_space<hbm>>, %arg4: memref<16384x50x32xf32, #tpu.memory_space<hbm>>, %arg5: memref<512x50xi32, #tpu.memory_space<vmem>>, %arg6: memref<2x32x50x32xf32, #tpu.memory_space<vmem>>, %arg7: memref<!tpu.dma_semaphore, #tpu.memory_space<semaphore_mem>>, %arg8: memref<!tpu.dma_semaphore, #tpu.memory_space<semaphore_mem>>) attributes {dimension_semantics = [#tpu.dimension_semantics<core_parallel>, #tpu.dimension_semantics<subcore_parallel>], iteration_bounds = array<i64: 2, 16>, scalar_prefetch = 0 : i64, scratch_operands = 4 : i64, tpu.core_type = #tpu.core_type<sc_vector_subcore>, window_params = [{transform_indices = #map}, {transform_indices = #map}, {transform_indices = #map1}]} {
    %mul3A = arith.constant 2 : i32
    %mul3A_0 = arith.muli %arg1, %mul3A : i32
    %add3A = arith.addi %mul3A_0, %arg0 : i32
    %mul3A_1 = arith.constant 512 : i32
    %mul3A_2 = arith.muli %add3A, %mul3A_1 : i32
    "tpu.region"() ({
      %run_scoped3A = tpu.sem_alloc : memref<!tpu.dma_semaphore, #tpu.memory_space<semaphore_mem>>
      %dma_start3A_423 = arith.constant 0 : i32
      %dma_start3A_424 = tpu.memref_slice %arg2[%mul3A_2, %dma_start3A_423] : memref<16384x50xi32, #tpu.memory_space<hbm>> -> memref<512x50xi32, #tpu.memory_space<hbm>>
      %dma_start3A_425 = arith.constant 0 : i32
      %dma_start3A_426 = tpu.memref_slice %arg2[%mul3A_2, %dma_start3A_425] : memref<16384x50xi32, #tpu.memory_space<hbm>> -> memref<512x50xi32, #tpu.memory_space<hbm>>
      tpu.enqueue_dma source(%dma_start3A_426 : memref<512x50xi32, #tpu.memory_space<hbm>>) target(%arg5 : memref<512x50xi32, #tpu.memory_space<vmem>>) target_semaphore(%run_scoped3A : memref<!tpu.dma_semaphore, #tpu.memory_space<semaphore_mem>>)
      %dma_wait3A = arith.constant 0 : i32
      %dma_wait3A_427 = tpu.memref_slice %arg2[%mul3A_2, %dma_wait3A] : memref<16384x50xi32, #tpu.memory_space<hbm>> -> memref<512x50xi32, #tpu.memory_space<hbm>>
      %dma_wait3A_428 = arith.constant 0 : i32
      %dma_wait3A_429 = tpu.memref_slice %arg2[%mul3A_2, %dma_wait3A_428] : memref<16384x50xi32, #tpu.memory_space<hbm>> -> memref<512x50xi32, #tpu.memory_space<hbm>>
      tpu.wait_dma2 semaphore(%run_scoped3A : memref<!tpu.dma_semaphore, #tpu.memory_space<semaphore_mem>>) src(%dma_wait3A_429 : memref<512x50xi32, #tpu.memory_space<hbm>>) dst(%arg5 : memref<512x50xi32, #tpu.memory_space<vmem>>)
      tpu.yield
    }) : () -> ()
    %dma_start3A = arith.constant 0 : i32
    %dma_start3A_3 = arith.constant 0 : i32
    %dma_start3A_4 = arith.constant 0 : i32
    %dma_start3A_5 = arith.constant 0 : i32
    %dma_start3A_6 = arith.constant 0 : i32
    %dma_start3A_7 = tpu.memref_slice %arg6[%dma_start3A_3, %dma_start3A_4, %dma_start3A_5, %dma_start3A_6] : memref<2x32x50x32xf32, #tpu.memory_space<vmem>> -> memref<1x1x50x32xf32, #tpu.memory_space<vmem>>
    %dma_start3A_8 = tpu.memref_squeeze %dma_start3A_7 : memref<1x1x50x32xf32, #tpu.memory_space<vmem>> -> memref<50x32xf32, #tpu.memory_space<vmem>>
    %dma_start3A_9 = arith.constant 0 : i32
    %dma_start3A_10 = tpu.memref_slice %arg5[%dma_start3A, %dma_start3A_9] : memref<512x50xi32, #tpu.memory_space<vmem>> -> memref<1x50xi32, #tpu.memory_space<vmem>>
    %dma_start3A_11 = tpu.memref_squeeze %dma_start3A_10 : memref<1x50xi32, #tpu.memory_space<vmem>> -> memref<50xi32, #tpu.memory_space<vmem>>
    %dma_start3A_12 = arith.constant 0 : i32
    %dma_start3A_13 = arith.constant 0 : i32
    %dma_start3A_14 = tpu.memref_slice %arg3[%dma_start3A_12, %dma_start3A_13] : memref<1000000x32xf32, #tpu.memory_space<hbm>> -> memref<1000000x32xf32, #tpu.memory_space<hbm>>
    tpu.enqueue_indirect_dma source(%dma_start3A_14 : memref<1000000x32xf32, #tpu.memory_space<hbm>>) target(%dma_start3A_8 : memref<50x32xf32, #tpu.memory_space<vmem>>) offsets(%dma_start3A_11 : memref<50xi32, #tpu.memory_space<vmem>>) semaphore(%arg7 : memref<!tpu.dma_semaphore, #tpu.memory_space<semaphore_mem>>)
    %dma_start3A_15 = arith.constant 1 : i32
    %dma_start3A_16 = arith.constant 0 : i32
    %dma_start3A_17 = arith.constant 1 : i32
    %dma_start3A_18 = arith.constant 0 : i32
    %dma_start3A_19 = arith.constant 0 : i32
    %dma_start3A_20 = tpu.memref_slice %arg6[%dma_start3A_16, %dma_start3A_17, %dma_start3A_18, %dma_start3A_19] : memref<2x32x50x32xf32, #tpu.memory_space<vmem>> -> memref<1x1x50x32xf32, #tpu.memory_space<vmem>>
    %dma_start3A_21 = tpu.memref_squeeze %dma_start3A_20 : memref<1x1x50x32xf32, #tpu.memory_space<vmem>> -> memref<50x32xf32, #tpu.memory_space<vmem>>
    %dma_start3A_22 = arith.constant 0 : i32
    %dma_start3A_23 = tpu.memref_slice %arg5[%dma_start3A_15, %dma_start3A_22] : memref<512x50xi32, #tpu.memory_space<vmem>> -> memref<1x50xi32, #tpu.memory_space<vmem>>
    %dma_start3A_24 = tpu.memref_squeeze %dma_start3A_23 : memref<1x50xi32, #tpu.memory_space<vmem>> -> memref<50xi32, #tpu.memory_space<vmem>>
    %dma_start3A_25 = arith.constant 0 : i32
    %dma_start3A_26 = arith.constant 0 : i32
    %dma_start3A_27 = tpu.memref_slice %arg3[%dma_start3A_25, %dma_start3A_26] : memref<1000000x32xf32, #tpu.memory_space<hbm>> -> memref<1000000x32xf32, #tpu.memory_space<hbm>>
    tpu.enqueue_indirect_dma source(%dma_start3A_27 : memref<1000000x32xf32, #tpu.memory_space<hbm>>) target(%dma_start3A_21 : memref<50x32xf32, #tpu.memory_space<vmem>>) offsets(%dma_start3A_24 : memref<50xi32, #tpu.memory_space<vmem>>) semaphore(%arg7 : memref<!tpu.dma_semaphore, #tpu.memory_space<semaphore_mem>>)
    %dma_start3A_28 = arith.constant 2 : i32
    %dma_start3A_29 = arith.constant 0 : i32
    %dma_start3A_30 = arith.constant 2 : i32
    %dma_start3A_31 = arith.constant 0 : i32
    %dma_start3A_32 = arith.constant 0 : i32
    %dma_start3A_33 = tpu.memref_slice %arg6[%dma_start3A_29, %dma_start3A_30, %dma_start3A_31, %dma_start3A_32] : memref<2x32x50x32xf32, #tpu.memory_space<vmem>> -> memref<1x1x50x32xf32, #tpu.memory_space<vmem>>
    %dma_start3A_34 = tpu.memref_squeeze %dma_start3A_33 : memref<1x1x50x32xf32, #tpu.memory_space<vmem>> -> memref<50x32xf32, #tpu.memory_space<vmem>>
    %dma_start3A_35 = arith.constant 0 : i32
    %dma_start3A_36 = tpu.memref_slice %arg5[%dma_start3A_28, %dma_start3A_35] : memref<512x50xi32, #tpu.memory_space<vmem>> -> memref<1x50xi32, #tpu.memory_space<vmem>>
    %dma_start3A_37 = tpu.memref_squeeze %dma_start3A_36 : memref<1x50xi32, #tpu.memory_space<vmem>> -> memref<50xi32, #tpu.memory_space<vmem>>
    %dma_start3A_38 = arith.constant 0 : i32
    %dma_start3A_39 = arith.constant 0 : i32
    %dma_start3A_40 = tpu.memref_slice %arg3[%dma_start3A_38, %dma_start3A_39] : memref<1000000x32xf32, #tpu.memory_space<hbm>> -> memref<1000000x32xf32, #tpu.memory_space<hbm>>
    tpu.enqueue_indirect_dma source(%dma_start3A_40 : memref<1000000x32xf32, #tpu.memory_space<hbm>>) target(%dma_start3A_34 : memref<50x32xf32, #tpu.memory_space<vmem>>) offsets(%dma_start3A_37 : memref<50xi32, #tpu.memory_space<vmem>>) semaphore(%arg7 : memref<!tpu.dma_semaphore, #tpu.memory_space<semaphore_mem>>)
    %dma_start3A_41 = arith.constant 3 : i32
    %dma_start3A_42 = arith.constant 0 : i32
    %dma_start3A_43 = arith.constant 3 : i32
    %dma_start3A_44 = arith.constant 0 : i32
    %dma_start3A_45 = arith.constant 0 : i32
    %dma_start3A_46 = tpu.memref_slice %arg6[%dma_start3A_42, %dma_start3A_43, %dma_start3A_44, %dma_start3A_45] : memref<2x32x50x32xf32, #tpu.memory_space<vmem>> -> memref<1x1x50x32xf32, #tpu.memory_space<vmem>>
    %dma_start3A_47 = tpu.memref_squeeze %dma_start3A_46 : memref<1x1x50x32xf32, #tpu.memory_space<vmem>> -> memref<50x32xf32, #tpu.memory_space<vmem>>
    %dma_start3A_48 = arith.constant 0 : i32
    %dma_start3A_49 = tpu.memref_slice %arg5[%dma_start3A_41, %dma_start3A_48] : memref<512x50xi32, #tpu.memory_space<vmem>> -> memref<1x50xi32, #tpu.memory_space<vmem>>
    %dma_start3A_50 = tpu.memref_squeeze %dma_start3A_49 : memref<1x50xi32, #tpu.memory_space<vmem>> -> memref<50xi32, #tpu.memory_space<vmem>>
    %dma_start3A_51 = arith.constant 0 : i32
    %dma_start3A_52 = arith.constant 0 : i32
    %dma_start3A_53 = tpu.memref_slice %arg3[%dma_start3A_51, %dma_start3A_52] : memref<1000000x32xf32, #tpu.memory_space<hbm>> -> memref<1000000x32xf32, #tpu.memory_space<hbm>>
    tpu.enqueue_indirect_dma source(%dma_start3A_53 : memref<1000000x32xf32, #tpu.memory_space<hbm>>) target(%dma_start3A_47 : memref<50x32xf32, #tpu.memory_space<vmem>>) offsets(%dma_start3A_50 : memref<50xi32, #tpu.memory_space<vmem>>) semaphore(%arg7 : memref<!tpu.dma_semaphore, #tpu.memory_space<semaphore_mem>>)
    %dma_start3A_54 = arith.constant 4 : i32
    %dma_start3A_55 = arith.constant 0 : i32
    %dma_start3A_56 = arith.constant 4 : i32
    %dma_start3A_57 = arith.constant 0 : i32
    %dma_start3A_58 = arith.constant 0 : i32
    %dma_start3A_59 = tpu.memref_slice %arg6[%dma_start3A_55, %dma_start3A_56, %dma_start3A_57, %dma_start3A_58] : memref<2x32x50x32xf32, #tpu.memory_space<vmem>> -> memref<1x1x50x32xf32, #tpu.memory_space<vmem>>
    %dma_start3A_60 = tpu.memref_squeeze %dma_start3A_59 : memref<1x1x50x32xf32, #tpu.memory_space<vmem>> -> memref<50x32xf32, #tpu.memory_space<vmem>>
    %dma_start3A_61 = arith.constant 0 : i32
    %dma_start3A_62 = tpu.memref_slice %arg5[%dma_start3A_54, %dma_start3A_61] : memref<512x50xi32, #tpu.memory_space<vmem>> -> memref<1x50xi32, #tpu.memory_space<vmem>>
    %dma_start3A_63 = tpu.memref_squeeze %dma_start3A_62 : memref<1x50xi32, #tpu.memory_space<vmem>> -> memref<50xi32, #tpu.memory_space<vmem>>
    %dma_start3A_64 = arith.constant 0 : i32
    %dma_start3A_65 = arith.constant 0 : i32
    %dma_start3A_66 = tpu.memref_slice %arg3[%dma_start3A_64, %dma_start3A_65] : memref<1000000x32xf32, #tpu.memory_space<hbm>> -> memref<1000000x32xf32, #tpu.memory_space<hbm>>
    tpu.enqueue_indirect_dma source(%dma_start3A_66 : memref<1000000x32xf32, #tpu.memory_space<hbm>>) target(%dma_start3A_60 : memref<50x32xf32, #tpu.memory_space<vmem>>) offsets(%dma_start3A_63 : memref<50xi32, #tpu.memory_space<vmem>>) semaphore(%arg7 : memref<!tpu.dma_semaphore, #tpu.memory_space<semaphore_mem>>)
    %dma_start3A_67 = arith.constant 5 : i32
    %dma_start3A_68 = arith.constant 0 : i32
    %dma_start3A_69 = arith.constant 5 : i32
    %dma_start3A_70 = arith.constant 0 : i32
    %dma_start3A_71 = arith.constant 0 : i32
    %dma_start3A_72 = tpu.memref_slice %arg6[%dma_start3A_68, %dma_start3A_69, %dma_start3A_70, %dma_start3A_71] : memref<2x32x50x32xf32, #tpu.memory_space<vmem>> -> memref<1x1x50x32xf32, #tpu.memory_space<vmem>>
    %dma_start3A_73 = tpu.memref_squeeze %dma_start3A_72 : memref<1x1x50x32xf32, #tpu.memory_space<vmem>> -> memref<50x32xf32, #tpu.memory_space<vmem>>
    %dma_start3A_74 = arith.constant 0 : i32
    %dma_start3A_75 = tpu.memref_slice %arg5[%dma_start3A_67, %dma_start3A_74] : memref<512x50xi32, #tpu.memory_space<vmem>> -> memref<1x50xi32, #tpu.memory_space<vmem>>
    %dma_start3A_76 = tpu.memref_squeeze %dma_start3A_75 : memref<1x50xi32, #tpu.memory_space<vmem>> -> memref<50xi32, #tpu.memory_space<vmem>>
    %dma_start3A_77 = arith.constant 0 : i32
    %dma_start3A_78 = arith.constant 0 : i32
    %dma_start3A_79 = tpu.memref_slice %arg3[%dma_start3A_77, %dma_start3A_78] : memref<1000000x32xf32, #tpu.memory_space<hbm>> -> memref<1000000x32xf32, #tpu.memory_space<hbm>>
    tpu.enqueue_indirect_dma source(%dma_start3A_79 : memref<1000000x32xf32, #tpu.memory_space<hbm>>) target(%dma_start3A_73 : memref<50x32xf32, #tpu.memory_space<vmem>>) offsets(%dma_start3A_76 : memref<50xi32, #tpu.memory_space<vmem>>) semaphore(%arg7 : memref<!tpu.dma_semaphore, #tpu.memory_space<semaphore_mem>>)
    %dma_start3A_80 = arith.constant 6 : i32
    %dma_start3A_81 = arith.constant 0 : i32
    %dma_start3A_82 = arith.constant 6 : i32
    %dma_start3A_83 = arith.constant 0 : i32
    %dma_start3A_84 = arith.constant 0 : i32
    %dma_start3A_85 = tpu.memref_slice %arg6[%dma_start3A_81, %dma_start3A_82, %dma_start3A_83, %dma_start3A_84] : memref<2x32x50x32xf32, #tpu.memory_space<vmem>> -> memref<1x1x50x32xf32, #tpu.memory_space<vmem>>
    %dma_start3A_86 = tpu.memref_squeeze %dma_start3A_85 : memref<1x1x50x32xf32, #tpu.memory_space<vmem>> -> memref<50x32xf32, #tpu.memory_space<vmem>>
    %dma_start3A_87 = arith.constant 0 : i32
    %dma_start3A_88 = tpu.memref_slice %arg5[%dma_start3A_80, %dma_start3A_87] : memref<512x50xi32, #tpu.memory_space<vmem>> -> memref<1x50xi32, #tpu.memory_space<vmem>>
    %dma_start3A_89 = tpu.memref_squeeze %dma_start3A_88 : memref<1x50xi32, #tpu.memory_space<vmem>> -> memref<50xi32, #tpu.memory_space<vmem>>
    %dma_start3A_90 = arith.constant 0 : i32
    %dma_start3A_91 = arith.constant 0 : i32
    %dma_start3A_92 = tpu.memref_slice %arg3[%dma_start3A_90, %dma_start3A_91] : memref<1000000x32xf32, #tpu.memory_space<hbm>> -> memref<1000000x32xf32, #tpu.memory_space<hbm>>
    tpu.enqueue_indirect_dma source(%dma_start3A_92 : memref<1000000x32xf32, #tpu.memory_space<hbm>>) target(%dma_start3A_86 : memref<50x32xf32, #tpu.memory_space<vmem>>) offsets(%dma_start3A_89 : memref<50xi32, #tpu.memory_space<vmem>>) semaphore(%arg7 : memref<!tpu.dma_semaphore, #tpu.memory_space<semaphore_mem>>)
    %dma_start3A_93 = arith.constant 7 : i32
    %dma_start3A_94 = arith.constant 0 : i32
    %dma_start3A_95 = arith.constant 7 : i32
    %dma_start3A_96 = arith.constant 0 : i32
    %dma_start3A_97 = arith.constant 0 : i32
    %dma_start3A_98 = tpu.memref_slice %arg6[%dma_start3A_94, %dma_start3A_95, %dma_start3A_96, %dma_start3A_97] : memref<2x32x50x32xf32, #tpu.memory_space<vmem>> -> memref<1x1x50x32xf32, #tpu.memory_space<vmem>>
    %dma_start3A_99 = tpu.memref_squeeze %dma_start3A_98 : memref<1x1x50x32xf32, #tpu.memory_space<vmem>> -> memref<50x32xf32, #tpu.memory_space<vmem>>
    %dma_start3A_100 = arith.constant 0 : i32
    %dma_start3A_101 = tpu.memref_slice %arg5[%dma_start3A_93, %dma_start3A_100] : memref<512x50xi32, #tpu.memory_space<vmem>> -> memref<1x50xi32, #tpu.memory_space<vmem>>
    %dma_start3A_102 = tpu.memref_squeeze %dma_start3A_101 : memref<1x50xi32, #tpu.memory_space<vmem>> -> memref<50xi32, #tpu.memory_space<vmem>>
    %dma_start3A_103 = arith.constant 0 : i32
    %dma_start3A_104 = arith.constant 0 : i32
    %dma_start3A_105 = tpu.memref_slice %arg3[%dma_start3A_103, %dma_start3A_104] : memref<1000000x32xf32, #tpu.memory_space<hbm>> -> memref<1000000x32xf32, #tpu.memory_space<hbm>>
    tpu.enqueue_indirect_dma source(%dma_start3A_105 : memref<1000000x32xf32, #tpu.memory_space<hbm>>) target(%dma_start3A_99 : memref<50x32xf32, #tpu.memory_space<vmem>>) offsets(%dma_start3A_102 : memref<50xi32, #tpu.memory_space<vmem>>) semaphore(%arg7 : memref<!tpu.dma_semaphore, #tpu.memory_space<semaphore_mem>>)
    %dma_start3A_106 = arith.constant 8 : i32
    %dma_start3A_107 = arith.constant 0 : i32
    %dma_start3A_108 = arith.constant 8 : i32
    %dma_start3A_109 = arith.constant 0 : i32
    %dma_start3A_110 = arith.constant 0 : i32
    %dma_start3A_111 = tpu.memref_slice %arg6[%dma_start3A_107, %dma_start3A_108, %dma_start3A_109, %dma_start3A_110] : memref<2x32x50x32xf32, #tpu.memory_space<vmem>> -> memref<1x1x50x32xf32, #tpu.memory_space<vmem>>
    %dma_start3A_112 = tpu.memref_squeeze %dma_start3A_111 : memref<1x1x50x32xf32, #tpu.memory_space<vmem>> -> memref<50x32xf32, #tpu.memory_space<vmem>>
    %dma_start3A_113 = arith.constant 0 : i32
    %dma_start3A_114 = tpu.memref_slice %arg5[%dma_start3A_106, %dma_start3A_113] : memref<512x50xi32, #tpu.memory_space<vmem>> -> memref<1x50xi32, #tpu.memory_space<vmem>>
    %dma_start3A_115 = tpu.memref_squeeze %dma_start3A_114 : memref<1x50xi32, #tpu.memory_space<vmem>> -> memref<50xi32, #tpu.memory_space<vmem>>
    %dma_start3A_116 = arith.constant 0 : i32
    %dma_start3A_117 = arith.constant 0 : i32
    %dma_start3A_118 = tpu.memref_slice %arg3[%dma_start3A_116, %dma_start3A_117] : memref<1000000x32xf32, #tpu.memory_space<hbm>> -> memref<1000000x32xf32, #tpu.memory_space<hbm>>
    tpu.enqueue_indirect_dma source(%dma_start3A_118 : memref<1000000x32xf32, #tpu.memory_space<hbm>>) target(%dma_start3A_112 : memref<50x32xf32, #tpu.memory_space<vmem>>) offsets(%dma_start3A_115 : memref<50xi32, #tpu.memory_space<vmem>>) semaphore(%arg7 : memref<!tpu.dma_semaphore, #tpu.memory_space<semaphore_mem>>)
    %dma_start3A_119 = arith.constant 9 : i32
    %dma_start3A_120 = arith.constant 0 : i32
    %dma_start3A_121 = arith.constant 9 : i32
    %dma_start3A_122 = arith.constant 0 : i32
    %dma_start3A_123 = arith.constant 0 : i32
    %dma_start3A_124 = tpu.memref_slice %arg6[%dma_start3A_120, %dma_start3A_121, %dma_start3A_122, %dma_start3A_123] : memref<2x32x50x32xf32, #tpu.memory_space<vmem>> -> memref<1x1x50x32xf32, #tpu.memory_space<vmem>>
    %dma_start3A_125 = tpu.memref_squeeze %dma_start3A_124 : memref<1x1x50x32xf32, #tpu.memory_space<vmem>> -> memref<50x32xf32, #tpu.memory_space<vmem>>
    %dma_start3A_126 = arith.constant 0 : i32
    %dma_start3A_127 = tpu.memref_slice %arg5[%dma_start3A_119, %dma_start3A_126] : memref<512x50xi32, #tpu.memory_space<vmem>> -> memref<1x50xi32, #tpu.memory_space<vmem>>
    %dma_start3A_128 = tpu.memref_squeeze %dma_start3A_127 : memref<1x50xi32, #tpu.memory_space<vmem>> -> memref<50xi32, #tpu.memory_space<vmem>>
    %dma_start3A_129 = arith.constant 0 : i32
    %dma_start3A_130 = arith.constant 0 : i32
    %dma_start3A_131 = tpu.memref_slice %arg3[%dma_start3A_129, %dma_start3A_130] : memref<1000000x32xf32, #tpu.memory_space<hbm>> -> memref<1000000x32xf32, #tpu.memory_space<hbm>>
    tpu.enqueue_indirect_dma source(%dma_start3A_131 : memref<1000000x32xf32, #tpu.memory_space<hbm>>) target(%dma_start3A_125 : memref<50x32xf32, #tpu.memory_space<vmem>>) offsets(%dma_start3A_128 : memref<50xi32, #tpu.memory_space<vmem>>) semaphore(%arg7 : memref<!tpu.dma_semaphore, #tpu.memory_space<semaphore_mem>>)
    %dma_start3A_132 = arith.constant 10 : i32
    %dma_start3A_133 = arith.constant 0 : i32
    %dma_start3A_134 = arith.constant 10 : i32
    %dma_start3A_135 = arith.constant 0 : i32
    %dma_start3A_136 = arith.constant 0 : i32
    %dma_start3A_137 = tpu.memref_slice %arg6[%dma_start3A_133, %dma_start3A_134, %dma_start3A_135, %dma_start3A_136] : memref<2x32x50x32xf32, #tpu.memory_space<vmem>> -> memref<1x1x50x32xf32, #tpu.memory_space<vmem>>
    %dma_start3A_138 = tpu.memref_squeeze %dma_start3A_137 : memref<1x1x50x32xf32, #tpu.memory_space<vmem>> -> memref<50x32xf32, #tpu.memory_space<vmem>>
    %dma_start3A_139 = arith.constant 0 : i32
    %dma_start3A_140 = tpu.memref_slice %arg5[%dma_start3A_132, %dma_start3A_139] : memref<512x50xi32, #tpu.memory_space<vmem>> -> memref<1x50xi32, #tpu.memory_space<vmem>>
    %dma_start3A_141 = tpu.memref_squeeze %dma_start3A_140 : memref<1x50xi32, #tpu.memory_space<vmem>> -> memref<50xi32, #tpu.memory_space<vmem>>
    %dma_start3A_142 = arith.constant 0 : i32
    %dma_start3A_143 = arith.constant 0 : i32
    %dma_start3A_144 = tpu.memref_slice %arg3[%dma_start3A_142, %dma_start3A_143] : memref<1000000x32xf32, #tpu.memory_space<hbm>> -> memref<1000000x32xf32, #tpu.memory_space<hbm>>
    tpu.enqueue_indirect_dma source(%dma_start3A_144 : memref<1000000x32xf32, #tpu.memory_space<hbm>>) target(%dma_start3A_138 : memref<50x32xf32, #tpu.memory_space<vmem>>) offsets(%dma_start3A_141 : memref<50xi32, #tpu.memory_space<vmem>>) semaphore(%arg7 : memref<!tpu.dma_semaphore, #tpu.memory_space<semaphore_mem>>)
    %dma_start3A_145 = arith.constant 11 : i32
    %dma_start3A_146 = arith.constant 0 : i32
    %dma_start3A_147 = arith.constant 11 : i32
    %dma_start3A_148 = arith.constant 0 : i32
    %dma_start3A_149 = arith.constant 0 : i32
    %dma_start3A_150 = tpu.memref_slice %arg6[%dma_start3A_146, %dma_start3A_147, %dma_start3A_148, %dma_start3A_149] : memref<2x32x50x32xf32, #tpu.memory_space<vmem>> -> memref<1x1x50x32xf32, #tpu.memory_space<vmem>>
    %dma_start3A_151 = tpu.memref_squeeze %dma_start3A_150 : memref<1x1x50x32xf32, #tpu.memory_space<vmem>> -> memref<50x32xf32, #tpu.memory_space<vmem>>
    %dma_start3A_152 = arith.constant 0 : i32
    %dma_start3A_153 = tpu.memref_slice %arg5[%dma_start3A_145, %dma_start3A_152] : memref<512x50xi32, #tpu.memory_space<vmem>> -> memref<1x50xi32, #tpu.memory_space<vmem>>
    %dma_start3A_154 = tpu.memref_squeeze %dma_start3A_153 : memref<1x50xi32, #tpu.memory_space<vmem>> -> memref<50xi32, #tpu.memory_space<vmem>>
    %dma_start3A_155 = arith.constant 0 : i32
    %dma_start3A_156 = arith.constant 0 : i32
    %dma_start3A_157 = tpu.memref_slice %arg3[%dma_start3A_155, %dma_start3A_156] : memref<1000000x32xf32, #tpu.memory_space<hbm>> -> memref<1000000x32xf32, #tpu.memory_space<hbm>>
    tpu.enqueue_indirect_dma source(%dma_start3A_157 : memref<1000000x32xf32, #tpu.memory_space<hbm>>) target(%dma_start3A_151 : memref<50x32xf32, #tpu.memory_space<vmem>>) offsets(%dma_start3A_154 : memref<50xi32, #tpu.memory_space<vmem>>) semaphore(%arg7 : memref<!tpu.dma_semaphore, #tpu.memory_space<semaphore_mem>>)
    %dma_start3A_158 = arith.constant 12 : i32
    %dma_start3A_159 = arith.constant 0 : i32
    %dma_start3A_160 = arith.constant 12 : i32
    %dma_start3A_161 = arith.constant 0 : i32
    %dma_start3A_162 = arith.constant 0 : i32
    %dma_start3A_163 = tpu.memref_slice %arg6[%dma_start3A_159, %dma_start3A_160, %dma_start3A_161, %dma_start3A_162] : memref<2x32x50x32xf32, #tpu.memory_space<vmem>> -> memref<1x1x50x32xf32, #tpu.memory_space<vmem>>
    %dma_start3A_164 = tpu.memref_squeeze %dma_start3A_163 : memref<1x1x50x32xf32, #tpu.memory_space<vmem>> -> memref<50x32xf32, #tpu.memory_space<vmem>>
    %dma_start3A_165 = arith.constant 0 : i32
    %dma_start3A_166 = tpu.memref_slice %arg5[%dma_start3A_158, %dma_start3A_165] : memref<512x50xi32, #tpu.memory_space<vmem>> -> memref<1x50xi32, #tpu.memory_space<vmem>>
    %dma_start3A_167 = tpu.memref_squeeze %dma_start3A_166 : memref<1x50xi32, #tpu.memory_space<vmem>> -> memref<50xi32, #tpu.memory_space<vmem>>
    %dma_start3A_168 = arith.constant 0 : i32
    %dma_start3A_169 = arith.constant 0 : i32
    %dma_start3A_170 = tpu.memref_slice %arg3[%dma_start3A_168, %dma_start3A_169] : memref<1000000x32xf32, #tpu.memory_space<hbm>> -> memref<1000000x32xf32, #tpu.memory_space<hbm>>
    tpu.enqueue_indirect_dma source(%dma_start3A_170 : memref<1000000x32xf32, #tpu.memory_space<hbm>>) target(%dma_start3A_164 : memref<50x32xf32, #tpu.memory_space<vmem>>) offsets(%dma_start3A_167 : memref<50xi32, #tpu.memory_space<vmem>>) semaphore(%arg7 : memref<!tpu.dma_semaphore, #tpu.memory_space<semaphore_mem>>)
    %dma_start3A_171 = arith.constant 13 : i32
    %dma_start3A_172 = arith.constant 0 : i32
    %dma_start3A_173 = arith.constant 13 : i32
    %dma_start3A_174 = arith.constant 0 : i32
    %dma_start3A_175 = arith.constant 0 : i32
    %dma_start3A_176 = tpu.memref_slice %arg6[%dma_start3A_172, %dma_start3A_173, %dma_start3A_174, %dma_start3A_175] : memref<2x32x50x32xf32, #tpu.memory_space<vmem>> -> memref<1x1x50x32xf32, #tpu.memory_space<vmem>>
    %dma_start3A_177 = tpu.memref_squeeze %dma_start3A_176 : memref<1x1x50x32xf32, #tpu.memory_space<vmem>> -> memref<50x32xf32, #tpu.memory_space<vmem>>
    %dma_start3A_178 = arith.constant 0 : i32
    %dma_start3A_179 = tpu.memref_slice %arg5[%dma_start3A_171, %dma_start3A_178] : memref<512x50xi32, #tpu.memory_space<vmem>> -> memref<1x50xi32, #tpu.memory_space<vmem>>
    %dma_start3A_180 = tpu.memref_squeeze %dma_start3A_179 : memref<1x50xi32, #tpu.memory_space<vmem>> -> memref<50xi32, #tpu.memory_space<vmem>>
    %dma_start3A_181 = arith.constant 0 : i32
    %dma_start3A_182 = arith.constant 0 : i32
    %dma_start3A_183 = tpu.memref_slice %arg3[%dma_start3A_181, %dma_start3A_182] : memref<1000000x32xf32, #tpu.memory_space<hbm>> -> memref<1000000x32xf32, #tpu.memory_space<hbm>>
    tpu.enqueue_indirect_dma source(%dma_start3A_183 : memref<1000000x32xf32, #tpu.memory_space<hbm>>) target(%dma_start3A_177 : memref<50x32xf32, #tpu.memory_space<vmem>>) offsets(%dma_start3A_180 : memref<50xi32, #tpu.memory_space<vmem>>) semaphore(%arg7 : memref<!tpu.dma_semaphore, #tpu.memory_space<semaphore_mem>>)
    %dma_start3A_184 = arith.constant 14 : i32
    %dma_start3A_185 = arith.constant 0 : i32
    %dma_start3A_186 = arith.constant 14 : i32
    %dma_start3A_187 = arith.constant 0 : i32
    %dma_start3A_188 = arith.constant 0 : i32
    %dma_start3A_189 = tpu.memref_slice %arg6[%dma_start3A_185, %dma_start3A_186, %dma_start3A_187, %dma_start3A_188] : memref<2x32x50x32xf32, #tpu.memory_space<vmem>> -> memref<1x1x50x32xf32, #tpu.memory_space<vmem>>
    %dma_start3A_190 = tpu.memref_squeeze %dma_start3A_189 : memref<1x1x50x32xf32, #tpu.memory_space<vmem>> -> memref<50x32xf32, #tpu.memory_space<vmem>>
    %dma_start3A_191 = arith.constant 0 : i32
    %dma_start3A_192 = tpu.memref_slice %arg5[%dma_start3A_184, %dma_start3A_191] : memref<512x50xi32, #tpu.memory_space<vmem>> -> memref<1x50xi32, #tpu.memory_space<vmem>>
    %dma_start3A_193 = tpu.memref_squeeze %dma_start3A_192 : memref<1x50xi32, #tpu.memory_space<vmem>> -> memref<50xi32, #tpu.memory_space<vmem>>
    %dma_start3A_194 = arith.constant 0 : i32
    %dma_start3A_195 = arith.constant 0 : i32
    %dma_start3A_196 = tpu.memref_slice %arg3[%dma_start3A_194, %dma_start3A_195] : memref<1000000x32xf32, #tpu.memory_space<hbm>> -> memref<1000000x32xf32, #tpu.memory_space<hbm>>
    tpu.enqueue_indirect_dma source(%dma_start3A_196 : memref<1000000x32xf32, #tpu.memory_space<hbm>>) target(%dma_start3A_190 : memref<50x32xf32, #tpu.memory_space<vmem>>) offsets(%dma_start3A_193 : memref<50xi32, #tpu.memory_space<vmem>>) semaphore(%arg7 : memref<!tpu.dma_semaphore, #tpu.memory_space<semaphore_mem>>)
    %dma_start3A_197 = arith.constant 15 : i32
    %dma_start3A_198 = arith.constant 0 : i32
    %dma_start3A_199 = arith.constant 15 : i32
    %dma_start3A_200 = arith.constant 0 : i32
    %dma_start3A_201 = arith.constant 0 : i32
    %dma_start3A_202 = tpu.memref_slice %arg6[%dma_start3A_198, %dma_start3A_199, %dma_start3A_200, %dma_start3A_201] : memref<2x32x50x32xf32, #tpu.memory_space<vmem>> -> memref<1x1x50x32xf32, #tpu.memory_space<vmem>>
    %dma_start3A_203 = tpu.memref_squeeze %dma_start3A_202 : memref<1x1x50x32xf32, #tpu.memory_space<vmem>> -> memref<50x32xf32, #tpu.memory_space<vmem>>
    %dma_start3A_204 = arith.constant 0 : i32
    %dma_start3A_205 = tpu.memref_slice %arg5[%dma_start3A_197, %dma_start3A_204] : memref<512x50xi32, #tpu.memory_space<vmem>> -> memref<1x50xi32, #tpu.memory_space<vmem>>
    %dma_start3A_206 = tpu.memref_squeeze %dma_start3A_205 : memref<1x50xi32, #tpu.memory_space<vmem>> -> memref<50xi32, #tpu.memory_space<vmem>>
    %dma_start3A_207 = arith.constant 0 : i32
    %dma_start3A_208 = arith.constant 0 : i32
    %dma_start3A_209 = tpu.memref_slice %arg3[%dma_start3A_207, %dma_start3A_208] : memref<1000000x32xf32, #tpu.memory_space<hbm>> -> memref<1000000x32xf32, #tpu.memory_space<hbm>>
    tpu.enqueue_indirect_dma source(%dma_start3A_209 : memref<1000000x32xf32, #tpu.memory_space<hbm>>) target(%dma_start3A_203 : memref<50x32xf32, #tpu.memory_space<vmem>>) offsets(%dma_start3A_206 : memref<50xi32, #tpu.memory_space<vmem>>) semaphore(%arg7 : memref<!tpu.dma_semaphore, #tpu.memory_space<semaphore_mem>>)
    %dma_start3A_210 = arith.constant 16 : i32
    %dma_start3A_211 = arith.constant 0 : i32
    %dma_start3A_212 = arith.constant 16 : i32
    %dma_start3A_213 = arith.constant 0 : i32
    %dma_start3A_214 = arith.constant 0 : i32
    %dma_start3A_215 = tpu.memref_slice %arg6[%dma_start3A_211, %dma_start3A_212, %dma_start3A_213, %dma_start3A_214] : memref<2x32x50x32xf32, #tpu.memory_space<vmem>> -> memref<1x1x50x32xf32, #tpu.memory_space<vmem>>
    %dma_start3A_216 = tpu.memref_squeeze %dma_start3A_215 : memref<1x1x50x32xf32, #tpu.memory_space<vmem>> -> memref<50x32xf32, #tpu.memory_space<vmem>>
    %dma_start3A_217 = arith.constant 0 : i32
    %dma_start3A_218 = tpu.memref_slice %arg5[%dma_start3A_210, %dma_start3A_217] : memref<512x50xi32, #tpu.memory_space<vmem>> -> memref<1x50xi32, #tpu.memory_space<vmem>>
    %dma_start3A_219 = tpu.memref_squeeze %dma_start3A_218 : memref<1x50xi32, #tpu.memory_space<vmem>> -> memref<50xi32, #tpu.memory_space<vmem>>
    %dma_start3A_220 = arith.constant 0 : i32
    %dma_start3A_221 = arith.constant 0 : i32
    %dma_start3A_222 = tpu.memref_slice %arg3[%dma_start3A_220, %dma_start3A_221] : memref<1000000x32xf32, #tpu.memory_space<hbm>> -> memref<1000000x32xf32, #tpu.memory_space<hbm>>
    tpu.enqueue_indirect_dma source(%dma_start3A_222 : memref<1000000x32xf32, #tpu.memory_space<hbm>>) target(%dma_start3A_216 : memref<50x32xf32, #tpu.memory_space<vmem>>) offsets(%dma_start3A_219 : memref<50xi32, #tpu.memory_space<vmem>>) semaphore(%arg7 : memref<!tpu.dma_semaphore, #tpu.memory_space<semaphore_mem>>)
    %dma_start3A_223 = arith.constant 17 : i32
    %dma_start3A_224 = arith.constant 0 : i32
    %dma_start3A_225 = arith.constant 17 : i32
    %dma_start3A_226 = arith.constant 0 : i32
    %dma_start3A_227 = arith.constant 0 : i32
    %dma_start3A_228 = tpu.memref_slice %arg6[%dma_start3A_224, %dma_start3A_225, %dma_start3A_226, %dma_start3A_227] : memref<2x32x50x32xf32, #tpu.memory_space<vmem>> -> memref<1x1x50x32xf32, #tpu.memory_space<vmem>>
    %dma_start3A_229 = tpu.memref_squeeze %dma_start3A_228 : memref<1x1x50x32xf32, #tpu.memory_space<vmem>> -> memref<50x32xf32, #tpu.memory_space<vmem>>
    %dma_start3A_230 = arith.constant 0 : i32
    %dma_start3A_231 = tpu.memref_slice %arg5[%dma_start3A_223, %dma_start3A_230] : memref<512x50xi32, #tpu.memory_space<vmem>> -> memref<1x50xi32, #tpu.memory_space<vmem>>
    %dma_start3A_232 = tpu.memref_squeeze %dma_start3A_231 : memref<1x50xi32, #tpu.memory_space<vmem>> -> memref<50xi32, #tpu.memory_space<vmem>>
    %dma_start3A_233 = arith.constant 0 : i32
    %dma_start3A_234 = arith.constant 0 : i32
    %dma_start3A_235 = tpu.memref_slice %arg3[%dma_start3A_233, %dma_start3A_234] : memref<1000000x32xf32, #tpu.memory_space<hbm>> -> memref<1000000x32xf32, #tpu.memory_space<hbm>>
    tpu.enqueue_indirect_dma source(%dma_start3A_235 : memref<1000000x32xf32, #tpu.memory_space<hbm>>) target(%dma_start3A_229 : memref<50x32xf32, #tpu.memory_space<vmem>>) offsets(%dma_start3A_232 : memref<50xi32, #tpu.memory_space<vmem>>) semaphore(%arg7 : memref<!tpu.dma_semaphore, #tpu.memory_space<semaphore_mem>>)
    %dma_start3A_236 = arith.constant 18 : i32
    %dma_start3A_237 = arith.constant 0 : i32
    %dma_start3A_238 = arith.constant 18 : i32
    %dma_start3A_239 = arith.constant 0 : i32
    %dma_start3A_240 = arith.constant 0 : i32
    %dma_start3A_241 = tpu.memref_slice %arg6[%dma_start3A_237, %dma_start3A_238, %dma_start3A_239, %dma_start3A_240] : memref<2x32x50x32xf32, #tpu.memory_space<vmem>> -> memref<1x1x50x32xf32, #tpu.memory_space<vmem>>
    %dma_start3A_242 = tpu.memref_squeeze %dma_start3A_241 : memref<1x1x50x32xf32, #tpu.memory_space<vmem>> -> memref<50x32xf32, #tpu.memory_space<vmem>>
    %dma_start3A_243 = arith.constant 0 : i32
    %dma_start3A_244 = tpu.memref_slice %arg5[%dma_start3A_236, %dma_start3A_243] : memref<512x50xi32, #tpu.memory_space<vmem>> -> memref<1x50xi32, #tpu.memory_space<vmem>>
    %dma_start3A_245 = tpu.memref_squeeze %dma_start3A_244 : memref<1x50xi32, #tpu.memory_space<vmem>> -> memref<50xi32, #tpu.memory_space<vmem>>
    %dma_start3A_246 = arith.constant 0 : i32
    %dma_start3A_247 = arith.constant 0 : i32
    %dma_start3A_248 = tpu.memref_slice %arg3[%dma_start3A_246, %dma_start3A_247] : memref<1000000x32xf32, #tpu.memory_space<hbm>> -> memref<1000000x32xf32, #tpu.memory_space<hbm>>
    tpu.enqueue_indirect_dma source(%dma_start3A_248 : memref<1000000x32xf32, #tpu.memory_space<hbm>>) target(%dma_start3A_242 : memref<50x32xf32, #tpu.memory_space<vmem>>) offsets(%dma_start3A_245 : memref<50xi32, #tpu.memory_space<vmem>>) semaphore(%arg7 : memref<!tpu.dma_semaphore, #tpu.memory_space<semaphore_mem>>)
    %dma_start3A_249 = arith.constant 19 : i32
    %dma_start3A_250 = arith.constant 0 : i32
    %dma_start3A_251 = arith.constant 19 : i32
    %dma_start3A_252 = arith.constant 0 : i32
    %dma_start3A_253 = arith.constant 0 : i32
    %dma_start3A_254 = tpu.memref_slice %arg6[%dma_start3A_250, %dma_start3A_251, %dma_start3A_252, %dma_start3A_253] : memref<2x32x50x32xf32, #tpu.memory_space<vmem>> -> memref<1x1x50x32xf32, #tpu.memory_space<vmem>>
    %dma_start3A_255 = tpu.memref_squeeze %dma_start3A_254 : memref<1x1x50x32xf32, #tpu.memory_space<vmem>> -> memref<50x32xf32, #tpu.memory_space<vmem>>
    %dma_start3A_256 = arith.constant 0 : i32
    %dma_start3A_257 = tpu.memref_slice %arg5[%dma_start3A_249, %dma_start3A_256] : memref<512x50xi32, #tpu.memory_space<vmem>> -> memref<1x50xi32, #tpu.memory_space<vmem>>
    %dma_start3A_258 = tpu.memref_squeeze %dma_start3A_257 : memref<1x50xi32, #tpu.memory_space<vmem>> -> memref<50xi32, #tpu.memory_space<vmem>>
    %dma_start3A_259 = arith.constant 0 : i32
    %dma_start3A_260 = arith.constant 0 : i32
    %dma_start3A_261 = tpu.memref_slice %arg3[%dma_start3A_259, %dma_start3A_260] : memref<1000000x32xf32, #tpu.memory_space<hbm>> -> memref<1000000x32xf32, #tpu.memory_space<hbm>>
    tpu.enqueue_indirect_dma source(%dma_start3A_261 : memref<1000000x32xf32, #tpu.memory_space<hbm>>) target(%dma_start3A_255 : memref<50x32xf32, #tpu.memory_space<vmem>>) offsets(%dma_start3A_258 : memref<50xi32, #tpu.memory_space<vmem>>) semaphore(%arg7 : memref<!tpu.dma_semaphore, #tpu.memory_space<semaphore_mem>>)
    %dma_start3A_262 = arith.constant 20 : i32
    %dma_start3A_263 = arith.constant 0 : i32
    %dma_start3A_264 = arith.constant 20 : i32
    %dma_start3A_265 = arith.constant 0 : i32
    %dma_start3A_266 = arith.constant 0 : i32
    %dma_start3A_267 = tpu.memref_slice %arg6[%dma_start3A_263, %dma_start3A_264, %dma_start3A_265, %dma_start3A_266] : memref<2x32x50x32xf32, #tpu.memory_space<vmem>> -> memref<1x1x50x32xf32, #tpu.memory_space<vmem>>
    %dma_start3A_268 = tpu.memref_squeeze %dma_start3A_267 : memref<1x1x50x32xf32, #tpu.memory_space<vmem>> -> memref<50x32xf32, #tpu.memory_space<vmem>>
    %dma_start3A_269 = arith.constant 0 : i32
    %dma_start3A_270 = tpu.memref_slice %arg5[%dma_start3A_262, %dma_start3A_269] : memref<512x50xi32, #tpu.memory_space<vmem>> -> memref<1x50xi32, #tpu.memory_space<vmem>>
    %dma_start3A_271 = tpu.memref_squeeze %dma_start3A_270 : memref<1x50xi32, #tpu.memory_space<vmem>> -> memref<50xi32, #tpu.memory_space<vmem>>
    %dma_start3A_272 = arith.constant 0 : i32
    %dma_start3A_273 = arith.constant 0 : i32
    %dma_start3A_274 = tpu.memref_slice %arg3[%dma_start3A_272, %dma_start3A_273] : memref<1000000x32xf32, #tpu.memory_space<hbm>> -> memref<1000000x32xf32, #tpu.memory_space<hbm>>
    tpu.enqueue_indirect_dma source(%dma_start3A_274 : memref<1000000x32xf32, #tpu.memory_space<hbm>>) target(%dma_start3A_268 : memref<50x32xf32, #tpu.memory_space<vmem>>) offsets(%dma_start3A_271 : memref<50xi32, #tpu.memory_space<vmem>>) semaphore(%arg7 : memref<!tpu.dma_semaphore, #tpu.memory_space<semaphore_mem>>)
    %dma_start3A_275 = arith.constant 21 : i32
    %dma_start3A_276 = arith.constant 0 : i32
    %dma_start3A_277 = arith.constant 21 : i32
    %dma_start3A_278 = arith.constant 0 : i32
    %dma_start3A_279 = arith.constant 0 : i32
    %dma_start3A_280 = tpu.memref_slice %arg6[%dma_start3A_276, %dma_start3A_277, %dma_start3A_278, %dma_start3A_279] : memref<2x32x50x32xf32, #tpu.memory_space<vmem>> -> memref<1x1x50x32xf32, #tpu.memory_space<vmem>>
    %dma_start3A_281 = tpu.memref_squeeze %dma_start3A_280 : memref<1x1x50x32xf32, #tpu.memory_space<vmem>> -> memref<50x32xf32, #tpu.memory_space<vmem>>
    %dma_start3A_282 = arith.constant 0 : i32
    %dma_start3A_283 = tpu.memref_slice %arg5[%dma_start3A_275, %dma_start3A_282] : memref<512x50xi32, #tpu.memory_space<vmem>> -> memref<1x50xi32, #tpu.memory_space<vmem>>
    %dma_start3A_284 = tpu.memref_squeeze %dma_start3A_283 : memref<1x50xi32, #tpu.memory_space<vmem>> -> memref<50xi32, #tpu.memory_space<vmem>>
    %dma_start3A_285 = arith.constant 0 : i32
    %dma_start3A_286 = arith.constant 0 : i32
    %dma_start3A_287 = tpu.memref_slice %arg3[%dma_start3A_285, %dma_start3A_286] : memref<1000000x32xf32, #tpu.memory_space<hbm>> -> memref<1000000x32xf32, #tpu.memory_space<hbm>>
    tpu.enqueue_indirect_dma source(%dma_start3A_287 : memref<1000000x32xf32, #tpu.memory_space<hbm>>) target(%dma_start3A_281 : memref<50x32xf32, #tpu.memory_space<vmem>>) offsets(%dma_start3A_284 : memref<50xi32, #tpu.memory_space<vmem>>) semaphore(%arg7 : memref<!tpu.dma_semaphore, #tpu.memory_space<semaphore_mem>>)
    %dma_start3A_288 = arith.constant 22 : i32
    %dma_start3A_289 = arith.constant 0 : i32
    %dma_start3A_290 = arith.constant 22 : i32
    %dma_start3A_291 = arith.constant 0 : i32
    %dma_start3A_292 = arith.constant 0 : i32
    %dma_start3A_293 = tpu.memref_slice %arg6[%dma_start3A_289, %dma_start3A_290, %dma_start3A_291, %dma_start3A_292] : memref<2x32x50x32xf32, #tpu.memory_space<vmem>> -> memref<1x1x50x32xf32, #tpu.memory_space<vmem>>
    %dma_start3A_294 = tpu.memref_squeeze %dma_start3A_293 : memref<1x1x50x32xf32, #tpu.memory_space<vmem>> -> memref<50x32xf32, #tpu.memory_space<vmem>>
    %dma_start3A_295 = arith.constant 0 : i32
    %dma_start3A_296 = tpu.memref_slice %arg5[%dma_start3A_288, %dma_start3A_295] : memref<512x50xi32, #tpu.memory_space<vmem>> -> memref<1x50xi32, #tpu.memory_space<vmem>>
    %dma_start3A_297 = tpu.memref_squeeze %dma_start3A_296 : memref<1x50xi32, #tpu.memory_space<vmem>> -> memref<50xi32, #tpu.memory_space<vmem>>
    %dma_start3A_298 = arith.constant 0 : i32
    %dma_start3A_299 = arith.constant 0 : i32
    %dma_start3A_300 = tpu.memref_slice %arg3[%dma_start3A_298, %dma_start3A_299] : memref<1000000x32xf32, #tpu.memory_space<hbm>> -> memref<1000000x32xf32, #tpu.memory_space<hbm>>
    tpu.enqueue_indirect_dma source(%dma_start3A_300 : memref<1000000x32xf32, #tpu.memory_space<hbm>>) target(%dma_start3A_294 : memref<50x32xf32, #tpu.memory_space<vmem>>) offsets(%dma_start3A_297 : memref<50xi32, #tpu.memory_space<vmem>>) semaphore(%arg7 : memref<!tpu.dma_semaphore, #tpu.memory_space<semaphore_mem>>)
    %dma_start3A_301 = arith.constant 23 : i32
    %dma_start3A_302 = arith.constant 0 : i32
    %dma_start3A_303 = arith.constant 23 : i32
    %dma_start3A_304 = arith.constant 0 : i32
    %dma_start3A_305 = arith.constant 0 : i32
    %dma_start3A_306 = tpu.memref_slice %arg6[%dma_start3A_302, %dma_start3A_303, %dma_start3A_304, %dma_start3A_305] : memref<2x32x50x32xf32, #tpu.memory_space<vmem>> -> memref<1x1x50x32xf32, #tpu.memory_space<vmem>>
    %dma_start3A_307 = tpu.memref_squeeze %dma_start3A_306 : memref<1x1x50x32xf32, #tpu.memory_space<vmem>> -> memref<50x32xf32, #tpu.memory_space<vmem>>
    %dma_start3A_308 = arith.constant 0 : i32
    %dma_start3A_309 = tpu.memref_slice %arg5[%dma_start3A_301, %dma_start3A_308] : memref<512x50xi32, #tpu.memory_space<vmem>> -> memref<1x50xi32, #tpu.memory_space<vmem>>
    %dma_start3A_310 = tpu.memref_squeeze %dma_start3A_309 : memref<1x50xi32, #tpu.memory_space<vmem>> -> memref<50xi32, #tpu.memory_space<vmem>>
    %dma_start3A_311 = arith.constant 0 : i32
    %dma_start3A_312 = arith.constant 0 : i32
    %dma_start3A_313 = tpu.memref_slice %arg3[%dma_start3A_311, %dma_start3A_312] : memref<1000000x32xf32, #tpu.memory_space<hbm>> -> memref<1000000x32xf32, #tpu.memory_space<hbm>>
    tpu.enqueue_indirect_dma source(%dma_start3A_313 : memref<1000000x32xf32, #tpu.memory_space<hbm>>) target(%dma_start3A_307 : memref<50x32xf32, #tpu.memory_space<vmem>>) offsets(%dma_start3A_310 : memref<50xi32, #tpu.memory_space<vmem>>) semaphore(%arg7 : memref<!tpu.dma_semaphore, #tpu.memory_space<semaphore_mem>>)
    %dma_start3A_314 = arith.constant 24 : i32
    %dma_start3A_315 = arith.constant 0 : i32
    %dma_start3A_316 = arith.constant 24 : i32
    %dma_start3A_317 = arith.constant 0 : i32
    %dma_start3A_318 = arith.constant 0 : i32
    %dma_start3A_319 = tpu.memref_slice %arg6[%dma_start3A_315, %dma_start3A_316, %dma_start3A_317, %dma_start3A_318] : memref<2x32x50x32xf32, #tpu.memory_space<vmem>> -> memref<1x1x50x32xf32, #tpu.memory_space<vmem>>
    %dma_start3A_320 = tpu.memref_squeeze %dma_start3A_319 : memref<1x1x50x32xf32, #tpu.memory_space<vmem>> -> memref<50x32xf32, #tpu.memory_space<vmem>>
    %dma_start3A_321 = arith.constant 0 : i32
    %dma_start3A_322 = tpu.memref_slice %arg5[%dma_start3A_314, %dma_start3A_321] : memref<512x50xi32, #tpu.memory_space<vmem>> -> memref<1x50xi32, #tpu.memory_space<vmem>>
    %dma_start3A_323 = tpu.memref_squeeze %dma_start3A_322 : memref<1x50xi32, #tpu.memory_space<vmem>> -> memref<50xi32, #tpu.memory_space<vmem>>
    %dma_start3A_324 = arith.constant 0 : i32
    %dma_start3A_325 = arith.constant 0 : i32
    %dma_start3A_326 = tpu.memref_slice %arg3[%dma_start3A_324, %dma_start3A_325] : memref<1000000x32xf32, #tpu.memory_space<hbm>> -> memref<1000000x32xf32, #tpu.memory_space<hbm>>
    tpu.enqueue_indirect_dma source(%dma_start3A_326 : memref<1000000x32xf32, #tpu.memory_space<hbm>>) target(%dma_start3A_320 : memref<50x32xf32, #tpu.memory_space<vmem>>) offsets(%dma_start3A_323 : memref<50xi32, #tpu.memory_space<vmem>>) semaphore(%arg7 : memref<!tpu.dma_semaphore, #tpu.memory_space<semaphore_mem>>)
    %dma_start3A_327 = arith.constant 25 : i32
    %dma_start3A_328 = arith.constant 0 : i32
    %dma_start3A_329 = arith.constant 25 : i32
    %dma_start3A_330 = arith.constant 0 : i32
    %dma_start3A_331 = arith.constant 0 : i32
    %dma_start3A_332 = tpu.memref_slice %arg6[%dma_start3A_328, %dma_start3A_329, %dma_start3A_330, %dma_start3A_331] : memref<2x32x50x32xf32, #tpu.memory_space<vmem>> -> memref<1x1x50x32xf32, #tpu.memory_space<vmem>>
    %dma_start3A_333 = tpu.memref_squeeze %dma_start3A_332 : memref<1x1x50x32xf32, #tpu.memory_space<vmem>> -> memref<50x32xf32, #tpu.memory_space<vmem>>
    %dma_start3A_334 = arith.constant 0 : i32
    %dma_start3A_335 = tpu.memref_slice %arg5[%dma_start3A_327, %dma_start3A_334] : memref<512x50xi32, #tpu.memory_space<vmem>> -> memref<1x50xi32, #tpu.memory_space<vmem>>
    %dma_start3A_336 = tpu.memref_squeeze %dma_start3A_335 : memref<1x50xi32, #tpu.memory_space<vmem>> -> memref<50xi32, #tpu.memory_space<vmem>>
    %dma_start3A_337 = arith.constant 0 : i32
    %dma_start3A_338 = arith.constant 0 : i32
    %dma_start3A_339 = tpu.memref_slice %arg3[%dma_start3A_337, %dma_start3A_338] : memref<1000000x32xf32, #tpu.memory_space<hbm>> -> memref<1000000x32xf32, #tpu.memory_space<hbm>>
    tpu.enqueue_indirect_dma source(%dma_start3A_339 : memref<1000000x32xf32, #tpu.memory_space<hbm>>) target(%dma_start3A_333 : memref<50x32xf32, #tpu.memory_space<vmem>>) offsets(%dma_start3A_336 : memref<50xi32, #tpu.memory_space<vmem>>) semaphore(%arg7 : memref<!tpu.dma_semaphore, #tpu.memory_space<semaphore_mem>>)
    %dma_start3A_340 = arith.constant 26 : i32
    %dma_start3A_341 = arith.constant 0 : i32
    %dma_start3A_342 = arith.constant 26 : i32
    %dma_start3A_343 = arith.constant 0 : i32
    %dma_start3A_344 = arith.constant 0 : i32
    %dma_start3A_345 = tpu.memref_slice %arg6[%dma_start3A_341, %dma_start3A_342, %dma_start3A_343, %dma_start3A_344] : memref<2x32x50x32xf32, #tpu.memory_space<vmem>> -> memref<1x1x50x32xf32, #tpu.memory_space<vmem>>
    %dma_start3A_346 = tpu.memref_squeeze %dma_start3A_345 : memref<1x1x50x32xf32, #tpu.memory_space<vmem>> -> memref<50x32xf32, #tpu.memory_space<vmem>>
    %dma_start3A_347 = arith.constant 0 : i32
    %dma_start3A_348 = tpu.memref_slice %arg5[%dma_start3A_340, %dma_start3A_347] : memref<512x50xi32, #tpu.memory_space<vmem>> -> memref<1x50xi32, #tpu.memory_space<vmem>>
    %dma_start3A_349 = tpu.memref_squeeze %dma_start3A_348 : memref<1x50xi32, #tpu.memory_space<vmem>> -> memref<50xi32, #tpu.memory_space<vmem>>
    %dma_start3A_350 = arith.constant 0 : i32
    %dma_start3A_351 = arith.constant 0 : i32
    %dma_start3A_352 = tpu.memref_slice %arg3[%dma_start3A_350, %dma_start3A_351] : memref<1000000x32xf32, #tpu.memory_space<hbm>> -> memref<1000000x32xf32, #tpu.memory_space<hbm>>
    tpu.enqueue_indirect_dma source(%dma_start3A_352 : memref<1000000x32xf32, #tpu.memory_space<hbm>>) target(%dma_start3A_346 : memref<50x32xf32, #tpu.memory_space<vmem>>) offsets(%dma_start3A_349 : memref<50xi32, #tpu.memory_space<vmem>>) semaphore(%arg7 : memref<!tpu.dma_semaphore, #tpu.memory_space<semaphore_mem>>)
    %dma_start3A_353 = arith.constant 27 : i32
    %dma_start3A_354 = arith.constant 0 : i32
    %dma_start3A_355 = arith.constant 27 : i32
    %dma_start3A_356 = arith.constant 0 : i32
    %dma_start3A_357 = arith.constant 0 : i32
    %dma_start3A_358 = tpu.memref_slice %arg6[%dma_start3A_354, %dma_start3A_355, %dma_start3A_356, %dma_start3A_357] : memref<2x32x50x32xf32, #tpu.memory_space<vmem>> -> memref<1x1x50x32xf32, #tpu.memory_space<vmem>>
    %dma_start3A_359 = tpu.memref_squeeze %dma_start3A_358 : memref<1x1x50x32xf32, #tpu.memory_space<vmem>> -> memref<50x32xf32, #tpu.memory_space<vmem>>
    %dma_start3A_360 = arith.constant 0 : i32
    %dma_start3A_361 = tpu.memref_slice %arg5[%dma_start3A_353, %dma_start3A_360] : memref<512x50xi32, #tpu.memory_space<vmem>> -> memref<1x50xi32, #tpu.memory_space<vmem>>
    %dma_start3A_362 = tpu.memref_squeeze %dma_start3A_361 : memref<1x50xi32, #tpu.memory_space<vmem>> -> memref<50xi32, #tpu.memory_space<vmem>>
    %dma_start3A_363 = arith.constant 0 : i32
    %dma_start3A_364 = arith.constant 0 : i32
    %dma_start3A_365 = tpu.memref_slice %arg3[%dma_start3A_363, %dma_start3A_364] : memref<1000000x32xf32, #tpu.memory_space<hbm>> -> memref<1000000x32xf32, #tpu.memory_space<hbm>>
    tpu.enqueue_indirect_dma source(%dma_start3A_365 : memref<1000000x32xf32, #tpu.memory_space<hbm>>) target(%dma_start3A_359 : memref<50x32xf32, #tpu.memory_space<vmem>>) offsets(%dma_start3A_362 : memref<50xi32, #tpu.memory_space<vmem>>) semaphore(%arg7 : memref<!tpu.dma_semaphore, #tpu.memory_space<semaphore_mem>>)
    %dma_start3A_366 = arith.constant 28 : i32
    %dma_start3A_367 = arith.constant 0 : i32
    %dma_start3A_368 = arith.constant 28 : i32
    %dma_start3A_369 = arith.constant 0 : i32
    %dma_start3A_370 = arith.constant 0 : i32
    %dma_start3A_371 = tpu.memref_slice %arg6[%dma_start3A_367, %dma_start3A_368, %dma_start3A_369, %dma_start3A_370] : memref<2x32x50x32xf32, #tpu.memory_space<vmem>> -> memref<1x1x50x32xf32, #tpu.memory_space<vmem>>
    %dma_start3A_372 = tpu.memref_squeeze %dma_start3A_371 : memref<1x1x50x32xf32, #tpu.memory_space<vmem>> -> memref<50x32xf32, #tpu.memory_space<vmem>>
    %dma_start3A_373 = arith.constant 0 : i32
    %dma_start3A_374 = tpu.memref_slice %arg5[%dma_start3A_366, %dma_start3A_373] : memref<512x50xi32, #tpu.memory_space<vmem>> -> memref<1x50xi32, #tpu.memory_space<vmem>>
    %dma_start3A_375 = tpu.memref_squeeze %dma_start3A_374 : memref<1x50xi32, #tpu.memory_space<vmem>> -> memref<50xi32, #tpu.memory_space<vmem>>
    %dma_start3A_376 = arith.constant 0 : i32
    %dma_start3A_377 = arith.constant 0 : i32
    %dma_start3A_378 = tpu.memref_slice %arg3[%dma_start3A_376, %dma_start3A_377] : memref<1000000x32xf32, #tpu.memory_space<hbm>> -> memref<1000000x32xf32, #tpu.memory_space<hbm>>
    tpu.enqueue_indirect_dma source(%dma_start3A_378 : memref<1000000x32xf32, #tpu.memory_space<hbm>>) target(%dma_start3A_372 : memref<50x32xf32, #tpu.memory_space<vmem>>) offsets(%dma_start3A_375 : memref<50xi32, #tpu.memory_space<vmem>>) semaphore(%arg7 : memref<!tpu.dma_semaphore, #tpu.memory_space<semaphore_mem>>)
    %dma_start3A_379 = arith.constant 29 : i32
    %dma_start3A_380 = arith.constant 0 : i32
    %dma_start3A_381 = arith.constant 29 : i32
    %dma_start3A_382 = arith.constant 0 : i32
    %dma_start3A_383 = arith.constant 0 : i32
    %dma_start3A_384 = tpu.memref_slice %arg6[%dma_start3A_380, %dma_start3A_381, %dma_start3A_382, %dma_start3A_383] : memref<2x32x50x32xf32, #tpu.memory_space<vmem>> -> memref<1x1x50x32xf32, #tpu.memory_space<vmem>>
    %dma_start3A_385 = tpu.memref_squeeze %dma_start3A_384 : memref<1x1x50x32xf32, #tpu.memory_space<vmem>> -> memref<50x32xf32, #tpu.memory_space<vmem>>
    %dma_start3A_386 = arith.constant 0 : i32
    %dma_start3A_387 = tpu.memref_slice %arg5[%dma_start3A_379, %dma_start3A_386] : memref<512x50xi32, #tpu.memory_space<vmem>> -> memref<1x50xi32, #tpu.memory_space<vmem>>
    %dma_start3A_388 = tpu.memref_squeeze %dma_start3A_387 : memref<1x50xi32, #tpu.memory_space<vmem>> -> memref<50xi32, #tpu.memory_space<vmem>>
    %dma_start3A_389 = arith.constant 0 : i32
    %dma_start3A_390 = arith.constant 0 : i32
    %dma_start3A_391 = tpu.memref_slice %arg3[%dma_start3A_389, %dma_start3A_390] : memref<1000000x32xf32, #tpu.memory_space<hbm>> -> memref<1000000x32xf32, #tpu.memory_space<hbm>>
    tpu.enqueue_indirect_dma source(%dma_start3A_391 : memref<1000000x32xf32, #tpu.memory_space<hbm>>) target(%dma_start3A_385 : memref<50x32xf32, #tpu.memory_space<vmem>>) offsets(%dma_start3A_388 : memref<50xi32, #tpu.memory_space<vmem>>) semaphore(%arg7 : memref<!tpu.dma_semaphore, #tpu.memory_space<semaphore_mem>>)
    %dma_start3A_392 = arith.constant 30 : i32
    %dma_start3A_393 = arith.constant 0 : i32
    %dma_start3A_394 = arith.constant 30 : i32
    %dma_start3A_395 = arith.constant 0 : i32
    %dma_start3A_396 = arith.constant 0 : i32
    %dma_start3A_397 = tpu.memref_slice %arg6[%dma_start3A_393, %dma_start3A_394, %dma_start3A_395, %dma_start3A_396] : memref<2x32x50x32xf32, #tpu.memory_space<vmem>> -> memref<1x1x50x32xf32, #tpu.memory_space<vmem>>
    %dma_start3A_398 = tpu.memref_squeeze %dma_start3A_397 : memref<1x1x50x32xf32, #tpu.memory_space<vmem>> -> memref<50x32xf32, #tpu.memory_space<vmem>>
    %dma_start3A_399 = arith.constant 0 : i32
    %dma_start3A_400 = tpu.memref_slice %arg5[%dma_start3A_392, %dma_start3A_399] : memref<512x50xi32, #tpu.memory_space<vmem>> -> memref<1x50xi32, #tpu.memory_space<vmem>>
    %dma_start3A_401 = tpu.memref_squeeze %dma_start3A_400 : memref<1x50xi32, #tpu.memory_space<vmem>> -> memref<50xi32, #tpu.memory_space<vmem>>
    %dma_start3A_402 = arith.constant 0 : i32
    %dma_start3A_403 = arith.constant 0 : i32
    %dma_start3A_404 = tpu.memref_slice %arg3[%dma_start3A_402, %dma_start3A_403] : memref<1000000x32xf32, #tpu.memory_space<hbm>> -> memref<1000000x32xf32, #tpu.memory_space<hbm>>
    tpu.enqueue_indirect_dma source(%dma_start3A_404 : memref<1000000x32xf32, #tpu.memory_space<hbm>>) target(%dma_start3A_398 : memref<50x32xf32, #tpu.memory_space<vmem>>) offsets(%dma_start3A_401 : memref<50xi32, #tpu.memory_space<vmem>>) semaphore(%arg7 : memref<!tpu.dma_semaphore, #tpu.memory_space<semaphore_mem>>)
    %dma_start3A_405 = arith.constant 31 : i32
    %dma_start3A_406 = arith.constant 0 : i32
    %dma_start3A_407 = arith.constant 31 : i32
    %dma_start3A_408 = arith.constant 0 : i32
    %dma_start3A_409 = arith.constant 0 : i32
    %dma_start3A_410 = tpu.memref_slice %arg6[%dma_start3A_406, %dma_start3A_407, %dma_start3A_408, %dma_start3A_409] : memref<2x32x50x32xf32, #tpu.memory_space<vmem>> -> memref<1x1x50x32xf32, #tpu.memory_space<vmem>>
    %dma_start3A_411 = tpu.memref_squeeze %dma_start3A_410 : memref<1x1x50x32xf32, #tpu.memory_space<vmem>> -> memref<50x32xf32, #tpu.memory_space<vmem>>
    %dma_start3A_412 = arith.constant 0 : i32
    %dma_start3A_413 = tpu.memref_slice %arg5[%dma_start3A_405, %dma_start3A_412] : memref<512x50xi32, #tpu.memory_space<vmem>> -> memref<1x50xi32, #tpu.memory_space<vmem>>
    %dma_start3A_414 = tpu.memref_squeeze %dma_start3A_413 : memref<1x50xi32, #tpu.memory_space<vmem>> -> memref<50xi32, #tpu.memory_space<vmem>>
    %dma_start3A_415 = arith.constant 0 : i32
    %dma_start3A_416 = arith.constant 0 : i32
    %dma_start3A_417 = tpu.memref_slice %arg3[%dma_start3A_415, %dma_start3A_416] : memref<1000000x32xf32, #tpu.memory_space<hbm>> -> memref<1000000x32xf32, #tpu.memory_space<hbm>>
    tpu.enqueue_indirect_dma source(%dma_start3A_417 : memref<1000000x32xf32, #tpu.memory_space<hbm>>) target(%dma_start3A_411 : memref<50x32xf32, #tpu.memory_space<vmem>>) offsets(%dma_start3A_414 : memref<50xi32, #tpu.memory_space<vmem>>) semaphore(%arg7 : memref<!tpu.dma_semaphore, #tpu.memory_space<semaphore_mem>>)
    %scan3A = arith.constant 0 : i32
    %scan3A_418 = arith.constant 0 : i32
    %scan3A_419 = arith.constant 8 : i32
    %scan3A_420 = arith.addi %scan3A_418, %scan3A_419 : i32
    %scan3A_421 = arith.constant 1 : i32
    scf.for %scan3A_423 = %scan3A_418 to %scan3A_420 step %scan3A_421  : i32 {
      %mul3A_424 = arith.constant 2 : i32
      %mul3A_425 = arith.muli %mul3A_424, %scan3A_423 : i32
      %dma_wait3A = arith.constant 0 : i32
      %dma_wait3A_426 = arith.constant 0 : i32
      %dma_wait3A_427 = arith.constant 0 : i32
      %dma_wait3A_428 = arith.constant 0 : i32
      %dma_wait3A_429 = tpu.memref_slice %arg6[%dma_wait3A, %dma_wait3A_426, %dma_wait3A_427, %dma_wait3A_428] : memref<2x32x50x32xf32, #tpu.memory_space<vmem>> -> memref<1x32x50x32xf32, #tpu.memory_space<vmem>>
      %dma_wait3A_430 = tpu.memref_squeeze %dma_wait3A_429 : memref<1x32x50x32xf32, #tpu.memory_space<vmem>> -> memref<32x50x32xf32, #tpu.memory_space<vmem>>
      %dma_wait3A_431 = arith.constant 0 : i32
      %dma_wait3A_432 = arith.constant 0 : i32
      %dma_wait3A_433 = tpu.memref_slice %arg4[%mul3A_2, %dma_wait3A_431, %dma_wait3A_432] : memref<16384x50x32xf32, #tpu.memory_space<hbm>> -> memref<32x50x32xf32, #tpu.memory_space<hbm>>
      %dma_wait3A_434 = arith.constant 0 : i32
      %dma_wait3A_435 = arith.constant 0 : i32
      %dma_wait3A_436 = arith.constant 0 : i32
      %dma_wait3A_437 = tpu.memref_slice %arg6[%dma_wait3A, %dma_wait3A_434, %dma_wait3A_435, %dma_wait3A_436] : memref<2x32x50x32xf32, #tpu.memory_space<vmem>> -> memref<1x32x50x32xf32, #tpu.memory_space<vmem>>
      %dma_wait3A_438 = tpu.memref_squeeze %dma_wait3A_437 : memref<1x32x50x32xf32, #tpu.memory_space<vmem>> -> memref<32x50x32xf32, #tpu.memory_space<vmem>>
      %dma_wait3A_439 = arith.constant 0 : i32
      %dma_wait3A_440 = arith.constant 0 : i32
      %dma_wait3A_441 = tpu.memref_slice %arg4[%mul3A_2, %dma_wait3A_439, %dma_wait3A_440] : memref<16384x50x32xf32, #tpu.memory_space<hbm>> -> memref<32x50x32xf32, #tpu.memory_space<hbm>>
      tpu.wait_dma2 semaphore(%arg7 : memref<!tpu.dma_semaphore, #tpu.memory_space<semaphore_mem>>) src(%dma_wait3A_441 : memref<32x50x32xf32, #tpu.memory_space<hbm>>) dst(%dma_wait3A_438 : memref<32x50x32xf32, #tpu.memory_space<vmem>>)
      %add3A_442 = arith.constant 1 : i32
      %add3A_443 = arith.addi %mul3A_425, %add3A_442 : i32
      %mul3A_444 = arith.constant 32 : i32
      %mul3A_445 = arith.muli %add3A_443, %mul3A_444 : i32
      %add3A_446 = arith.constant 0 : i32
      %add3A_447 = arith.addi %mul3A_445, %add3A_446 : i32
      %dma_start3A_448 = arith.constant 1 : i32
      %dma_start3A_449 = arith.constant 0 : i32
      %dma_start3A_450 = arith.constant 0 : i32
      %dma_start3A_451 = arith.constant 0 : i32
      %dma_start3A_452 = tpu.memref_slice %arg6[%dma_start3A_448, %dma_start3A_449, %dma_start3A_450, %dma_start3A_451] : memref<2x32x50x32xf32, #tpu.memory_space<vmem>> -> memref<1x1x50x32xf32, #tpu.memory_space<vmem>>
      %dma_start3A_453 = tpu.memref_squeeze %dma_start3A_452 : memref<1x1x50x32xf32, #tpu.memory_space<vmem>> -> memref<50x32xf32, #tpu.memory_space<vmem>>
      %dma_start3A_454 = arith.constant 0 : i32
      %dma_start3A_455 = tpu.memref_slice %arg5[%add3A_447, %dma_start3A_454] : memref<512x50xi32, #tpu.memory_space<vmem>> -> memref<1x50xi32, #tpu.memory_space<vmem>>
      %dma_start3A_456 = tpu.memref_squeeze %dma_start3A_455 : memref<1x50xi32, #tpu.memory_space<vmem>> -> memref<50xi32, #tpu.memory_space<vmem>>
      %dma_start3A_457 = arith.constant 0 : i32
      %dma_start3A_458 = arith.constant 0 : i32
      %dma_start3A_459 = tpu.memref_slice %arg3[%dma_start3A_457, %dma_start3A_458] : memref<1000000x32xf32, #tpu.memory_space<hbm>> -> memref<1000000x32xf32, #tpu.memory_space<hbm>>
      tpu.enqueue_indirect_dma source(%dma_start3A_459 : memref<1000000x32xf32, #tpu.memory_space<hbm>>) target(%dma_start3A_453 : memref<50x32xf32, #tpu.memory_space<vmem>>) offsets(%dma_start3A_456 : memref<50xi32, #tpu.memory_space<vmem>>) semaphore(%arg8 : memref<!tpu.dma_semaphore, #tpu.memory_space<semaphore_mem>>)
      %mul3A_460 = arith.constant 32 : i32
      %mul3A_461 = arith.muli %add3A_443, %mul3A_460 : i32
      %add3A_462 = arith.constant 1 : i32
      %add3A_463 = arith.addi %mul3A_461, %add3A_462 : i32
      %dma_start3A_464 = arith.constant 1 : i32
      %dma_start3A_465 = arith.constant 1 : i32
      %dma_start3A_466 = arith.constant 0 : i32
      %dma_start3A_467 = arith.constant 0 : i32
      %dma_start3A_468 = tpu.memref_slice %arg6[%dma_start3A_464, %dma_start3A_465, %dma_start3A_466, %dma_start3A_467] : memref<2x32x50x32xf32, #tpu.memory_space<vmem>> -> memref<1x1x50x32xf32, #tpu.memory_space<vmem>>
      %dma_start3A_469 = tpu.memref_squeeze %dma_start3A_468 : memref<1x1x50x32xf32, #tpu.memory_space<vmem>> -> memref<50x32xf32, #tpu.memory_space<vmem>>
      %dma_start3A_470 = arith.constant 0 : i32
      %dma_start3A_471 = tpu.memref_slice %arg5[%add3A_463, %dma_start3A_470] : memref<512x50xi32, #tpu.memory_space<vmem>> -> memref<1x50xi32, #tpu.memory_space<vmem>>
      %dma_start3A_472 = tpu.memref_squeeze %dma_start3A_471 : memref<1x50xi32, #tpu.memory_space<vmem>> -> memref<50xi32, #tpu.memory_space<vmem>>
      %dma_start3A_473 = arith.constant 0 : i32
      %dma_start3A_474 = arith.constant 0 : i32
      %dma_start3A_475 = tpu.memref_slice %arg3[%dma_start3A_473, %dma_start3A_474] : memref<1000000x32xf32, #tpu.memory_space<hbm>> -> memref<1000000x32xf32, #tpu.memory_space<hbm>>
      tpu.enqueue_indirect_dma source(%dma_start3A_475 : memref<1000000x32xf32, #tpu.memory_space<hbm>>) target(%dma_start3A_469 : memref<50x32xf32, #tpu.memory_space<vmem>>) offsets(%dma_start3A_472 : memref<50xi32, #tpu.memory_space<vmem>>) semaphore(%arg8 : memref<!tpu.dma_semaphore, #tpu.memory_space<semaphore_mem>>)
      %mul3A_476 = arith.constant 32 : i32
      %mul3A_477 = arith.muli %add3A_443, %mul3A_476 : i32
      %add3A_478 = arith.constant 2 : i32
      %add3A_479 = arith.addi %mul3A_477, %add3A_478 : i32
      %dma_start3A_480 = arith.constant 1 : i32
      %dma_start3A_481 = arith.constant 2 : i32
      %dma_start3A_482 = arith.constant 0 : i32
      %dma_start3A_483 = arith.constant 0 : i32
      %dma_start3A_484 = tpu.memref_slice %arg6[%dma_start3A_480, %dma_start3A_481, %dma_start3A_482, %dma_start3A_483] : memref<2x32x50x32xf32, #tpu.memory_space<vmem>> -> memref<1x1x50x32xf32, #tpu.memory_space<vmem>>
      %dma_start3A_485 = tpu.memref_squeeze %dma_start3A_484 : memref<1x1x50x32xf32, #tpu.memory_space<vmem>> -> memref<50x32xf32, #tpu.memory_space<vmem>>
      %dma_start3A_486 = arith.constant 0 : i32
      %dma_start3A_487 = tpu.memref_slice %arg5[%add3A_479, %dma_start3A_486] : memref<512x50xi32, #tpu.memory_space<vmem>> -> memref<1x50xi32, #tpu.memory_space<vmem>>
      %dma_start3A_488 = tpu.memref_squeeze %dma_start3A_487 : memref<1x50xi32, #tpu.memory_space<vmem>> -> memref<50xi32, #tpu.memory_space<vmem>>
      %dma_start3A_489 = arith.constant 0 : i32
      %dma_start3A_490 = arith.constant 0 : i32
      %dma_start3A_491 = tpu.memref_slice %arg3[%dma_start3A_489, %dma_start3A_490] : memref<1000000x32xf32, #tpu.memory_space<hbm>> -> memref<1000000x32xf32, #tpu.memory_space<hbm>>
      tpu.enqueue_indirect_dma source(%dma_start3A_491 : memref<1000000x32xf32, #tpu.memory_space<hbm>>) target(%dma_start3A_485 : memref<50x32xf32, #tpu.memory_space<vmem>>) offsets(%dma_start3A_488 : memref<50xi32, #tpu.memory_space<vmem>>) semaphore(%arg8 : memref<!tpu.dma_semaphore, #tpu.memory_space<semaphore_mem>>)
      %mul3A_492 = arith.constant 32 : i32
      %mul3A_493 = arith.muli %add3A_443, %mul3A_492 : i32
      %add3A_494 = arith.constant 3 : i32
      %add3A_495 = arith.addi %mul3A_493, %add3A_494 : i32
      %dma_start3A_496 = arith.constant 1 : i32
      %dma_start3A_497 = arith.constant 3 : i32
      %dma_start3A_498 = arith.constant 0 : i32
      %dma_start3A_499 = arith.constant 0 : i32
      %dma_start3A_500 = tpu.memref_slice %arg6[%dma_start3A_496, %dma_start3A_497, %dma_start3A_498, %dma_start3A_499] : memref<2x32x50x32xf32, #tpu.memory_space<vmem>> -> memref<1x1x50x32xf32, #tpu.memory_space<vmem>>
      %dma_start3A_501 = tpu.memref_squeeze %dma_start3A_500 : memref<1x1x50x32xf32, #tpu.memory_space<vmem>> -> memref<50x32xf32, #tpu.memory_space<vmem>>
      %dma_start3A_502 = arith.constant 0 : i32
      %dma_start3A_503 = tpu.memref_slice %arg5[%add3A_495, %dma_start3A_502] : memref<512x50xi32, #tpu.memory_space<vmem>> -> memref<1x50xi32, #tpu.memory_space<vmem>>
      %dma_start3A_504 = tpu.memref_squeeze %dma_start3A_503 : memref<1x50xi32, #tpu.memory_space<vmem>> -> memref<50xi32, #tpu.memory_space<vmem>>
      %dma_start3A_505 = arith.constant 0 : i32
      %dma_start3A_506 = arith.constant 0 : i32
      %dma_start3A_507 = tpu.memref_slice %arg3[%dma_start3A_505, %dma_start3A_506] : memref<1000000x32xf32, #tpu.memory_space<hbm>> -> memref<1000000x32xf32, #tpu.memory_space<hbm>>
      tpu.enqueue_indirect_dma source(%dma_start3A_507 : memref<1000000x32xf32, #tpu.memory_space<hbm>>) target(%dma_start3A_501 : memref<50x32xf32, #tpu.memory_space<vmem>>) offsets(%dma_start3A_504 : memref<50xi32, #tpu.memory_space<vmem>>) semaphore(%arg8 : memref<!tpu.dma_semaphore, #tpu.memory_space<semaphore_mem>>)
      %mul3A_508 = arith.constant 32 : i32
      %mul3A_509 = arith.muli %add3A_443, %mul3A_508 : i32
      %add3A_510 = arith.constant 4 : i32
      %add3A_511 = arith.addi %mul3A_509, %add3A_510 : i32
      %dma_start3A_512 = arith.constant 1 : i32
      %dma_start3A_513 = arith.constant 4 : i32
      %dma_start3A_514 = arith.constant 0 : i32
      %dma_start3A_515 = arith.constant 0 : i32
      %dma_start3A_516 = tpu.memref_slice %arg6[%dma_start3A_512, %dma_start3A_513, %dma_start3A_514, %dma_start3A_515] : memref<2x32x50x32xf32, #tpu.memory_space<vmem>> -> memref<1x1x50x32xf32, #tpu.memory_space<vmem>>
      %dma_start3A_517 = tpu.memref_squeeze %dma_start3A_516 : memref<1x1x50x32xf32, #tpu.memory_space<vmem>> -> memref<50x32xf32, #tpu.memory_space<vmem>>
      %dma_start3A_518 = arith.constant 0 : i32
      %dma_start3A_519 = tpu.memref_slice %arg5[%add3A_511, %dma_start3A_518] : memref<512x50xi32, #tpu.memory_space<vmem>> -> memref<1x50xi32, #tpu.memory_space<vmem>>
      %dma_start3A_520 = tpu.memref_squeeze %dma_start3A_519 : memref<1x50xi32, #tpu.memory_space<vmem>> -> memref<50xi32, #tpu.memory_space<vmem>>
      %dma_start3A_521 = arith.constant 0 : i32
      %dma_start3A_522 = arith.constant 0 : i32
      %dma_start3A_523 = tpu.memref_slice %arg3[%dma_start3A_521, %dma_start3A_522] : memref<1000000x32xf32, #tpu.memory_space<hbm>> -> memref<1000000x32xf32, #tpu.memory_space<hbm>>
      tpu.enqueue_indirect_dma source(%dma_start3A_523 : memref<1000000x32xf32, #tpu.memory_space<hbm>>) target(%dma_start3A_517 : memref<50x32xf32, #tpu.memory_space<vmem>>) offsets(%dma_start3A_520 : memref<50xi32, #tpu.memory_space<vmem>>) semaphore(%arg8 : memref<!tpu.dma_semaphore, #tpu.memory_space<semaphore_mem>>)
      %mul3A_524 = arith.constant 32 : i32
      %mul3A_525 = arith.muli %add3A_443, %mul3A_524 : i32
      %add3A_526 = arith.constant 5 : i32
      %add3A_527 = arith.addi %mul3A_525, %add3A_526 : i32
      %dma_start3A_528 = arith.constant 1 : i32
      %dma_start3A_529 = arith.constant 5 : i32
      %dma_start3A_530 = arith.constant 0 : i32
      %dma_start3A_531 = arith.constant 0 : i32
      %dma_start3A_532 = tpu.memref_slice %arg6[%dma_start3A_528, %dma_start3A_529, %dma_start3A_530, %dma_start3A_531] : memref<2x32x50x32xf32, #tpu.memory_space<vmem>> -> memref<1x1x50x32xf32, #tpu.memory_space<vmem>>
      %dma_start3A_533 = tpu.memref_squeeze %dma_start3A_532 : memref<1x1x50x32xf32, #tpu.memory_space<vmem>> -> memref<50x32xf32, #tpu.memory_space<vmem>>
      %dma_start3A_534 = arith.constant 0 : i32
      %dma_start3A_535 = tpu.memref_slice %arg5[%add3A_527, %dma_start3A_534] : memref<512x50xi32, #tpu.memory_space<vmem>> -> memref<1x50xi32, #tpu.memory_space<vmem>>
      %dma_start3A_536 = tpu.memref_squeeze %dma_start3A_535 : memref<1x50xi32, #tpu.memory_space<vmem>> -> memref<50xi32, #tpu.memory_space<vmem>>
      %dma_start3A_537 = arith.constant 0 : i32
      %dma_start3A_538 = arith.constant 0 : i32
      %dma_start3A_539 = tpu.memref_slice %arg3[%dma_start3A_537, %dma_start3A_538] : memref<1000000x32xf32, #tpu.memory_space<hbm>> -> memref<1000000x32xf32, #tpu.memory_space<hbm>>
      tpu.enqueue_indirect_dma source(%dma_start3A_539 : memref<1000000x32xf32, #tpu.memory_space<hbm>>) target(%dma_start3A_533 : memref<50x32xf32, #tpu.memory_space<vmem>>) offsets(%dma_start3A_536 : memref<50xi32, #tpu.memory_space<vmem>>) semaphore(%arg8 : memref<!tpu.dma_semaphore, #tpu.memory_space<semaphore_mem>>)
      %mul3A_540 = arith.constant 32 : i32
      %mul3A_541 = arith.muli %add3A_443, %mul3A_540 : i32
      %add3A_542 = arith.constant 6 : i32
      %add3A_543 = arith.addi %mul3A_541, %add3A_542 : i32
      %dma_start3A_544 = arith.constant 1 : i32
      %dma_start3A_545 = arith.constant 6 : i32
      %dma_start3A_546 = arith.constant 0 : i32
      %dma_start3A_547 = arith.constant 0 : i32
      %dma_start3A_548 = tpu.memref_slice %arg6[%dma_start3A_544, %dma_start3A_545, %dma_start3A_546, %dma_start3A_547] : memref<2x32x50x32xf32, #tpu.memory_space<vmem>> -> memref<1x1x50x32xf32, #tpu.memory_space<vmem>>
      %dma_start3A_549 = tpu.memref_squeeze %dma_start3A_548 : memref<1x1x50x32xf32, #tpu.memory_space<vmem>> -> memref<50x32xf32, #tpu.memory_space<vmem>>
      %dma_start3A_550 = arith.constant 0 : i32
      %dma_start3A_551 = tpu.memref_slice %arg5[%add3A_543, %dma_start3A_550] : memref<512x50xi32, #tpu.memory_space<vmem>> -> memref<1x50xi32, #tpu.memory_space<vmem>>
      %dma_start3A_552 = tpu.memref_squeeze %dma_start3A_551 : memref<1x50xi32, #tpu.memory_space<vmem>> -> memref<50xi32, #tpu.memory_space<vmem>>
      %dma_start3A_553 = arith.constant 0 : i32
      %dma_start3A_554 = arith.constant 0 : i32
      %dma_start3A_555 = tpu.memref_slice %arg3[%dma_start3A_553, %dma_start3A_554] : memref<1000000x32xf32, #tpu.memory_space<hbm>> -> memref<1000000x32xf32, #tpu.memory_space<hbm>>
      tpu.enqueue_indirect_dma source(%dma_start3A_555 : memref<1000000x32xf32, #tpu.memory_space<hbm>>) target(%dma_start3A_549 : memref<50x32xf32, #tpu.memory_space<vmem>>) offsets(%dma_start3A_552 : memref<50xi32, #tpu.memory_space<vmem>>) semaphore(%arg8 : memref<!tpu.dma_semaphore, #tpu.memory_space<semaphore_mem>>)
      %mul3A_556 = arith.constant 32 : i32
      %mul3A_557 = arith.muli %add3A_443, %mul3A_556 : i32
      %add3A_558 = arith.constant 7 : i32
      %add3A_559 = arith.addi %mul3A_557, %add3A_558 : i32
      %dma_start3A_560 = arith.constant 1 : i32
      %dma_start3A_561 = arith.constant 7 : i32
      %dma_start3A_562 = arith.constant 0 : i32
      %dma_start3A_563 = arith.constant 0 : i32
      %dma_start3A_564 = tpu.memref_slice %arg6[%dma_start3A_560, %dma_start3A_561, %dma_start3A_562, %dma_start3A_563] : memref<2x32x50x32xf32, #tpu.memory_space<vmem>> -> memref<1x1x50x32xf32, #tpu.memory_space<vmem>>
      %dma_start3A_565 = tpu.memref_squeeze %dma_start3A_564 : memref<1x1x50x32xf32, #tpu.memory_space<vmem>> -> memref<50x32xf32, #tpu.memory_space<vmem>>
      %dma_start3A_566 = arith.constant 0 : i32
      %dma_start3A_567 = tpu.memref_slice %arg5[%add3A_559, %dma_start3A_566] : memref<512x50xi32, #tpu.memory_space<vmem>> -> memref<1x50xi32, #tpu.memory_space<vmem>>
      %dma_start3A_568 = tpu.memref_squeeze %dma_start3A_567 : memref<1x50xi32, #tpu.memory_space<vmem>> -> memref<50xi32, #tpu.memory_space<vmem>>
      %dma_start3A_569 = arith.constant 0 : i32
      %dma_start3A_570 = arith.constant 0 : i32
      %dma_start3A_571 = tpu.memref_slice %arg3[%dma_start3A_569, %dma_start3A_570] : memref<1000000x32xf32, #tpu.memory_space<hbm>> -> memref<1000000x32xf32, #tpu.memory_space<hbm>>
      tpu.enqueue_indirect_dma source(%dma_start3A_571 : memref<1000000x32xf32, #tpu.memory_space<hbm>>) target(%dma_start3A_565 : memref<50x32xf32, #tpu.memory_space<vmem>>) offsets(%dma_start3A_568 : memref<50xi32, #tpu.memory_space<vmem>>) semaphore(%arg8 : memref<!tpu.dma_semaphore, #tpu.memory_space<semaphore_mem>>)
      %mul3A_572 = arith.constant 32 : i32
      %mul3A_573 = arith.muli %add3A_443, %mul3A_572 : i32
      %add3A_574 = arith.constant 8 : i32
      %add3A_575 = arith.addi %mul3A_573, %add3A_574 : i32
      %dma_start3A_576 = arith.constant 1 : i32
      %dma_start3A_577 = arith.constant 8 : i32
      %dma_start3A_578 = arith.constant 0 : i32
      %dma_start3A_579 = arith.constant 0 : i32
      %dma_start3A_580 = tpu.memref_slice %arg6[%dma_start3A_576, %dma_start3A_577, %dma_start3A_578, %dma_start3A_579] : memref<2x32x50x32xf32, #tpu.memory_space<vmem>> -> memref<1x1x50x32xf32, #tpu.memory_space<vmem>>
      %dma_start3A_581 = tpu.memref_squeeze %dma_start3A_580 : memref<1x1x50x32xf32, #tpu.memory_space<vmem>> -> memref<50x32xf32, #tpu.memory_space<vmem>>
      %dma_start3A_582 = arith.constant 0 : i32
      %dma_start3A_583 = tpu.memref_slice %arg5[%add3A_575, %dma_start3A_582] : memref<512x50xi32, #tpu.memory_space<vmem>> -> memref<1x50xi32, #tpu.memory_space<vmem>>
      %dma_start3A_584 = tpu.memref_squeeze %dma_start3A_583 : memref<1x50xi32, #tpu.memory_space<vmem>> -> memref<50xi32, #tpu.memory_space<vmem>>
      %dma_start3A_585 = arith.constant 0 : i32
      %dma_start3A_586 = arith.constant 0 : i32
      %dma_start3A_587 = tpu.memref_slice %arg3[%dma_start3A_585, %dma_start3A_586] : memref<1000000x32xf32, #tpu.memory_space<hbm>> -> memref<1000000x32xf32, #tpu.memory_space<hbm>>
      tpu.enqueue_indirect_dma source(%dma_start3A_587 : memref<1000000x32xf32, #tpu.memory_space<hbm>>) target(%dma_start3A_581 : memref<50x32xf32, #tpu.memory_space<vmem>>) offsets(%dma_start3A_584 : memref<50xi32, #tpu.memory_space<vmem>>) semaphore(%arg8 : memref<!tpu.dma_semaphore, #tpu.memory_space<semaphore_mem>>)
      %mul3A_588 = arith.constant 32 : i32
      %mul3A_589 = arith.muli %add3A_443, %mul3A_588 : i32
      %add3A_590 = arith.constant 9 : i32
      %add3A_591 = arith.addi %mul3A_589, %add3A_590 : i32
      %dma_start3A_592 = arith.constant 1 : i32
      %dma_start3A_593 = arith.constant 9 : i32
      %dma_start3A_594 = arith.constant 0 : i32
      %dma_start3A_595 = arith.constant 0 : i32
      %dma_start3A_596 = tpu.memref_slice %arg6[%dma_start3A_592, %dma_start3A_593, %dma_start3A_594, %dma_start3A_595] : memref<2x32x50x32xf32, #tpu.memory_space<vmem>> -> memref<1x1x50x32xf32, #tpu.memory_space<vmem>>
      %dma_start3A_597 = tpu.memref_squeeze %dma_start3A_596 : memref<1x1x50x32xf32, #tpu.memory_space<vmem>> -> memref<50x32xf32, #tpu.memory_space<vmem>>
      %dma_start3A_598 = arith.constant 0 : i32
      %dma_start3A_599 = tpu.memref_slice %arg5[%add3A_591, %dma_start3A_598] : memref<512x50xi32, #tpu.memory_space<vmem>> -> memref<1x50xi32, #tpu.memory_space<vmem>>
      %dma_start3A_600 = tpu.memref_squeeze %dma_start3A_599 : memref<1x50xi32, #tpu.memory_space<vmem>> -> memref<50xi32, #tpu.memory_space<vmem>>
      %dma_start3A_601 = arith.constant 0 : i32
      %dma_start3A_602 = arith.constant 0 : i32
      %dma_start3A_603 = tpu.memref_slice %arg3[%dma_start3A_601, %dma_start3A_602] : memref<1000000x32xf32, #tpu.memory_space<hbm>> -> memref<1000000x32xf32, #tpu.memory_space<hbm>>
      tpu.enqueue_indirect_dma source(%dma_start3A_603 : memref<1000000x32xf32, #tpu.memory_space<hbm>>) target(%dma_start3A_597 : memref<50x32xf32, #tpu.memory_space<vmem>>) offsets(%dma_start3A_600 : memref<50xi32, #tpu.memory_space<vmem>>) semaphore(%arg8 : memref<!tpu.dma_semaphore, #tpu.memory_space<semaphore_mem>>)
      %mul3A_604 = arith.constant 32 : i32
      %mul3A_605 = arith.muli %add3A_443, %mul3A_604 : i32
      %add3A_606 = arith.constant 10 : i32
      %add3A_607 = arith.addi %mul3A_605, %add3A_606 : i32
      %dma_start3A_608 = arith.constant 1 : i32
      %dma_start3A_609 = arith.constant 10 : i32
      %dma_start3A_610 = arith.constant 0 : i32
      %dma_start3A_611 = arith.constant 0 : i32
      %dma_start3A_612 = tpu.memref_slice %arg6[%dma_start3A_608, %dma_start3A_609, %dma_start3A_610, %dma_start3A_611] : memref<2x32x50x32xf32, #tpu.memory_space<vmem>> -> memref<1x1x50x32xf32, #tpu.memory_space<vmem>>
      %dma_start3A_613 = tpu.memref_squeeze %dma_start3A_612 : memref<1x1x50x32xf32, #tpu.memory_space<vmem>> -> memref<50x32xf32, #tpu.memory_space<vmem>>
      %dma_start3A_614 = arith.constant 0 : i32
      %dma_start3A_615 = tpu.memref_slice %arg5[%add3A_607, %dma_start3A_614] : memref<512x50xi32, #tpu.memory_space<vmem>> -> memref<1x50xi32, #tpu.memory_space<vmem>>
      %dma_start3A_616 = tpu.memref_squeeze %dma_start3A_615 : memref<1x50xi32, #tpu.memory_space<vmem>> -> memref<50xi32, #tpu.memory_space<vmem>>
      %dma_start3A_617 = arith.constant 0 : i32
      %dma_start3A_618 = arith.constant 0 : i32
      %dma_start3A_619 = tpu.memref_slice %arg3[%dma_start3A_617, %dma_start3A_618] : memref<1000000x32xf32, #tpu.memory_space<hbm>> -> memref<1000000x32xf32, #tpu.memory_space<hbm>>
      tpu.enqueue_indirect_dma source(%dma_start3A_619 : memref<1000000x32xf32, #tpu.memory_space<hbm>>) target(%dma_start3A_613 : memref<50x32xf32, #tpu.memory_space<vmem>>) offsets(%dma_start3A_616 : memref<50xi32, #tpu.memory_space<vmem>>) semaphore(%arg8 : memref<!tpu.dma_semaphore, #tpu.memory_space<semaphore_mem>>)
      %mul3A_620 = arith.constant 32 : i32
      %mul3A_621 = arith.muli %add3A_443, %mul3A_620 : i32
      %add3A_622 = arith.constant 11 : i32
      %add3A_623 = arith.addi %mul3A_621, %add3A_622 : i32
      %dma_start3A_624 = arith.constant 1 : i32
      %dma_start3A_625 = arith.constant 11 : i32
      %dma_start3A_626 = arith.constant 0 : i32
      %dma_start3A_627 = arith.constant 0 : i32
      %dma_start3A_628 = tpu.memref_slice %arg6[%dma_start3A_624, %dma_start3A_625, %dma_start3A_626, %dma_start3A_627] : memref<2x32x50x32xf32, #tpu.memory_space<vmem>> -> memref<1x1x50x32xf32, #tpu.memory_space<vmem>>
      %dma_start3A_629 = tpu.memref_squeeze %dma_start3A_628 : memref<1x1x50x32xf32, #tpu.memory_space<vmem>> -> memref<50x32xf32, #tpu.memory_space<vmem>>
      %dma_start3A_630 = arith.constant 0 : i32
      %dma_start3A_631 = tpu.memref_slice %arg5[%add3A_623, %dma_start3A_630] : memref<512x50xi32, #tpu.memory_space<vmem>> -> memref<1x50xi32, #tpu.memory_space<vmem>>
      %dma_start3A_632 = tpu.memref_squeeze %dma_start3A_631 : memref<1x50xi32, #tpu.memory_space<vmem>> -> memref<50xi32, #tpu.memory_space<vmem>>
      %dma_start3A_633 = arith.constant 0 : i32
      %dma_start3A_634 = arith.constant 0 : i32
      %dma_start3A_635 = tpu.memref_slice %arg3[%dma_start3A_633, %dma_start3A_634] : memref<1000000x32xf32, #tpu.memory_space<hbm>> -> memref<1000000x32xf32, #tpu.memory_space<hbm>>
      tpu.enqueue_indirect_dma source(%dma_start3A_635 : memref<1000000x32xf32, #tpu.memory_space<hbm>>) target(%dma_start3A_629 : memref<50x32xf32, #tpu.memory_space<vmem>>) offsets(%dma_start3A_632 : memref<50xi32, #tpu.memory_space<vmem>>) semaphore(%arg8 : memref<!tpu.dma_semaphore, #tpu.memory_space<semaphore_mem>>)
      %mul3A_636 = arith.constant 32 : i32
      %mul3A_637 = arith.muli %add3A_443, %mul3A_636 : i32
      %add3A_638 = arith.constant 12 : i32
      %add3A_639 = arith.addi %mul3A_637, %add3A_638 : i32
      %dma_start3A_640 = arith.constant 1 : i32
      %dma_start3A_641 = arith.constant 12 : i32
      %dma_start3A_642 = arith.constant 0 : i32
      %dma_start3A_643 = arith.constant 0 : i32
      %dma_start3A_644 = tpu.memref_slice %arg6[%dma_start3A_640, %dma_start3A_641, %dma_start3A_642, %dma_start3A_643] : memref<2x32x50x32xf32, #tpu.memory_space<vmem>> -> memref<1x1x50x32xf32, #tpu.memory_space<vmem>>
      %dma_start3A_645 = tpu.memref_squeeze %dma_start3A_644 : memref<1x1x50x32xf32, #tpu.memory_space<vmem>> -> memref<50x32xf32, #tpu.memory_space<vmem>>
      %dma_start3A_646 = arith.constant 0 : i32
      %dma_start3A_647 = tpu.memref_slice %arg5[%add3A_639, %dma_start3A_646] : memref<512x50xi32, #tpu.memory_space<vmem>> -> memref<1x50xi32, #tpu.memory_space<vmem>>
      %dma_start3A_648 = tpu.memref_squeeze %dma_start3A_647 : memref<1x50xi32, #tpu.memory_space<vmem>> -> memref<50xi32, #tpu.memory_space<vmem>>
      %dma_start3A_649 = arith.constant 0 : i32
      %dma_start3A_650 = arith.constant 0 : i32
      %dma_start3A_651 = tpu.memref_slice %arg3[%dma_start3A_649, %dma_start3A_650] : memref<1000000x32xf32, #tpu.memory_space<hbm>> -> memref<1000000x32xf32, #tpu.memory_space<hbm>>
      tpu.enqueue_indirect_dma source(%dma_start3A_651 : memref<1000000x32xf32, #tpu.memory_space<hbm>>) target(%dma_start3A_645 : memref<50x32xf32, #tpu.memory_space<vmem>>) offsets(%dma_start3A_648 : memref<50xi32, #tpu.memory_space<vmem>>) semaphore(%arg8 : memref<!tpu.dma_semaphore, #tpu.memory_space<semaphore_mem>>)
      %mul3A_652 = arith.constant 32 : i32
      %mul3A_653 = arith.muli %add3A_443, %mul3A_652 : i32
      %add3A_654 = arith.constant 13 : i32
      %add3A_655 = arith.addi %mul3A_653, %add3A_654 : i32
      %dma_start3A_656 = arith.constant 1 : i32
      %dma_start3A_657 = arith.constant 13 : i32
      %dma_start3A_658 = arith.constant 0 : i32
      %dma_start3A_659 = arith.constant 0 : i32
      %dma_start3A_660 = tpu.memref_slice %arg6[%dma_start3A_656, %dma_start3A_657, %dma_start3A_658, %dma_start3A_659] : memref<2x32x50x32xf32, #tpu.memory_space<vmem>> -> memref<1x1x50x32xf32, #tpu.memory_space<vmem>>
      %dma_start3A_661 = tpu.memref_squeeze %dma_start3A_660 : memref<1x1x50x32xf32, #tpu.memory_space<vmem>> -> memref<50x32xf32, #tpu.memory_space<vmem>>
      %dma_start3A_662 = arith.constant 0 : i32
      %dma_start3A_663 = tpu.memref_slice %arg5[%add3A_655, %dma_start3A_662] : memref<512x50xi32, #tpu.memory_space<vmem>> -> memref<1x50xi32, #tpu.memory_space<vmem>>
      %dma_start3A_664 = tpu.memref_squeeze %dma_start3A_663 : memref<1x50xi32, #tpu.memory_space<vmem>> -> memref<50xi32, #tpu.memory_space<vmem>>
      %dma_start3A_665 = arith.constant 0 : i32
      %dma_start3A_666 = arith.constant 0 : i32
      %dma_start3A_667 = tpu.memref_slice %arg3[%dma_start3A_665, %dma_start3A_666] : memref<1000000x32xf32, #tpu.memory_space<hbm>> -> memref<1000000x32xf32, #tpu.memory_space<hbm>>
      tpu.enqueue_indirect_dma source(%dma_start3A_667 : memref<1000000x32xf32, #tpu.memory_space<hbm>>) target(%dma_start3A_661 : memref<50x32xf32, #tpu.memory_space<vmem>>) offsets(%dma_start3A_664 : memref<50xi32, #tpu.memory_space<vmem>>) semaphore(%arg8 : memref<!tpu.dma_semaphore, #tpu.memory_space<semaphore_mem>>)
      %mul3A_668 = arith.constant 32 : i32
      %mul3A_669 = arith.muli %add3A_443, %mul3A_668 : i32
      %add3A_670 = arith.constant 14 : i32
      %add3A_671 = arith.addi %mul3A_669, %add3A_670 : i32
      %dma_start3A_672 = arith.constant 1 : i32
      %dma_start3A_673 = arith.constant 14 : i32
      %dma_start3A_674 = arith.constant 0 : i32
      %dma_start3A_675 = arith.constant 0 : i32
      %dma_start3A_676 = tpu.memref_slice %arg6[%dma_start3A_672, %dma_start3A_673, %dma_start3A_674, %dma_start3A_675] : memref<2x32x50x32xf32, #tpu.memory_space<vmem>> -> memref<1x1x50x32xf32, #tpu.memory_space<vmem>>
      %dma_start3A_677 = tpu.memref_squeeze %dma_start3A_676 : memref<1x1x50x32xf32, #tpu.memory_space<vmem>> -> memref<50x32xf32, #tpu.memory_space<vmem>>
      %dma_start3A_678 = arith.constant 0 : i32
      %dma_start3A_679 = tpu.memref_slice %arg5[%add3A_671, %dma_start3A_678] : memref<512x50xi32, #tpu.memory_space<vmem>> -> memref<1x50xi32, #tpu.memory_space<vmem>>
      %dma_start3A_680 = tpu.memref_squeeze %dma_start3A_679 : memref<1x50xi32, #tpu.memory_space<vmem>> -> memref<50xi32, #tpu.memory_space<vmem>>
      %dma_start3A_681 = arith.constant 0 : i32
      %dma_start3A_682 = arith.constant 0 : i32
      %dma_start3A_683 = tpu.memref_slice %arg3[%dma_start3A_681, %dma_start3A_682] : memref<1000000x32xf32, #tpu.memory_space<hbm>> -> memref<1000000x32xf32, #tpu.memory_space<hbm>>
      tpu.enqueue_indirect_dma source(%dma_start3A_683 : memref<1000000x32xf32, #tpu.memory_space<hbm>>) target(%dma_start3A_677 : memref<50x32xf32, #tpu.memory_space<vmem>>) offsets(%dma_start3A_680 : memref<50xi32, #tpu.memory_space<vmem>>) semaphore(%arg8 : memref<!tpu.dma_semaphore, #tpu.memory_space<semaphore_mem>>)
      %mul3A_684 = arith.constant 32 : i32
      %mul3A_685 = arith.muli %add3A_443, %mul3A_684 : i32
      %add3A_686 = arith.constant 15 : i32
      %add3A_687 = arith.addi %mul3A_685, %add3A_686 : i32
      %dma_start3A_688 = arith.constant 1 : i32
      %dma_start3A_689 = arith.constant 15 : i32
      %dma_start3A_690 = arith.constant 0 : i32
      %dma_start3A_691 = arith.constant 0 : i32
      %dma_start3A_692 = tpu.memref_slice %arg6[%dma_start3A_688, %dma_start3A_689, %dma_start3A_690, %dma_start3A_691] : memref<2x32x50x32xf32, #tpu.memory_space<vmem>> -> memref<1x1x50x32xf32, #tpu.memory_space<vmem>>
      %dma_start3A_693 = tpu.memref_squeeze %dma_start3A_692 : memref<1x1x50x32xf32, #tpu.memory_space<vmem>> -> memref<50x32xf32, #tpu.memory_space<vmem>>
      %dma_start3A_694 = arith.constant 0 : i32
      %dma_start3A_695 = tpu.memref_slice %arg5[%add3A_687, %dma_start3A_694] : memref<512x50xi32, #tpu.memory_space<vmem>> -> memref<1x50xi32, #tpu.memory_space<vmem>>
      %dma_start3A_696 = tpu.memref_squeeze %dma_start3A_695 : memref<1x50xi32, #tpu.memory_space<vmem>> -> memref<50xi32, #tpu.memory_space<vmem>>
      %dma_start3A_697 = arith.constant 0 : i32
      %dma_start3A_698 = arith.constant 0 : i32
      %dma_start3A_699 = tpu.memref_slice %arg3[%dma_start3A_697, %dma_start3A_698] : memref<1000000x32xf32, #tpu.memory_space<hbm>> -> memref<1000000x32xf32, #tpu.memory_space<hbm>>
      tpu.enqueue_indirect_dma source(%dma_start3A_699 : memref<1000000x32xf32, #tpu.memory_space<hbm>>) target(%dma_start3A_693 : memref<50x32xf32, #tpu.memory_space<vmem>>) offsets(%dma_start3A_696 : memref<50xi32, #tpu.memory_space<vmem>>) semaphore(%arg8 : memref<!tpu.dma_semaphore, #tpu.memory_space<semaphore_mem>>)
      %mul3A_700 = arith.constant 32 : i32
      %mul3A_701 = arith.muli %add3A_443, %mul3A_700 : i32
      %add3A_702 = arith.constant 16 : i32
      %add3A_703 = arith.addi %mul3A_701, %add3A_702 : i32
      %dma_start3A_704 = arith.constant 1 : i32
      %dma_start3A_705 = arith.constant 16 : i32
      %dma_start3A_706 = arith.constant 0 : i32
      %dma_start3A_707 = arith.constant 0 : i32
      %dma_start3A_708 = tpu.memref_slice %arg6[%dma_start3A_704, %dma_start3A_705, %dma_start3A_706, %dma_start3A_707] : memref<2x32x50x32xf32, #tpu.memory_space<vmem>> -> memref<1x1x50x32xf32, #tpu.memory_space<vmem>>
      %dma_start3A_709 = tpu.memref_squeeze %dma_start3A_708 : memref<1x1x50x32xf32, #tpu.memory_space<vmem>> -> memref<50x32xf32, #tpu.memory_space<vmem>>
      %dma_start3A_710 = arith.constant 0 : i32
      %dma_start3A_711 = tpu.memref_slice %arg5[%add3A_703, %dma_start3A_710] : memref<512x50xi32, #tpu.memory_space<vmem>> -> memref<1x50xi32, #tpu.memory_space<vmem>>
      %dma_start3A_712 = tpu.memref_squeeze %dma_start3A_711 : memref<1x50xi32, #tpu.memory_space<vmem>> -> memref<50xi32, #tpu.memory_space<vmem>>
      %dma_start3A_713 = arith.constant 0 : i32
      %dma_start3A_714 = arith.constant 0 : i32
      %dma_start3A_715 = tpu.memref_slice %arg3[%dma_start3A_713, %dma_start3A_714] : memref<1000000x32xf32, #tpu.memory_space<hbm>> -> memref<1000000x32xf32, #tpu.memory_space<hbm>>
      tpu.enqueue_indirect_dma source(%dma_start3A_715 : memref<1000000x32xf32, #tpu.memory_space<hbm>>) target(%dma_start3A_709 : memref<50x32xf32, #tpu.memory_space<vmem>>) offsets(%dma_start3A_712 : memref<50xi32, #tpu.memory_space<vmem>>) semaphore(%arg8 : memref<!tpu.dma_semaphore, #tpu.memory_space<semaphore_mem>>)
      %mul3A_716 = arith.constant 32 : i32
      %mul3A_717 = arith.muli %add3A_443, %mul3A_716 : i32
      %add3A_718 = arith.constant 17 : i32
      %add3A_719 = arith.addi %mul3A_717, %add3A_718 : i32
      %dma_start3A_720 = arith.constant 1 : i32
      %dma_start3A_721 = arith.constant 17 : i32
      %dma_start3A_722 = arith.constant 0 : i32
      %dma_start3A_723 = arith.constant 0 : i32
      %dma_start3A_724 = tpu.memref_slice %arg6[%dma_start3A_720, %dma_start3A_721, %dma_start3A_722, %dma_start3A_723] : memref<2x32x50x32xf32, #tpu.memory_space<vmem>> -> memref<1x1x50x32xf32, #tpu.memory_space<vmem>>
      %dma_start3A_725 = tpu.memref_squeeze %dma_start3A_724 : memref<1x1x50x32xf32, #tpu.memory_space<vmem>> -> memref<50x32xf32, #tpu.memory_space<vmem>>
      %dma_start3A_726 = arith.constant 0 : i32
      %dma_start3A_727 = tpu.memref_slice %arg5[%add3A_719, %dma_start3A_726] : memref<512x50xi32, #tpu.memory_space<vmem>> -> memref<1x50xi32, #tpu.memory_space<vmem>>
      %dma_start3A_728 = tpu.memref_squeeze %dma_start3A_727 : memref<1x50xi32, #tpu.memory_space<vmem>> -> memref<50xi32, #tpu.memory_space<vmem>>
      %dma_start3A_729 = arith.constant 0 : i32
      %dma_start3A_730 = arith.constant 0 : i32
      %dma_start3A_731 = tpu.memref_slice %arg3[%dma_start3A_729, %dma_start3A_730] : memref<1000000x32xf32, #tpu.memory_space<hbm>> -> memref<1000000x32xf32, #tpu.memory_space<hbm>>
      tpu.enqueue_indirect_dma source(%dma_start3A_731 : memref<1000000x32xf32, #tpu.memory_space<hbm>>) target(%dma_start3A_725 : memref<50x32xf32, #tpu.memory_space<vmem>>) offsets(%dma_start3A_728 : memref<50xi32, #tpu.memory_space<vmem>>) semaphore(%arg8 : memref<!tpu.dma_semaphore, #tpu.memory_space<semaphore_mem>>)
      %mul3A_732 = arith.constant 32 : i32
      %mul3A_733 = arith.muli %add3A_443, %mul3A_732 : i32
      %add3A_734 = arith.constant 18 : i32
      %add3A_735 = arith.addi %mul3A_733, %add3A_734 : i32
      %dma_start3A_736 = arith.constant 1 : i32
      %dma_start3A_737 = arith.constant 18 : i32
      %dma_start3A_738 = arith.constant 0 : i32
      %dma_start3A_739 = arith.constant 0 : i32
      %dma_start3A_740 = tpu.memref_slice %arg6[%dma_start3A_736, %dma_start3A_737, %dma_start3A_738, %dma_start3A_739] : memref<2x32x50x32xf32, #tpu.memory_space<vmem>> -> memref<1x1x50x32xf32, #tpu.memory_space<vmem>>
      %dma_start3A_741 = tpu.memref_squeeze %dma_start3A_740 : memref<1x1x50x32xf32, #tpu.memory_space<vmem>> -> memref<50x32xf32, #tpu.memory_space<vmem>>
      %dma_start3A_742 = arith.constant 0 : i32
      %dma_start3A_743 = tpu.memref_slice %arg5[%add3A_735, %dma_start3A_742] : memref<512x50xi32, #tpu.memory_space<vmem>> -> memref<1x50xi32, #tpu.memory_space<vmem>>
      %dma_start3A_744 = tpu.memref_squeeze %dma_start3A_743 : memref<1x50xi32, #tpu.memory_space<vmem>> -> memref<50xi32, #tpu.memory_space<vmem>>
      %dma_start3A_745 = arith.constant 0 : i32
      %dma_start3A_746 = arith.constant 0 : i32
      %dma_start3A_747 = tpu.memref_slice %arg3[%dma_start3A_745, %dma_start3A_746] : memref<1000000x32xf32, #tpu.memory_space<hbm>> -> memref<1000000x32xf32, #tpu.memory_space<hbm>>
      tpu.enqueue_indirect_dma source(%dma_start3A_747 : memref<1000000x32xf32, #tpu.memory_space<hbm>>) target(%dma_start3A_741 : memref<50x32xf32, #tpu.memory_space<vmem>>) offsets(%dma_start3A_744 : memref<50xi32, #tpu.memory_space<vmem>>) semaphore(%arg8 : memref<!tpu.dma_semaphore, #tpu.memory_space<semaphore_mem>>)
      %mul3A_748 = arith.constant 32 : i32
      %mul3A_749 = arith.muli %add3A_443, %mul3A_748 : i32
      %add3A_750 = arith.constant 19 : i32
      %add3A_751 = arith.addi %mul3A_749, %add3A_750 : i32
      %dma_start3A_752 = arith.constant 1 : i32
      %dma_start3A_753 = arith.constant 19 : i32
      %dma_start3A_754 = arith.constant 0 : i32
      %dma_start3A_755 = arith.constant 0 : i32
      %dma_start3A_756 = tpu.memref_slice %arg6[%dma_start3A_752, %dma_start3A_753, %dma_start3A_754, %dma_start3A_755] : memref<2x32x50x32xf32, #tpu.memory_space<vmem>> -> memref<1x1x50x32xf32, #tpu.memory_space<vmem>>
      %dma_start3A_757 = tpu.memref_squeeze %dma_start3A_756 : memref<1x1x50x32xf32, #tpu.memory_space<vmem>> -> memref<50x32xf32, #tpu.memory_space<vmem>>
      %dma_start3A_758 = arith.constant 0 : i32
      %dma_start3A_759 = tpu.memref_slice %arg5[%add3A_751, %dma_start3A_758] : memref<512x50xi32, #tpu.memory_space<vmem>> -> memref<1x50xi32, #tpu.memory_space<vmem>>
      %dma_start3A_760 = tpu.memref_squeeze %dma_start3A_759 : memref<1x50xi32, #tpu.memory_space<vmem>> -> memref<50xi32, #tpu.memory_space<vmem>>
      %dma_start3A_761 = arith.constant 0 : i32
      %dma_start3A_762 = arith.constant 0 : i32
      %dma_start3A_763 = tpu.memref_slice %arg3[%dma_start3A_761, %dma_start3A_762] : memref<1000000x32xf32, #tpu.memory_space<hbm>> -> memref<1000000x32xf32, #tpu.memory_space<hbm>>
      tpu.enqueue_indirect_dma source(%dma_start3A_763 : memref<1000000x32xf32, #tpu.memory_space<hbm>>) target(%dma_start3A_757 : memref<50x32xf32, #tpu.memory_space<vmem>>) offsets(%dma_start3A_760 : memref<50xi32, #tpu.memory_space<vmem>>) semaphore(%arg8 : memref<!tpu.dma_semaphore, #tpu.memory_space<semaphore_mem>>)
      %mul3A_764 = arith.constant 32 : i32
      %mul3A_765 = arith.muli %add3A_443, %mul3A_764 : i32
      %add3A_766 = arith.constant 20 : i32
      %add3A_767 = arith.addi %mul3A_765, %add3A_766 : i32
      %dma_start3A_768 = arith.constant 1 : i32
      %dma_start3A_769 = arith.constant 20 : i32
      %dma_start3A_770 = arith.constant 0 : i32
      %dma_start3A_771 = arith.constant 0 : i32
      %dma_start3A_772 = tpu.memref_slice %arg6[%dma_start3A_768, %dma_start3A_769, %dma_start3A_770, %dma_start3A_771] : memref<2x32x50x32xf32, #tpu.memory_space<vmem>> -> memref<1x1x50x32xf32, #tpu.memory_space<vmem>>
      %dma_start3A_773 = tpu.memref_squeeze %dma_start3A_772 : memref<1x1x50x32xf32, #tpu.memory_space<vmem>> -> memref<50x32xf32, #tpu.memory_space<vmem>>
      %dma_start3A_774 = arith.constant 0 : i32
      %dma_start3A_775 = tpu.memref_slice %arg5[%add3A_767, %dma_start3A_774] : memref<512x50xi32, #tpu.memory_space<vmem>> -> memref<1x50xi32, #tpu.memory_space<vmem>>
      %dma_start3A_776 = tpu.memref_squeeze %dma_start3A_775 : memref<1x50xi32, #tpu.memory_space<vmem>> -> memref<50xi32, #tpu.memory_space<vmem>>
      %dma_start3A_777 = arith.constant 0 : i32
      %dma_start3A_778 = arith.constant 0 : i32
      %dma_start3A_779 = tpu.memref_slice %arg3[%dma_start3A_777, %dma_start3A_778] : memref<1000000x32xf32, #tpu.memory_space<hbm>> -> memref<1000000x32xf32, #tpu.memory_space<hbm>>
      tpu.enqueue_indirect_dma source(%dma_start3A_779 : memref<1000000x32xf32, #tpu.memory_space<hbm>>) target(%dma_start3A_773 : memref<50x32xf32, #tpu.memory_space<vmem>>) offsets(%dma_start3A_776 : memref<50xi32, #tpu.memory_space<vmem>>) semaphore(%arg8 : memref<!tpu.dma_semaphore, #tpu.memory_space<semaphore_mem>>)
      %mul3A_780 = arith.constant 32 : i32
      %mul3A_781 = arith.muli %add3A_443, %mul3A_780 : i32
      %add3A_782 = arith.constant 21 : i32
      %add3A_783 = arith.addi %mul3A_781, %add3A_782 : i32
      %dma_start3A_784 = arith.constant 1 : i32
      %dma_start3A_785 = arith.constant 21 : i32
      %dma_start3A_786 = arith.constant 0 : i32
      %dma_start3A_787 = arith.constant 0 : i32
      %dma_start3A_788 = tpu.memref_slice %arg6[%dma_start3A_784, %dma_start3A_785, %dma_start3A_786, %dma_start3A_787] : memref<2x32x50x32xf32, #tpu.memory_space<vmem>> -> memref<1x1x50x32xf32, #tpu.memory_space<vmem>>
      %dma_start3A_789 = tpu.memref_squeeze %dma_start3A_788 : memref<1x1x50x32xf32, #tpu.memory_space<vmem>> -> memref<50x32xf32, #tpu.memory_space<vmem>>
      %dma_start3A_790 = arith.constant 0 : i32
      %dma_start3A_791 = tpu.memref_slice %arg5[%add3A_783, %dma_start3A_790] : memref<512x50xi32, #tpu.memory_space<vmem>> -> memref<1x50xi32, #tpu.memory_space<vmem>>
      %dma_start3A_792 = tpu.memref_squeeze %dma_start3A_791 : memref<1x50xi32, #tpu.memory_space<vmem>> -> memref<50xi32, #tpu.memory_space<vmem>>
      %dma_start3A_793 = arith.constant 0 : i32
      %dma_start3A_794 = arith.constant 0 : i32
      %dma_start3A_795 = tpu.memref_slice %arg3[%dma_start3A_793, %dma_start3A_794] : memref<1000000x32xf32, #tpu.memory_space<hbm>> -> memref<1000000x32xf32, #tpu.memory_space<hbm>>
      tpu.enqueue_indirect_dma source(%dma_start3A_795 : memref<1000000x32xf32, #tpu.memory_space<hbm>>) target(%dma_start3A_789 : memref<50x32xf32, #tpu.memory_space<vmem>>) offsets(%dma_start3A_792 : memref<50xi32, #tpu.memory_space<vmem>>) semaphore(%arg8 : memref<!tpu.dma_semaphore, #tpu.memory_space<semaphore_mem>>)
      %mul3A_796 = arith.constant 32 : i32
      %mul3A_797 = arith.muli %add3A_443, %mul3A_796 : i32
      %add3A_798 = arith.constant 22 : i32
      %add3A_799 = arith.addi %mul3A_797, %add3A_798 : i32
      %dma_start3A_800 = arith.constant 1 : i32
      %dma_start3A_801 = arith.constant 22 : i32
      %dma_start3A_802 = arith.constant 0 : i32
      %dma_start3A_803 = arith.constant 0 : i32
      %dma_start3A_804 = tpu.memref_slice %arg6[%dma_start3A_800, %dma_start3A_801, %dma_start3A_802, %dma_start3A_803] : memref<2x32x50x32xf32, #tpu.memory_space<vmem>> -> memref<1x1x50x32xf32, #tpu.memory_space<vmem>>
      %dma_start3A_805 = tpu.memref_squeeze %dma_start3A_804 : memref<1x1x50x32xf32, #tpu.memory_space<vmem>> -> memref<50x32xf32, #tpu.memory_space<vmem>>
      %dma_start3A_806 = arith.constant 0 : i32
      %dma_start3A_807 = tpu.memref_slice %arg5[%add3A_799, %dma_start3A_806] : memref<512x50xi32, #tpu.memory_space<vmem>> -> memref<1x50xi32, #tpu.memory_space<vmem>>
      %dma_start3A_808 = tpu.memref_squeeze %dma_start3A_807 : memref<1x50xi32, #tpu.memory_space<vmem>> -> memref<50xi32, #tpu.memory_space<vmem>>
      %dma_start3A_809 = arith.constant 0 : i32
      %dma_start3A_810 = arith.constant 0 : i32
      %dma_start3A_811 = tpu.memref_slice %arg3[%dma_start3A_809, %dma_start3A_810] : memref<1000000x32xf32, #tpu.memory_space<hbm>> -> memref<1000000x32xf32, #tpu.memory_space<hbm>>
      tpu.enqueue_indirect_dma source(%dma_start3A_811 : memref<1000000x32xf32, #tpu.memory_space<hbm>>) target(%dma_start3A_805 : memref<50x32xf32, #tpu.memory_space<vmem>>) offsets(%dma_start3A_808 : memref<50xi32, #tpu.memory_space<vmem>>) semaphore(%arg8 : memref<!tpu.dma_semaphore, #tpu.memory_space<semaphore_mem>>)
      %mul3A_812 = arith.constant 32 : i32
      %mul3A_813 = arith.muli %add3A_443, %mul3A_812 : i32
      %add3A_814 = arith.constant 23 : i32
      %add3A_815 = arith.addi %mul3A_813, %add3A_814 : i32
      %dma_start3A_816 = arith.constant 1 : i32
      %dma_start3A_817 = arith.constant 23 : i32
      %dma_start3A_818 = arith.constant 0 : i32
      %dma_start3A_819 = arith.constant 0 : i32
      %dma_start3A_820 = tpu.memref_slice %arg6[%dma_start3A_816, %dma_start3A_817, %dma_start3A_818, %dma_start3A_819] : memref<2x32x50x32xf32, #tpu.memory_space<vmem>> -> memref<1x1x50x32xf32, #tpu.memory_space<vmem>>
      %dma_start3A_821 = tpu.memref_squeeze %dma_start3A_820 : memref<1x1x50x32xf32, #tpu.memory_space<vmem>> -> memref<50x32xf32, #tpu.memory_space<vmem>>
      %dma_start3A_822 = arith.constant 0 : i32
      %dma_start3A_823 = tpu.memref_slice %arg5[%add3A_815, %dma_start3A_822] : memref<512x50xi32, #tpu.memory_space<vmem>> -> memref<1x50xi32, #tpu.memory_space<vmem>>
      %dma_start3A_824 = tpu.memref_squeeze %dma_start3A_823 : memref<1x50xi32, #tpu.memory_space<vmem>> -> memref<50xi32, #tpu.memory_space<vmem>>
      %dma_start3A_825 = arith.constant 0 : i32
      %dma_start3A_826 = arith.constant 0 : i32
      %dma_start3A_827 = tpu.memref_slice %arg3[%dma_start3A_825, %dma_start3A_826] : memref<1000000x32xf32, #tpu.memory_space<hbm>> -> memref<1000000x32xf32, #tpu.memory_space<hbm>>
      tpu.enqueue_indirect_dma source(%dma_start3A_827 : memref<1000000x32xf32, #tpu.memory_space<hbm>>) target(%dma_start3A_821 : memref<50x32xf32, #tpu.memory_space<vmem>>) offsets(%dma_start3A_824 : memref<50xi32, #tpu.memory_space<vmem>>) semaphore(%arg8 : memref<!tpu.dma_semaphore, #tpu.memory_space<semaphore_mem>>)
      %mul3A_828 = arith.constant 32 : i32
      %mul3A_829 = arith.muli %add3A_443, %mul3A_828 : i32
      %add3A_830 = arith.constant 24 : i32
      %add3A_831 = arith.addi %mul3A_829, %add3A_830 : i32
      %dma_start3A_832 = arith.constant 1 : i32
      %dma_start3A_833 = arith.constant 24 : i32
      %dma_start3A_834 = arith.constant 0 : i32
      %dma_start3A_835 = arith.constant 0 : i32
      %dma_start3A_836 = tpu.memref_slice %arg6[%dma_start3A_832, %dma_start3A_833, %dma_start3A_834, %dma_start3A_835] : memref<2x32x50x32xf32, #tpu.memory_space<vmem>> -> memref<1x1x50x32xf32, #tpu.memory_space<vmem>>
      %dma_start3A_837 = tpu.memref_squeeze %dma_start3A_836 : memref<1x1x50x32xf32, #tpu.memory_space<vmem>> -> memref<50x32xf32, #tpu.memory_space<vmem>>
      %dma_start3A_838 = arith.constant 0 : i32
      %dma_start3A_839 = tpu.memref_slice %arg5[%add3A_831, %dma_start3A_838] : memref<512x50xi32, #tpu.memory_space<vmem>> -> memref<1x50xi32, #tpu.memory_space<vmem>>
      %dma_start3A_840 = tpu.memref_squeeze %dma_start3A_839 : memref<1x50xi32, #tpu.memory_space<vmem>> -> memref<50xi32, #tpu.memory_space<vmem>>
      %dma_start3A_841 = arith.constant 0 : i32
      %dma_start3A_842 = arith.constant 0 : i32
      %dma_start3A_843 = tpu.memref_slice %arg3[%dma_start3A_841, %dma_start3A_842] : memref<1000000x32xf32, #tpu.memory_space<hbm>> -> memref<1000000x32xf32, #tpu.memory_space<hbm>>
      tpu.enqueue_indirect_dma source(%dma_start3A_843 : memref<1000000x32xf32, #tpu.memory_space<hbm>>) target(%dma_start3A_837 : memref<50x32xf32, #tpu.memory_space<vmem>>) offsets(%dma_start3A_840 : memref<50xi32, #tpu.memory_space<vmem>>) semaphore(%arg8 : memref<!tpu.dma_semaphore, #tpu.memory_space<semaphore_mem>>)
      %mul3A_844 = arith.constant 32 : i32
      %mul3A_845 = arith.muli %add3A_443, %mul3A_844 : i32
      %add3A_846 = arith.constant 25 : i32
      %add3A_847 = arith.addi %mul3A_845, %add3A_846 : i32
      %dma_start3A_848 = arith.constant 1 : i32
      %dma_start3A_849 = arith.constant 25 : i32
      %dma_start3A_850 = arith.constant 0 : i32
      %dma_start3A_851 = arith.constant 0 : i32
      %dma_start3A_852 = tpu.memref_slice %arg6[%dma_start3A_848, %dma_start3A_849, %dma_start3A_850, %dma_start3A_851] : memref<2x32x50x32xf32, #tpu.memory_space<vmem>> -> memref<1x1x50x32xf32, #tpu.memory_space<vmem>>
      %dma_start3A_853 = tpu.memref_squeeze %dma_start3A_852 : memref<1x1x50x32xf32, #tpu.memory_space<vmem>> -> memref<50x32xf32, #tpu.memory_space<vmem>>
      %dma_start3A_854 = arith.constant 0 : i32
      %dma_start3A_855 = tpu.memref_slice %arg5[%add3A_847, %dma_start3A_854] : memref<512x50xi32, #tpu.memory_space<vmem>> -> memref<1x50xi32, #tpu.memory_space<vmem>>
      %dma_start3A_856 = tpu.memref_squeeze %dma_start3A_855 : memref<1x50xi32, #tpu.memory_space<vmem>> -> memref<50xi32, #tpu.memory_space<vmem>>
      %dma_start3A_857 = arith.constant 0 : i32
      %dma_start3A_858 = arith.constant 0 : i32
      %dma_start3A_859 = tpu.memref_slice %arg3[%dma_start3A_857, %dma_start3A_858] : memref<1000000x32xf32, #tpu.memory_space<hbm>> -> memref<1000000x32xf32, #tpu.memory_space<hbm>>
      tpu.enqueue_indirect_dma source(%dma_start3A_859 : memref<1000000x32xf32, #tpu.memory_space<hbm>>) target(%dma_start3A_853 : memref<50x32xf32, #tpu.memory_space<vmem>>) offsets(%dma_start3A_856 : memref<50xi32, #tpu.memory_space<vmem>>) semaphore(%arg8 : memref<!tpu.dma_semaphore, #tpu.memory_space<semaphore_mem>>)
      %mul3A_860 = arith.constant 32 : i32
      %mul3A_861 = arith.muli %add3A_443, %mul3A_860 : i32
      %add3A_862 = arith.constant 26 : i32
      %add3A_863 = arith.addi %mul3A_861, %add3A_862 : i32
      %dma_start3A_864 = arith.constant 1 : i32
      %dma_start3A_865 = arith.constant 26 : i32
      %dma_start3A_866 = arith.constant 0 : i32
      %dma_start3A_867 = arith.constant 0 : i32
      %dma_start3A_868 = tpu.memref_slice %arg6[%dma_start3A_864, %dma_start3A_865, %dma_start3A_866, %dma_start3A_867] : memref<2x32x50x32xf32, #tpu.memory_space<vmem>> -> memref<1x1x50x32xf32, #tpu.memory_space<vmem>>
      %dma_start3A_869 = tpu.memref_squeeze %dma_start3A_868 : memref<1x1x50x32xf32, #tpu.memory_space<vmem>> -> memref<50x32xf32, #tpu.memory_space<vmem>>
      %dma_start3A_870 = arith.constant 0 : i32
      %dma_start3A_871 = tpu.memref_slice %arg5[%add3A_863, %dma_start3A_870] : memref<512x50xi32, #tpu.memory_space<vmem>> -> memref<1x50xi32, #tpu.memory_space<vmem>>
      %dma_start3A_872 = tpu.memref_squeeze %dma_start3A_871 : memref<1x50xi32, #tpu.memory_space<vmem>> -> memref<50xi32, #tpu.memory_space<vmem>>
      %dma_start3A_873 = arith.constant 0 : i32
      %dma_start3A_874 = arith.constant 0 : i32
      %dma_start3A_875 = tpu.memref_slice %arg3[%dma_start3A_873, %dma_start3A_874] : memref<1000000x32xf32, #tpu.memory_space<hbm>> -> memref<1000000x32xf32, #tpu.memory_space<hbm>>
      tpu.enqueue_indirect_dma source(%dma_start3A_875 : memref<1000000x32xf32, #tpu.memory_space<hbm>>) target(%dma_start3A_869 : memref<50x32xf32, #tpu.memory_space<vmem>>) offsets(%dma_start3A_872 : memref<50xi32, #tpu.memory_space<vmem>>) semaphore(%arg8 : memref<!tpu.dma_semaphore, #tpu.memory_space<semaphore_mem>>)
      %mul3A_876 = arith.constant 32 : i32
      %mul3A_877 = arith.muli %add3A_443, %mul3A_876 : i32
      %add3A_878 = arith.constant 27 : i32
      %add3A_879 = arith.addi %mul3A_877, %add3A_878 : i32
      %dma_start3A_880 = arith.constant 1 : i32
      %dma_start3A_881 = arith.constant 27 : i32
      %dma_start3A_882 = arith.constant 0 : i32
      %dma_start3A_883 = arith.constant 0 : i32
      %dma_start3A_884 = tpu.memref_slice %arg6[%dma_start3A_880, %dma_start3A_881, %dma_start3A_882, %dma_start3A_883] : memref<2x32x50x32xf32, #tpu.memory_space<vmem>> -> memref<1x1x50x32xf32, #tpu.memory_space<vmem>>
      %dma_start3A_885 = tpu.memref_squeeze %dma_start3A_884 : memref<1x1x50x32xf32, #tpu.memory_space<vmem>> -> memref<50x32xf32, #tpu.memory_space<vmem>>
      %dma_start3A_886 = arith.constant 0 : i32
      %dma_start3A_887 = tpu.memref_slice %arg5[%add3A_879, %dma_start3A_886] : memref<512x50xi32, #tpu.memory_space<vmem>> -> memref<1x50xi32, #tpu.memory_space<vmem>>
      %dma_start3A_888 = tpu.memref_squeeze %dma_start3A_887 : memref<1x50xi32, #tpu.memory_space<vmem>> -> memref<50xi32, #tpu.memory_space<vmem>>
      %dma_start3A_889 = arith.constant 0 : i32
      %dma_start3A_890 = arith.constant 0 : i32
      %dma_start3A_891 = tpu.memref_slice %arg3[%dma_start3A_889, %dma_start3A_890] : memref<1000000x32xf32, #tpu.memory_space<hbm>> -> memref<1000000x32xf32, #tpu.memory_space<hbm>>
      tpu.enqueue_indirect_dma source(%dma_start3A_891 : memref<1000000x32xf32, #tpu.memory_space<hbm>>) target(%dma_start3A_885 : memref<50x32xf32, #tpu.memory_space<vmem>>) offsets(%dma_start3A_888 : memref<50xi32, #tpu.memory_space<vmem>>) semaphore(%arg8 : memref<!tpu.dma_semaphore, #tpu.memory_space<semaphore_mem>>)
      %mul3A_892 = arith.constant 32 : i32
      %mul3A_893 = arith.muli %add3A_443, %mul3A_892 : i32
      %add3A_894 = arith.constant 28 : i32
      %add3A_895 = arith.addi %mul3A_893, %add3A_894 : i32
      %dma_start3A_896 = arith.constant 1 : i32
      %dma_start3A_897 = arith.constant 28 : i32
      %dma_start3A_898 = arith.constant 0 : i32
      %dma_start3A_899 = arith.constant 0 : i32
      %dma_start3A_900 = tpu.memref_slice %arg6[%dma_start3A_896, %dma_start3A_897, %dma_start3A_898, %dma_start3A_899] : memref<2x32x50x32xf32, #tpu.memory_space<vmem>> -> memref<1x1x50x32xf32, #tpu.memory_space<vmem>>
      %dma_start3A_901 = tpu.memref_squeeze %dma_start3A_900 : memref<1x1x50x32xf32, #tpu.memory_space<vmem>> -> memref<50x32xf32, #tpu.memory_space<vmem>>
      %dma_start3A_902 = arith.constant 0 : i32
      %dma_start3A_903 = tpu.memref_slice %arg5[%add3A_895, %dma_start3A_902] : memref<512x50xi32, #tpu.memory_space<vmem>> -> memref<1x50xi32, #tpu.memory_space<vmem>>
      %dma_start3A_904 = tpu.memref_squeeze %dma_start3A_903 : memref<1x50xi32, #tpu.memory_space<vmem>> -> memref<50xi32, #tpu.memory_space<vmem>>
      %dma_start3A_905 = arith.constant 0 : i32
      %dma_start3A_906 = arith.constant 0 : i32
      %dma_start3A_907 = tpu.memref_slice %arg3[%dma_start3A_905, %dma_start3A_906] : memref<1000000x32xf32, #tpu.memory_space<hbm>> -> memref<1000000x32xf32, #tpu.memory_space<hbm>>
      tpu.enqueue_indirect_dma source(%dma_start3A_907 : memref<1000000x32xf32, #tpu.memory_space<hbm>>) target(%dma_start3A_901 : memref<50x32xf32, #tpu.memory_space<vmem>>) offsets(%dma_start3A_904 : memref<50xi32, #tpu.memory_space<vmem>>) semaphore(%arg8 : memref<!tpu.dma_semaphore, #tpu.memory_space<semaphore_mem>>)
      %mul3A_908 = arith.constant 32 : i32
      %mul3A_909 = arith.muli %add3A_443, %mul3A_908 : i32
      %add3A_910 = arith.constant 29 : i32
      %add3A_911 = arith.addi %mul3A_909, %add3A_910 : i32
      %dma_start3A_912 = arith.constant 1 : i32
      %dma_start3A_913 = arith.constant 29 : i32
      %dma_start3A_914 = arith.constant 0 : i32
      %dma_start3A_915 = arith.constant 0 : i32
      %dma_start3A_916 = tpu.memref_slice %arg6[%dma_start3A_912, %dma_start3A_913, %dma_start3A_914, %dma_start3A_915] : memref<2x32x50x32xf32, #tpu.memory_space<vmem>> -> memref<1x1x50x32xf32, #tpu.memory_space<vmem>>
      %dma_start3A_917 = tpu.memref_squeeze %dma_start3A_916 : memref<1x1x50x32xf32, #tpu.memory_space<vmem>> -> memref<50x32xf32, #tpu.memory_space<vmem>>
      %dma_start3A_918 = arith.constant 0 : i32
      %dma_start3A_919 = tpu.memref_slice %arg5[%add3A_911, %dma_start3A_918] : memref<512x50xi32, #tpu.memory_space<vmem>> -> memref<1x50xi32, #tpu.memory_space<vmem>>
      %dma_start3A_920 = tpu.memref_squeeze %dma_start3A_919 : memref<1x50xi32, #tpu.memory_space<vmem>> -> memref<50xi32, #tpu.memory_space<vmem>>
      %dma_start3A_921 = arith.constant 0 : i32
      %dma_start3A_922 = arith.constant 0 : i32
      %dma_start3A_923 = tpu.memref_slice %arg3[%dma_start3A_921, %dma_start3A_922] : memref<1000000x32xf32, #tpu.memory_space<hbm>> -> memref<1000000x32xf32, #tpu.memory_space<hbm>>
      tpu.enqueue_indirect_dma source(%dma_start3A_923 : memref<1000000x32xf32, #tpu.memory_space<hbm>>) target(%dma_start3A_917 : memref<50x32xf32, #tpu.memory_space<vmem>>) offsets(%dma_start3A_920 : memref<50xi32, #tpu.memory_space<vmem>>) semaphore(%arg8 : memref<!tpu.dma_semaphore, #tpu.memory_space<semaphore_mem>>)
      %mul3A_924 = arith.constant 32 : i32
      %mul3A_925 = arith.muli %add3A_443, %mul3A_924 : i32
      %add3A_926 = arith.constant 30 : i32
      %add3A_927 = arith.addi %mul3A_925, %add3A_926 : i32
      %dma_start3A_928 = arith.constant 1 : i32
      %dma_start3A_929 = arith.constant 30 : i32
      %dma_start3A_930 = arith.constant 0 : i32
      %dma_start3A_931 = arith.constant 0 : i32
      %dma_start3A_932 = tpu.memref_slice %arg6[%dma_start3A_928, %dma_start3A_929, %dma_start3A_930, %dma_start3A_931] : memref<2x32x50x32xf32, #tpu.memory_space<vmem>> -> memref<1x1x50x32xf32, #tpu.memory_space<vmem>>
      %dma_start3A_933 = tpu.memref_squeeze %dma_start3A_932 : memref<1x1x50x32xf32, #tpu.memory_space<vmem>> -> memref<50x32xf32, #tpu.memory_space<vmem>>
      %dma_start3A_934 = arith.constant 0 : i32
      %dma_start3A_935 = tpu.memref_slice %arg5[%add3A_927, %dma_start3A_934] : memref<512x50xi32, #tpu.memory_space<vmem>> -> memref<1x50xi32, #tpu.memory_space<vmem>>
      %dma_start3A_936 = tpu.memref_squeeze %dma_start3A_935 : memref<1x50xi32, #tpu.memory_space<vmem>> -> memref<50xi32, #tpu.memory_space<vmem>>
      %dma_start3A_937 = arith.constant 0 : i32
      %dma_start3A_938 = arith.constant 0 : i32
      %dma_start3A_939 = tpu.memref_slice %arg3[%dma_start3A_937, %dma_start3A_938] : memref<1000000x32xf32, #tpu.memory_space<hbm>> -> memref<1000000x32xf32, #tpu.memory_space<hbm>>
      tpu.enqueue_indirect_dma source(%dma_start3A_939 : memref<1000000x32xf32, #tpu.memory_space<hbm>>) target(%dma_start3A_933 : memref<50x32xf32, #tpu.memory_space<vmem>>) offsets(%dma_start3A_936 : memref<50xi32, #tpu.memory_space<vmem>>) semaphore(%arg8 : memref<!tpu.dma_semaphore, #tpu.memory_space<semaphore_mem>>)
      %mul3A_940 = arith.constant 32 : i32
      %mul3A_941 = arith.muli %add3A_443, %mul3A_940 : i32
      %add3A_942 = arith.constant 31 : i32
      %add3A_943 = arith.addi %mul3A_941, %add3A_942 : i32
      %dma_start3A_944 = arith.constant 1 : i32
      %dma_start3A_945 = arith.constant 31 : i32
      %dma_start3A_946 = arith.constant 0 : i32
      %dma_start3A_947 = arith.constant 0 : i32
      %dma_start3A_948 = tpu.memref_slice %arg6[%dma_start3A_944, %dma_start3A_945, %dma_start3A_946, %dma_start3A_947] : memref<2x32x50x32xf32, #tpu.memory_space<vmem>> -> memref<1x1x50x32xf32, #tpu.memory_space<vmem>>
      %dma_start3A_949 = tpu.memref_squeeze %dma_start3A_948 : memref<1x1x50x32xf32, #tpu.memory_space<vmem>> -> memref<50x32xf32, #tpu.memory_space<vmem>>
      %dma_start3A_950 = arith.constant 0 : i32
      %dma_start3A_951 = tpu.memref_slice %arg5[%add3A_943, %dma_start3A_950] : memref<512x50xi32, #tpu.memory_space<vmem>> -> memref<1x50xi32, #tpu.memory_space<vmem>>
      %dma_start3A_952 = tpu.memref_squeeze %dma_start3A_951 : memref<1x50xi32, #tpu.memory_space<vmem>> -> memref<50xi32, #tpu.memory_space<vmem>>
      %dma_start3A_953 = arith.constant 0 : i32
      %dma_start3A_954 = arith.constant 0 : i32
      %dma_start3A_955 = tpu.memref_slice %arg3[%dma_start3A_953, %dma_start3A_954] : memref<1000000x32xf32, #tpu.memory_space<hbm>> -> memref<1000000x32xf32, #tpu.memory_space<hbm>>
      tpu.enqueue_indirect_dma source(%dma_start3A_955 : memref<1000000x32xf32, #tpu.memory_space<hbm>>) target(%dma_start3A_949 : memref<50x32xf32, #tpu.memory_space<vmem>>) offsets(%dma_start3A_952 : memref<50xi32, #tpu.memory_space<vmem>>) semaphore(%arg8 : memref<!tpu.dma_semaphore, #tpu.memory_space<semaphore_mem>>)
      %mul3A_956 = arith.constant 32 : i32
      %mul3A_957 = arith.muli %mul3A_425, %mul3A_956 : i32
      %add3A_958 = arith.addi %mul3A_2, %mul3A_957 : i32
      %run_scoped3A = arith.constant 0 : i32
      "tpu.region"() ({
        %run_scoped3A_986 = tpu.sem_alloc : memref<!tpu.dma_semaphore, #tpu.memory_space<semaphore_mem>>
        %dma_start3A_987 = arith.constant 0 : i32
        %dma_start3A_988 = arith.constant 0 : i32
        %dma_start3A_989 = arith.constant 0 : i32
        %dma_start3A_990 = tpu.memref_slice %arg6[%run_scoped3A, %dma_start3A_987, %dma_start3A_988, %dma_start3A_989] : memref<2x32x50x32xf32, #tpu.memory_space<vmem>> -> memref<1x32x50x32xf32, #tpu.memory_space<vmem>>
        %dma_start3A_991 = tpu.memref_squeeze %dma_start3A_990 : memref<1x32x50x32xf32, #tpu.memory_space<vmem>> -> memref<32x50x32xf32, #tpu.memory_space<vmem>>
        %dma_start3A_992 = arith.constant 0 : i32
        %dma_start3A_993 = arith.constant 0 : i32
        %dma_start3A_994 = tpu.memref_slice %arg4[%add3A_958, %dma_start3A_992, %dma_start3A_993] : memref<16384x50x32xf32, #tpu.memory_space<hbm>> -> memref<32x50x32xf32, #tpu.memory_space<hbm>>
        %dma_start3A_995 = arith.constant 0 : i32
        %dma_start3A_996 = arith.constant 0 : i32
        %dma_start3A_997 = tpu.memref_slice %arg4[%add3A_958, %dma_start3A_995, %dma_start3A_996] : memref<16384x50x32xf32, #tpu.memory_space<hbm>> -> memref<32x50x32xf32, #tpu.memory_space<hbm>>
        %dma_start3A_998 = arith.constant 0 : i32
        %dma_start3A_999 = arith.constant 0 : i32
        %dma_start3A_1000 = arith.constant 0 : i32
        %dma_start3A_1001 = tpu.memref_slice %arg6[%run_scoped3A, %dma_start3A_998, %dma_start3A_999, %dma_start3A_1000] : memref<2x32x50x32xf32, #tpu.memory_space<vmem>> -> memref<1x32x50x32xf32, #tpu.memory_space<vmem>>
        %dma_start3A_1002 = tpu.memref_squeeze %dma_start3A_1001 : memref<1x32x50x32xf32, #tpu.memory_space<vmem>> -> memref<32x50x32xf32, #tpu.memory_space<vmem>>
        tpu.enqueue_dma source(%dma_start3A_1002 : memref<32x50x32xf32, #tpu.memory_space<vmem>>) target(%dma_start3A_997 : memref<32x50x32xf32, #tpu.memory_space<hbm>>) target_semaphore(%run_scoped3A_986 : memref<!tpu.dma_semaphore, #tpu.memory_space<semaphore_mem>>)
        %dma_wait3A_1003 = arith.constant 0 : i32
        %dma_wait3A_1004 = arith.constant 0 : i32
        %dma_wait3A_1005 = arith.constant 0 : i32
        %dma_wait3A_1006 = tpu.memref_slice %arg6[%run_scoped3A, %dma_wait3A_1003, %dma_wait3A_1004, %dma_wait3A_1005] : memref<2x32x50x32xf32, #tpu.memory_space<vmem>> -> memref<1x32x50x32xf32, #tpu.memory_space<vmem>>
        %dma_wait3A_1007 = tpu.memref_squeeze %dma_wait3A_1006 : memref<1x32x50x32xf32, #tpu.memory_space<vmem>> -> memref<32x50x32xf32, #tpu.memory_space<vmem>>
        %dma_wait3A_1008 = arith.constant 0 : i32
        %dma_wait3A_1009 = arith.constant 0 : i32
        %dma_wait3A_1010 = tpu.memref_slice %arg4[%add3A_958, %dma_wait3A_1008, %dma_wait3A_1009] : memref<16384x50x32xf32, #tpu.memory_space<hbm>> -> memref<32x50x32xf32, #tpu.memory_space<hbm>>
        %dma_wait3A_1011 = arith.constant 0 : i32
        %dma_wait3A_1012 = arith.constant 0 : i32
        %dma_wait3A_1013 = tpu.memref_slice %arg4[%add3A_958, %dma_wait3A_1011, %dma_wait3A_1012] : memref<16384x50x32xf32, #tpu.memory_space<hbm>> -> memref<32x50x32xf32, #tpu.memory_space<hbm>>
        %dma_wait3A_1014 = arith.constant 0 : i32
        %dma_wait3A_1015 = arith.constant 0 : i32
        %dma_wait3A_1016 = arith.constant 0 : i32
        %dma_wait3A_1017 = tpu.memref_slice %arg6[%run_scoped3A, %dma_wait3A_1014, %dma_wait3A_1015, %dma_wait3A_1016] : memref<2x32x50x32xf32, #tpu.memory_space<vmem>> -> memref<1x32x50x32xf32, #tpu.memory_space<vmem>>
        %dma_wait3A_1018 = tpu.memref_squeeze %dma_wait3A_1017 : memref<1x32x50x32xf32, #tpu.memory_space<vmem>> -> memref<32x50x32xf32, #tpu.memory_space<vmem>>
        tpu.wait_dma2 semaphore(%run_scoped3A_986 : memref<!tpu.dma_semaphore, #tpu.memory_space<semaphore_mem>>) src(%dma_wait3A_1018 : memref<32x50x32xf32, #tpu.memory_space<vmem>>) dst(%dma_wait3A_1013 : memref<32x50x32xf32, #tpu.memory_space<hbm>>)
        tpu.yield
      }) : () -> ()
      %dma_wait3A_959 = arith.constant 1 : i32
      %dma_wait3A_960 = arith.constant 0 : i32
      %dma_wait3A_961 = arith.constant 0 : i32
      %dma_wait3A_962 = arith.constant 0 : i32
      %dma_wait3A_963 = tpu.memref_slice %arg6[%dma_wait3A_959, %dma_wait3A_960, %dma_wait3A_961, %dma_wait3A_962] : memref<2x32x50x32xf32, #tpu.memory_space<vmem>> -> memref<1x32x50x32xf32, #tpu.memory_space<vmem>>
      %dma_wait3A_964 = tpu.memref_squeeze %dma_wait3A_963 : memref<1x32x50x32xf32, #tpu.memory_space<vmem>> -> memref<32x50x32xf32, #tpu.memory_space<vmem>>
      %dma_wait3A_965 = arith.constant 0 : i32
      %dma_wait3A_966 = arith.constant 0 : i32
      %dma_wait3A_967 = tpu.memref_slice %arg4[%mul3A_2, %dma_wait3A_965, %dma_wait3A_966] : memref<16384x50x32xf32, #tpu.memory_space<hbm>> -> memref<32x50x32xf32, #tpu.memory_space<hbm>>
      %dma_wait3A_968 = arith.constant 0 : i32
      %dma_wait3A_969 = arith.constant 0 : i32
      %dma_wait3A_970 = arith.constant 0 : i32
      %dma_wait3A_971 = tpu.memref_slice %arg6[%dma_wait3A_959, %dma_wait3A_968, %dma_wait3A_969, %dma_wait3A_970] : memref<2x32x50x32xf32, #tpu.memory_space<vmem>> -> memref<1x32x50x32xf32, #tpu.memory_space<vmem>>
      %dma_wait3A_972 = tpu.memref_squeeze %dma_wait3A_971 : memref<1x32x50x32xf32, #tpu.memory_space<vmem>> -> memref<32x50x32xf32, #tpu.memory_space<vmem>>
      %dma_wait3A_973 = arith.constant 0 : i32
      %dma_wait3A_974 = arith.constant 0 : i32
      %dma_wait3A_975 = tpu.memref_slice %arg4[%mul3A_2, %dma_wait3A_973, %dma_wait3A_974] : memref<16384x50x32xf32, #tpu.memory_space<hbm>> -> memref<32x50x32xf32, #tpu.memory_space<hbm>>
      tpu.wait_dma2 semaphore(%arg8 : memref<!tpu.dma_semaphore, #tpu.memory_space<semaphore_mem>>) src(%dma_wait3A_975 : memref<32x50x32xf32, #tpu.memory_space<hbm>>) dst(%dma_wait3A_972 : memref<32x50x32xf32, #tpu.memory_space<vmem>>)
      %add3A_976 = arith.constant 2 : i32
      %add3A_977 = arith.addi %mul3A_425, %add3A_976 : i32
      %lt3A = arith.constant 16 : i32
      %lt3A_978 = arith.cmpi slt, %add3A_977, %lt3A : i32
      %convert_element_type3A = arith.extui %lt3A_978 : i1 to i32
      %cond3A = arith.constant 0 : i32
      %cond3A_979 = arith.cmpi ne, %convert_element_type3A, %cond3A : i32
      scf.if %cond3A_979 {
        %add3A_986 = arith.constant 2 : i32
        %add3A_987 = arith.addi %mul3A_425, %add3A_986 : i32
        %mul3A_988 = arith.constant 32 : i32
        %mul3A_989 = arith.muli %add3A_987, %mul3A_988 : i32
        %add3A_990 = arith.constant 0 : i32
        %add3A_991 = arith.addi %mul3A_989, %add3A_990 : i32
        %dma_start3A_992 = arith.constant 0 : i32
        %dma_start3A_993 = arith.constant 0 : i32
        %dma_start3A_994 = arith.constant 0 : i32
        %dma_start3A_995 = arith.constant 0 : i32
        %dma_start3A_996 = tpu.memref_slice %arg6[%dma_start3A_992, %dma_start3A_993, %dma_start3A_994, %dma_start3A_995] : memref<2x32x50x32xf32, #tpu.memory_space<vmem>> -> memref<1x1x50x32xf32, #tpu.memory_space<vmem>>
        %dma_start3A_997 = tpu.memref_squeeze %dma_start3A_996 : memref<1x1x50x32xf32, #tpu.memory_space<vmem>> -> memref<50x32xf32, #tpu.memory_space<vmem>>
        %dma_start3A_998 = arith.constant 0 : i32
        %dma_start3A_999 = tpu.memref_slice %arg5[%add3A_991, %dma_start3A_998] : memref<512x50xi32, #tpu.memory_space<vmem>> -> memref<1x50xi32, #tpu.memory_space<vmem>>
        %dma_start3A_1000 = tpu.memref_squeeze %dma_start3A_999 : memref<1x50xi32, #tpu.memory_space<vmem>> -> memref<50xi32, #tpu.memory_space<vmem>>
        %dma_start3A_1001 = arith.constant 0 : i32
        %dma_start3A_1002 = arith.constant 0 : i32
        %dma_start3A_1003 = tpu.memref_slice %arg3[%dma_start3A_1001, %dma_start3A_1002] : memref<1000000x32xf32, #tpu.memory_space<hbm>> -> memref<1000000x32xf32, #tpu.memory_space<hbm>>
        tpu.enqueue_indirect_dma source(%dma_start3A_1003 : memref<1000000x32xf32, #tpu.memory_space<hbm>>) target(%dma_start3A_997 : memref<50x32xf32, #tpu.memory_space<vmem>>) offsets(%dma_start3A_1000 : memref<50xi32, #tpu.memory_space<vmem>>) semaphore(%arg7 : memref<!tpu.dma_semaphore, #tpu.memory_space<semaphore_mem>>)
        %mul3A_1004 = arith.constant 32 : i32
        %mul3A_1005 = arith.muli %add3A_987, %mul3A_1004 : i32
        %add3A_1006 = arith.constant 1 : i32
        %add3A_1007 = arith.addi %mul3A_1005, %add3A_1006 : i32
        %dma_start3A_1008 = arith.constant 0 : i32
        %dma_start3A_1009 = arith.constant 1 : i32
        %dma_start3A_1010 = arith.constant 0 : i32
        %dma_start3A_1011 = arith.constant 0 : i32
        %dma_start3A_1012 = tpu.memref_slice %arg6[%dma_start3A_1008, %dma_start3A_1009, %dma_start3A_1010, %dma_start3A_1011] : memref<2x32x50x32xf32, #tpu.memory_space<vmem>> -> memref<1x1x50x32xf32, #tpu.memory_space<vmem>>
        %dma_start3A_1013 = tpu.memref_squeeze %dma_start3A_1012 : memref<1x1x50x32xf32, #tpu.memory_space<vmem>> -> memref<50x32xf32, #tpu.memory_space<vmem>>
        %dma_start3A_1014 = arith.constant 0 : i32
        %dma_start3A_1015 = tpu.memref_slice %arg5[%add3A_1007, %dma_start3A_1014] : memref<512x50xi32, #tpu.memory_space<vmem>> -> memref<1x50xi32, #tpu.memory_space<vmem>>
        %dma_start3A_1016 = tpu.memref_squeeze %dma_start3A_1015 : memref<1x50xi32, #tpu.memory_space<vmem>> -> memref<50xi32, #tpu.memory_space<vmem>>
        %dma_start3A_1017 = arith.constant 0 : i32
        %dma_start3A_1018 = arith.constant 0 : i32
        %dma_start3A_1019 = tpu.memref_slice %arg3[%dma_start3A_1017, %dma_start3A_1018] : memref<1000000x32xf32, #tpu.memory_space<hbm>> -> memref<1000000x32xf32, #tpu.memory_space<hbm>>
        tpu.enqueue_indirect_dma source(%dma_start3A_1019 : memref<1000000x32xf32, #tpu.memory_space<hbm>>) target(%dma_start3A_1013 : memref<50x32xf32, #tpu.memory_space<vmem>>) offsets(%dma_start3A_1016 : memref<50xi32, #tpu.memory_space<vmem>>) semaphore(%arg7 : memref<!tpu.dma_semaphore, #tpu.memory_space<semaphore_mem>>)
        %mul3A_1020 = arith.constant 32 : i32
        %mul3A_1021 = arith.muli %add3A_987, %mul3A_1020 : i32
        %add3A_1022 = arith.constant 2 : i32
        %add3A_1023 = arith.addi %mul3A_1021, %add3A_1022 : i32
        %dma_start3A_1024 = arith.constant 0 : i32
        %dma_start3A_1025 = arith.constant 2 : i32
        %dma_start3A_1026 = arith.constant 0 : i32
        %dma_start3A_1027 = arith.constant 0 : i32
        %dma_start3A_1028 = tpu.memref_slice %arg6[%dma_start3A_1024, %dma_start3A_1025, %dma_start3A_1026, %dma_start3A_1027] : memref<2x32x50x32xf32, #tpu.memory_space<vmem>> -> memref<1x1x50x32xf32, #tpu.memory_space<vmem>>
        %dma_start3A_1029 = tpu.memref_squeeze %dma_start3A_1028 : memref<1x1x50x32xf32, #tpu.memory_space<vmem>> -> memref<50x32xf32, #tpu.memory_space<vmem>>
        %dma_start3A_1030 = arith.constant 0 : i32
        %dma_start3A_1031 = tpu.memref_slice %arg5[%add3A_1023, %dma_start3A_1030] : memref<512x50xi32, #tpu.memory_space<vmem>> -> memref<1x50xi32, #tpu.memory_space<vmem>>
        %dma_start3A_1032 = tpu.memref_squeeze %dma_start3A_1031 : memref<1x50xi32, #tpu.memory_space<vmem>> -> memref<50xi32, #tpu.memory_space<vmem>>
        %dma_start3A_1033 = arith.constant 0 : i32
        %dma_start3A_1034 = arith.constant 0 : i32
        %dma_start3A_1035 = tpu.memref_slice %arg3[%dma_start3A_1033, %dma_start3A_1034] : memref<1000000x32xf32, #tpu.memory_space<hbm>> -> memref<1000000x32xf32, #tpu.memory_space<hbm>>
        tpu.enqueue_indirect_dma source(%dma_start3A_1035 : memref<1000000x32xf32, #tpu.memory_space<hbm>>) target(%dma_start3A_1029 : memref<50x32xf32, #tpu.memory_space<vmem>>) offsets(%dma_start3A_1032 : memref<50xi32, #tpu.memory_space<vmem>>) semaphore(%arg7 : memref<!tpu.dma_semaphore, #tpu.memory_space<semaphore_mem>>)
        %mul3A_1036 = arith.constant 32 : i32
        %mul3A_1037 = arith.muli %add3A_987, %mul3A_1036 : i32
        %add3A_1038 = arith.constant 3 : i32
        %add3A_1039 = arith.addi %mul3A_1037, %add3A_1038 : i32
        %dma_start3A_1040 = arith.constant 0 : i32
        %dma_start3A_1041 = arith.constant 3 : i32
        %dma_start3A_1042 = arith.constant 0 : i32
        %dma_start3A_1043 = arith.constant 0 : i32
        %dma_start3A_1044 = tpu.memref_slice %arg6[%dma_start3A_1040, %dma_start3A_1041, %dma_start3A_1042, %dma_start3A_1043] : memref<2x32x50x32xf32, #tpu.memory_space<vmem>> -> memref<1x1x50x32xf32, #tpu.memory_space<vmem>>
        %dma_start3A_1045 = tpu.memref_squeeze %dma_start3A_1044 : memref<1x1x50x32xf32, #tpu.memory_space<vmem>> -> memref<50x32xf32, #tpu.memory_space<vmem>>
        %dma_start3A_1046 = arith.constant 0 : i32
        %dma_start3A_1047 = tpu.memref_slice %arg5[%add3A_1039, %dma_start3A_1046] : memref<512x50xi32, #tpu.memory_space<vmem>> -> memref<1x50xi32, #tpu.memory_space<vmem>>
        %dma_start3A_1048 = tpu.memref_squeeze %dma_start3A_1047 : memref<1x50xi32, #tpu.memory_space<vmem>> -> memref<50xi32, #tpu.memory_space<vmem>>
        %dma_start3A_1049 = arith.constant 0 : i32
        %dma_start3A_1050 = arith.constant 0 : i32
        %dma_start3A_1051 = tpu.memref_slice %arg3[%dma_start3A_1049, %dma_start3A_1050] : memref<1000000x32xf32, #tpu.memory_space<hbm>> -> memref<1000000x32xf32, #tpu.memory_space<hbm>>
        tpu.enqueue_indirect_dma source(%dma_start3A_1051 : memref<1000000x32xf32, #tpu.memory_space<hbm>>) target(%dma_start3A_1045 : memref<50x32xf32, #tpu.memory_space<vmem>>) offsets(%dma_start3A_1048 : memref<50xi32, #tpu.memory_space<vmem>>) semaphore(%arg7 : memref<!tpu.dma_semaphore, #tpu.memory_space<semaphore_mem>>)
        %mul3A_1052 = arith.constant 32 : i32
        %mul3A_1053 = arith.muli %add3A_987, %mul3A_1052 : i32
        %add3A_1054 = arith.constant 4 : i32
        %add3A_1055 = arith.addi %mul3A_1053, %add3A_1054 : i32
        %dma_start3A_1056 = arith.constant 0 : i32
        %dma_start3A_1057 = arith.constant 4 : i32
        %dma_start3A_1058 = arith.constant 0 : i32
        %dma_start3A_1059 = arith.constant 0 : i32
        %dma_start3A_1060 = tpu.memref_slice %arg6[%dma_start3A_1056, %dma_start3A_1057, %dma_start3A_1058, %dma_start3A_1059] : memref<2x32x50x32xf32, #tpu.memory_space<vmem>> -> memref<1x1x50x32xf32, #tpu.memory_space<vmem>>
        %dma_start3A_1061 = tpu.memref_squeeze %dma_start3A_1060 : memref<1x1x50x32xf32, #tpu.memory_space<vmem>> -> memref<50x32xf32, #tpu.memory_space<vmem>>
        %dma_start3A_1062 = arith.constant 0 : i32
        %dma_start3A_1063 = tpu.memref_slice %arg5[%add3A_1055, %dma_start3A_1062] : memref<512x50xi32, #tpu.memory_space<vmem>> -> memref<1x50xi32, #tpu.memory_space<vmem>>
        %dma_start3A_1064 = tpu.memref_squeeze %dma_start3A_1063 : memref<1x50xi32, #tpu.memory_space<vmem>> -> memref<50xi32, #tpu.memory_space<vmem>>
        %dma_start3A_1065 = arith.constant 0 : i32
        %dma_start3A_1066 = arith.constant 0 : i32
        %dma_start3A_1067 = tpu.memref_slice %arg3[%dma_start3A_1065, %dma_start3A_1066] : memref<1000000x32xf32, #tpu.memory_space<hbm>> -> memref<1000000x32xf32, #tpu.memory_space<hbm>>
        tpu.enqueue_indirect_dma source(%dma_start3A_1067 : memref<1000000x32xf32, #tpu.memory_space<hbm>>) target(%dma_start3A_1061 : memref<50x32xf32, #tpu.memory_space<vmem>>) offsets(%dma_start3A_1064 : memref<50xi32, #tpu.memory_space<vmem>>) semaphore(%arg7 : memref<!tpu.dma_semaphore, #tpu.memory_space<semaphore_mem>>)
        %mul3A_1068 = arith.constant 32 : i32
        %mul3A_1069 = arith.muli %add3A_987, %mul3A_1068 : i32
        %add3A_1070 = arith.constant 5 : i32
        %add3A_1071 = arith.addi %mul3A_1069, %add3A_1070 : i32
        %dma_start3A_1072 = arith.constant 0 : i32
        %dma_start3A_1073 = arith.constant 5 : i32
        %dma_start3A_1074 = arith.constant 0 : i32
        %dma_start3A_1075 = arith.constant 0 : i32
        %dma_start3A_1076 = tpu.memref_slice %arg6[%dma_start3A_1072, %dma_start3A_1073, %dma_start3A_1074, %dma_start3A_1075] : memref<2x32x50x32xf32, #tpu.memory_space<vmem>> -> memref<1x1x50x32xf32, #tpu.memory_space<vmem>>
        %dma_start3A_1077 = tpu.memref_squeeze %dma_start3A_1076 : memref<1x1x50x32xf32, #tpu.memory_space<vmem>> -> memref<50x32xf32, #tpu.memory_space<vmem>>
        %dma_start3A_1078 = arith.constant 0 : i32
        %dma_start3A_1079 = tpu.memref_slice %arg5[%add3A_1071, %dma_start3A_1078] : memref<512x50xi32, #tpu.memory_space<vmem>> -> memref<1x50xi32, #tpu.memory_space<vmem>>
        %dma_start3A_1080 = tpu.memref_squeeze %dma_start3A_1079 : memref<1x50xi32, #tpu.memory_space<vmem>> -> memref<50xi32, #tpu.memory_space<vmem>>
        %dma_start3A_1081 = arith.constant 0 : i32
        %dma_start3A_1082 = arith.constant 0 : i32
        %dma_start3A_1083 = tpu.memref_slice %arg3[%dma_start3A_1081, %dma_start3A_1082] : memref<1000000x32xf32, #tpu.memory_space<hbm>> -> memref<1000000x32xf32, #tpu.memory_space<hbm>>
        tpu.enqueue_indirect_dma source(%dma_start3A_1083 : memref<1000000x32xf32, #tpu.memory_space<hbm>>) target(%dma_start3A_1077 : memref<50x32xf32, #tpu.memory_space<vmem>>) offsets(%dma_start3A_1080 : memref<50xi32, #tpu.memory_space<vmem>>) semaphore(%arg7 : memref<!tpu.dma_semaphore, #tpu.memory_space<semaphore_mem>>)
        %mul3A_1084 = arith.constant 32 : i32
        %mul3A_1085 = arith.muli %add3A_987, %mul3A_1084 : i32
        %add3A_1086 = arith.constant 6 : i32
        %add3A_1087 = arith.addi %mul3A_1085, %add3A_1086 : i32
        %dma_start3A_1088 = arith.constant 0 : i32
        %dma_start3A_1089 = arith.constant 6 : i32
        %dma_start3A_1090 = arith.constant 0 : i32
        %dma_start3A_1091 = arith.constant 0 : i32
        %dma_start3A_1092 = tpu.memref_slice %arg6[%dma_start3A_1088, %dma_start3A_1089, %dma_start3A_1090, %dma_start3A_1091] : memref<2x32x50x32xf32, #tpu.memory_space<vmem>> -> memref<1x1x50x32xf32, #tpu.memory_space<vmem>>
        %dma_start3A_1093 = tpu.memref_squeeze %dma_start3A_1092 : memref<1x1x50x32xf32, #tpu.memory_space<vmem>> -> memref<50x32xf32, #tpu.memory_space<vmem>>
        %dma_start3A_1094 = arith.constant 0 : i32
        %dma_start3A_1095 = tpu.memref_slice %arg5[%add3A_1087, %dma_start3A_1094] : memref<512x50xi32, #tpu.memory_space<vmem>> -> memref<1x50xi32, #tpu.memory_space<vmem>>
        %dma_start3A_1096 = tpu.memref_squeeze %dma_start3A_1095 : memref<1x50xi32, #tpu.memory_space<vmem>> -> memref<50xi32, #tpu.memory_space<vmem>>
        %dma_start3A_1097 = arith.constant 0 : i32
        %dma_start3A_1098 = arith.constant 0 : i32
        %dma_start3A_1099 = tpu.memref_slice %arg3[%dma_start3A_1097, %dma_start3A_1098] : memref<1000000x32xf32, #tpu.memory_space<hbm>> -> memref<1000000x32xf32, #tpu.memory_space<hbm>>
        tpu.enqueue_indirect_dma source(%dma_start3A_1099 : memref<1000000x32xf32, #tpu.memory_space<hbm>>) target(%dma_start3A_1093 : memref<50x32xf32, #tpu.memory_space<vmem>>) offsets(%dma_start3A_1096 : memref<50xi32, #tpu.memory_space<vmem>>) semaphore(%arg7 : memref<!tpu.dma_semaphore, #tpu.memory_space<semaphore_mem>>)
        %mul3A_1100 = arith.constant 32 : i32
        %mul3A_1101 = arith.muli %add3A_987, %mul3A_1100 : i32
        %add3A_1102 = arith.constant 7 : i32
        %add3A_1103 = arith.addi %mul3A_1101, %add3A_1102 : i32
        %dma_start3A_1104 = arith.constant 0 : i32
        %dma_start3A_1105 = arith.constant 7 : i32
        %dma_start3A_1106 = arith.constant 0 : i32
        %dma_start3A_1107 = arith.constant 0 : i32
        %dma_start3A_1108 = tpu.memref_slice %arg6[%dma_start3A_1104, %dma_start3A_1105, %dma_start3A_1106, %dma_start3A_1107] : memref<2x32x50x32xf32, #tpu.memory_space<vmem>> -> memref<1x1x50x32xf32, #tpu.memory_space<vmem>>
        %dma_start3A_1109 = tpu.memref_squeeze %dma_start3A_1108 : memref<1x1x50x32xf32, #tpu.memory_space<vmem>> -> memref<50x32xf32, #tpu.memory_space<vmem>>
        %dma_start3A_1110 = arith.constant 0 : i32
        %dma_start3A_1111 = tpu.memref_slice %arg5[%add3A_1103, %dma_start3A_1110] : memref<512x50xi32, #tpu.memory_space<vmem>> -> memref<1x50xi32, #tpu.memory_space<vmem>>
        %dma_start3A_1112 = tpu.memref_squeeze %dma_start3A_1111 : memref<1x50xi32, #tpu.memory_space<vmem>> -> memref<50xi32, #tpu.memory_space<vmem>>
        %dma_start3A_1113 = arith.constant 0 : i32
        %dma_start3A_1114 = arith.constant 0 : i32
        %dma_start3A_1115 = tpu.memref_slice %arg3[%dma_start3A_1113, %dma_start3A_1114] : memref<1000000x32xf32, #tpu.memory_space<hbm>> -> memref<1000000x32xf32, #tpu.memory_space<hbm>>
        tpu.enqueue_indirect_dma source(%dma_start3A_1115 : memref<1000000x32xf32, #tpu.memory_space<hbm>>) target(%dma_start3A_1109 : memref<50x32xf32, #tpu.memory_space<vmem>>) offsets(%dma_start3A_1112 : memref<50xi32, #tpu.memory_space<vmem>>) semaphore(%arg7 : memref<!tpu.dma_semaphore, #tpu.memory_space<semaphore_mem>>)
        %mul3A_1116 = arith.constant 32 : i32
        %mul3A_1117 = arith.muli %add3A_987, %mul3A_1116 : i32
        %add3A_1118 = arith.constant 8 : i32
        %add3A_1119 = arith.addi %mul3A_1117, %add3A_1118 : i32
        %dma_start3A_1120 = arith.constant 0 : i32
        %dma_start3A_1121 = arith.constant 8 : i32
        %dma_start3A_1122 = arith.constant 0 : i32
        %dma_start3A_1123 = arith.constant 0 : i32
        %dma_start3A_1124 = tpu.memref_slice %arg6[%dma_start3A_1120, %dma_start3A_1121, %dma_start3A_1122, %dma_start3A_1123] : memref<2x32x50x32xf32, #tpu.memory_space<vmem>> -> memref<1x1x50x32xf32, #tpu.memory_space<vmem>>
        %dma_start3A_1125 = tpu.memref_squeeze %dma_start3A_1124 : memref<1x1x50x32xf32, #tpu.memory_space<vmem>> -> memref<50x32xf32, #tpu.memory_space<vmem>>
        %dma_start3A_1126 = arith.constant 0 : i32
        %dma_start3A_1127 = tpu.memref_slice %arg5[%add3A_1119, %dma_start3A_1126] : memref<512x50xi32, #tpu.memory_space<vmem>> -> memref<1x50xi32, #tpu.memory_space<vmem>>
        %dma_start3A_1128 = tpu.memref_squeeze %dma_start3A_1127 : memref<1x50xi32, #tpu.memory_space<vmem>> -> memref<50xi32, #tpu.memory_space<vmem>>
        %dma_start3A_1129 = arith.constant 0 : i32
        %dma_start3A_1130 = arith.constant 0 : i32
        %dma_start3A_1131 = tpu.memref_slice %arg3[%dma_start3A_1129, %dma_start3A_1130] : memref<1000000x32xf32, #tpu.memory_space<hbm>> -> memref<1000000x32xf32, #tpu.memory_space<hbm>>
        tpu.enqueue_indirect_dma source(%dma_start3A_1131 : memref<1000000x32xf32, #tpu.memory_space<hbm>>) target(%dma_start3A_1125 : memref<50x32xf32, #tpu.memory_space<vmem>>) offsets(%dma_start3A_1128 : memref<50xi32, #tpu.memory_space<vmem>>) semaphore(%arg7 : memref<!tpu.dma_semaphore, #tpu.memory_space<semaphore_mem>>)
        %mul3A_1132 = arith.constant 32 : i32
        %mul3A_1133 = arith.muli %add3A_987, %mul3A_1132 : i32
        %add3A_1134 = arith.constant 9 : i32
        %add3A_1135 = arith.addi %mul3A_1133, %add3A_1134 : i32
        %dma_start3A_1136 = arith.constant 0 : i32
        %dma_start3A_1137 = arith.constant 9 : i32
        %dma_start3A_1138 = arith.constant 0 : i32
        %dma_start3A_1139 = arith.constant 0 : i32
        %dma_start3A_1140 = tpu.memref_slice %arg6[%dma_start3A_1136, %dma_start3A_1137, %dma_start3A_1138, %dma_start3A_1139] : memref<2x32x50x32xf32, #tpu.memory_space<vmem>> -> memref<1x1x50x32xf32, #tpu.memory_space<vmem>>
        %dma_start3A_1141 = tpu.memref_squeeze %dma_start3A_1140 : memref<1x1x50x32xf32, #tpu.memory_space<vmem>> -> memref<50x32xf32, #tpu.memory_space<vmem>>
        %dma_start3A_1142 = arith.constant 0 : i32
        %dma_start3A_1143 = tpu.memref_slice %arg5[%add3A_1135, %dma_start3A_1142] : memref<512x50xi32, #tpu.memory_space<vmem>> -> memref<1x50xi32, #tpu.memory_space<vmem>>
        %dma_start3A_1144 = tpu.memref_squeeze %dma_start3A_1143 : memref<1x50xi32, #tpu.memory_space<vmem>> -> memref<50xi32, #tpu.memory_space<vmem>>
        %dma_start3A_1145 = arith.constant 0 : i32
        %dma_start3A_1146 = arith.constant 0 : i32
        %dma_start3A_1147 = tpu.memref_slice %arg3[%dma_start3A_1145, %dma_start3A_1146] : memref<1000000x32xf32, #tpu.memory_space<hbm>> -> memref<1000000x32xf32, #tpu.memory_space<hbm>>
        tpu.enqueue_indirect_dma source(%dma_start3A_1147 : memref<1000000x32xf32, #tpu.memory_space<hbm>>) target(%dma_start3A_1141 : memref<50x32xf32, #tpu.memory_space<vmem>>) offsets(%dma_start3A_1144 : memref<50xi32, #tpu.memory_space<vmem>>) semaphore(%arg7 : memref<!tpu.dma_semaphore, #tpu.memory_space<semaphore_mem>>)
        %mul3A_1148 = arith.constant 32 : i32
        %mul3A_1149 = arith.muli %add3A_987, %mul3A_1148 : i32
        %add3A_1150 = arith.constant 10 : i32
        %add3A_1151 = arith.addi %mul3A_1149, %add3A_1150 : i32
        %dma_start3A_1152 = arith.constant 0 : i32
        %dma_start3A_1153 = arith.constant 10 : i32
        %dma_start3A_1154 = arith.constant 0 : i32
        %dma_start3A_1155 = arith.constant 0 : i32
        %dma_start3A_1156 = tpu.memref_slice %arg6[%dma_start3A_1152, %dma_start3A_1153, %dma_start3A_1154, %dma_start3A_1155] : memref<2x32x50x32xf32, #tpu.memory_space<vmem>> -> memref<1x1x50x32xf32, #tpu.memory_space<vmem>>
        %dma_start3A_1157 = tpu.memref_squeeze %dma_start3A_1156 : memref<1x1x50x32xf32, #tpu.memory_space<vmem>> -> memref<50x32xf32, #tpu.memory_space<vmem>>
        %dma_start3A_1158 = arith.constant 0 : i32
        %dma_start3A_1159 = tpu.memref_slice %arg5[%add3A_1151, %dma_start3A_1158] : memref<512x50xi32, #tpu.memory_space<vmem>> -> memref<1x50xi32, #tpu.memory_space<vmem>>
        %dma_start3A_1160 = tpu.memref_squeeze %dma_start3A_1159 : memref<1x50xi32, #tpu.memory_space<vmem>> -> memref<50xi32, #tpu.memory_space<vmem>>
        %dma_start3A_1161 = arith.constant 0 : i32
        %dma_start3A_1162 = arith.constant 0 : i32
        %dma_start3A_1163 = tpu.memref_slice %arg3[%dma_start3A_1161, %dma_start3A_1162] : memref<1000000x32xf32, #tpu.memory_space<hbm>> -> memref<1000000x32xf32, #tpu.memory_space<hbm>>
        tpu.enqueue_indirect_dma source(%dma_start3A_1163 : memref<1000000x32xf32, #tpu.memory_space<hbm>>) target(%dma_start3A_1157 : memref<50x32xf32, #tpu.memory_space<vmem>>) offsets(%dma_start3A_1160 : memref<50xi32, #tpu.memory_space<vmem>>) semaphore(%arg7 : memref<!tpu.dma_semaphore, #tpu.memory_space<semaphore_mem>>)
        %mul3A_1164 = arith.constant 32 : i32
        %mul3A_1165 = arith.muli %add3A_987, %mul3A_1164 : i32
        %add3A_1166 = arith.constant 11 : i32
        %add3A_1167 = arith.addi %mul3A_1165, %add3A_1166 : i32
        %dma_start3A_1168 = arith.constant 0 : i32
        %dma_start3A_1169 = arith.constant 11 : i32
        %dma_start3A_1170 = arith.constant 0 : i32
        %dma_start3A_1171 = arith.constant 0 : i32
        %dma_start3A_1172 = tpu.memref_slice %arg6[%dma_start3A_1168, %dma_start3A_1169, %dma_start3A_1170, %dma_start3A_1171] : memref<2x32x50x32xf32, #tpu.memory_space<vmem>> -> memref<1x1x50x32xf32, #tpu.memory_space<vmem>>
        %dma_start3A_1173 = tpu.memref_squeeze %dma_start3A_1172 : memref<1x1x50x32xf32, #tpu.memory_space<vmem>> -> memref<50x32xf32, #tpu.memory_space<vmem>>
        %dma_start3A_1174 = arith.constant 0 : i32
        %dma_start3A_1175 = tpu.memref_slice %arg5[%add3A_1167, %dma_start3A_1174] : memref<512x50xi32, #tpu.memory_space<vmem>> -> memref<1x50xi32, #tpu.memory_space<vmem>>
        %dma_start3A_1176 = tpu.memref_squeeze %dma_start3A_1175 : memref<1x50xi32, #tpu.memory_space<vmem>> -> memref<50xi32, #tpu.memory_space<vmem>>
        %dma_start3A_1177 = arith.constant 0 : i32
        %dma_start3A_1178 = arith.constant 0 : i32
        %dma_start3A_1179 = tpu.memref_slice %arg3[%dma_start3A_1177, %dma_start3A_1178] : memref<1000000x32xf32, #tpu.memory_space<hbm>> -> memref<1000000x32xf32, #tpu.memory_space<hbm>>
        tpu.enqueue_indirect_dma source(%dma_start3A_1179 : memref<1000000x32xf32, #tpu.memory_space<hbm>>) target(%dma_start3A_1173 : memref<50x32xf32, #tpu.memory_space<vmem>>) offsets(%dma_start3A_1176 : memref<50xi32, #tpu.memory_space<vmem>>) semaphore(%arg7 : memref<!tpu.dma_semaphore, #tpu.memory_space<semaphore_mem>>)
        %mul3A_1180 = arith.constant 32 : i32
        %mul3A_1181 = arith.muli %add3A_987, %mul3A_1180 : i32
        %add3A_1182 = arith.constant 12 : i32
        %add3A_1183 = arith.addi %mul3A_1181, %add3A_1182 : i32
        %dma_start3A_1184 = arith.constant 0 : i32
        %dma_start3A_1185 = arith.constant 12 : i32
        %dma_start3A_1186 = arith.constant 0 : i32
        %dma_start3A_1187 = arith.constant 0 : i32
        %dma_start3A_1188 = tpu.memref_slice %arg6[%dma_start3A_1184, %dma_start3A_1185, %dma_start3A_1186, %dma_start3A_1187] : memref<2x32x50x32xf32, #tpu.memory_space<vmem>> -> memref<1x1x50x32xf32, #tpu.memory_space<vmem>>
        %dma_start3A_1189 = tpu.memref_squeeze %dma_start3A_1188 : memref<1x1x50x32xf32, #tpu.memory_space<vmem>> -> memref<50x32xf32, #tpu.memory_space<vmem>>
        %dma_start3A_1190 = arith.constant 0 : i32
        %dma_start3A_1191 = tpu.memref_slice %arg5[%add3A_1183, %dma_start3A_1190] : memref<512x50xi32, #tpu.memory_space<vmem>> -> memref<1x50xi32, #tpu.memory_space<vmem>>
        %dma_start3A_1192 = tpu.memref_squeeze %dma_start3A_1191 : memref<1x50xi32, #tpu.memory_space<vmem>> -> memref<50xi32, #tpu.memory_space<vmem>>
        %dma_start3A_1193 = arith.constant 0 : i32
        %dma_start3A_1194 = arith.constant 0 : i32
        %dma_start3A_1195 = tpu.memref_slice %arg3[%dma_start3A_1193, %dma_start3A_1194] : memref<1000000x32xf32, #tpu.memory_space<hbm>> -> memref<1000000x32xf32, #tpu.memory_space<hbm>>
        tpu.enqueue_indirect_dma source(%dma_start3A_1195 : memref<1000000x32xf32, #tpu.memory_space<hbm>>) target(%dma_start3A_1189 : memref<50x32xf32, #tpu.memory_space<vmem>>) offsets(%dma_start3A_1192 : memref<50xi32, #tpu.memory_space<vmem>>) semaphore(%arg7 : memref<!tpu.dma_semaphore, #tpu.memory_space<semaphore_mem>>)
        %mul3A_1196 = arith.constant 32 : i32
        %mul3A_1197 = arith.muli %add3A_987, %mul3A_1196 : i32
        %add3A_1198 = arith.constant 13 : i32
        %add3A_1199 = arith.addi %mul3A_1197, %add3A_1198 : i32
        %dma_start3A_1200 = arith.constant 0 : i32
        %dma_start3A_1201 = arith.constant 13 : i32
        %dma_start3A_1202 = arith.constant 0 : i32
        %dma_start3A_1203 = arith.constant 0 : i32
        %dma_start3A_1204 = tpu.memref_slice %arg6[%dma_start3A_1200, %dma_start3A_1201, %dma_start3A_1202, %dma_start3A_1203] : memref<2x32x50x32xf32, #tpu.memory_space<vmem>> -> memref<1x1x50x32xf32, #tpu.memory_space<vmem>>
        %dma_start3A_1205 = tpu.memref_squeeze %dma_start3A_1204 : memref<1x1x50x32xf32, #tpu.memory_space<vmem>> -> memref<50x32xf32, #tpu.memory_space<vmem>>
        %dma_start3A_1206 = arith.constant 0 : i32
        %dma_start3A_1207 = tpu.memref_slice %arg5[%add3A_1199, %dma_start3A_1206] : memref<512x50xi32, #tpu.memory_space<vmem>> -> memref<1x50xi32, #tpu.memory_space<vmem>>
        %dma_start3A_1208 = tpu.memref_squeeze %dma_start3A_1207 : memref<1x50xi32, #tpu.memory_space<vmem>> -> memref<50xi32, #tpu.memory_space<vmem>>
        %dma_start3A_1209 = arith.constant 0 : i32
        %dma_start3A_1210 = arith.constant 0 : i32
        %dma_start3A_1211 = tpu.memref_slice %arg3[%dma_start3A_1209, %dma_start3A_1210] : memref<1000000x32xf32, #tpu.memory_space<hbm>> -> memref<1000000x32xf32, #tpu.memory_space<hbm>>
        tpu.enqueue_indirect_dma source(%dma_start3A_1211 : memref<1000000x32xf32, #tpu.memory_space<hbm>>) target(%dma_start3A_1205 : memref<50x32xf32, #tpu.memory_space<vmem>>) offsets(%dma_start3A_1208 : memref<50xi32, #tpu.memory_space<vmem>>) semaphore(%arg7 : memref<!tpu.dma_semaphore, #tpu.memory_space<semaphore_mem>>)
        %mul3A_1212 = arith.constant 32 : i32
        %mul3A_1213 = arith.muli %add3A_987, %mul3A_1212 : i32
        %add3A_1214 = arith.constant 14 : i32
        %add3A_1215 = arith.addi %mul3A_1213, %add3A_1214 : i32
        %dma_start3A_1216 = arith.constant 0 : i32
        %dma_start3A_1217 = arith.constant 14 : i32
        %dma_start3A_1218 = arith.constant 0 : i32
        %dma_start3A_1219 = arith.constant 0 : i32
        %dma_start3A_1220 = tpu.memref_slice %arg6[%dma_start3A_1216, %dma_start3A_1217, %dma_start3A_1218, %dma_start3A_1219] : memref<2x32x50x32xf32, #tpu.memory_space<vmem>> -> memref<1x1x50x32xf32, #tpu.memory_space<vmem>>
        %dma_start3A_1221 = tpu.memref_squeeze %dma_start3A_1220 : memref<1x1x50x32xf32, #tpu.memory_space<vmem>> -> memref<50x32xf32, #tpu.memory_space<vmem>>
        %dma_start3A_1222 = arith.constant 0 : i32
        %dma_start3A_1223 = tpu.memref_slice %arg5[%add3A_1215, %dma_start3A_1222] : memref<512x50xi32, #tpu.memory_space<vmem>> -> memref<1x50xi32, #tpu.memory_space<vmem>>
        %dma_start3A_1224 = tpu.memref_squeeze %dma_start3A_1223 : memref<1x50xi32, #tpu.memory_space<vmem>> -> memref<50xi32, #tpu.memory_space<vmem>>
        %dma_start3A_1225 = arith.constant 0 : i32
        %dma_start3A_1226 = arith.constant 0 : i32
        %dma_start3A_1227 = tpu.memref_slice %arg3[%dma_start3A_1225, %dma_start3A_1226] : memref<1000000x32xf32, #tpu.memory_space<hbm>> -> memref<1000000x32xf32, #tpu.memory_space<hbm>>
        tpu.enqueue_indirect_dma source(%dma_start3A_1227 : memref<1000000x32xf32, #tpu.memory_space<hbm>>) target(%dma_start3A_1221 : memref<50x32xf32, #tpu.memory_space<vmem>>) offsets(%dma_start3A_1224 : memref<50xi32, #tpu.memory_space<vmem>>) semaphore(%arg7 : memref<!tpu.dma_semaphore, #tpu.memory_space<semaphore_mem>>)
        %mul3A_1228 = arith.constant 32 : i32
        %mul3A_1229 = arith.muli %add3A_987, %mul3A_1228 : i32
        %add3A_1230 = arith.constant 15 : i32
        %add3A_1231 = arith.addi %mul3A_1229, %add3A_1230 : i32
        %dma_start3A_1232 = arith.constant 0 : i32
        %dma_start3A_1233 = arith.constant 15 : i32
        %dma_start3A_1234 = arith.constant 0 : i32
        %dma_start3A_1235 = arith.constant 0 : i32
        %dma_start3A_1236 = tpu.memref_slice %arg6[%dma_start3A_1232, %dma_start3A_1233, %dma_start3A_1234, %dma_start3A_1235] : memref<2x32x50x32xf32, #tpu.memory_space<vmem>> -> memref<1x1x50x32xf32, #tpu.memory_space<vmem>>
        %dma_start3A_1237 = tpu.memref_squeeze %dma_start3A_1236 : memref<1x1x50x32xf32, #tpu.memory_space<vmem>> -> memref<50x32xf32, #tpu.memory_space<vmem>>
        %dma_start3A_1238 = arith.constant 0 : i32
        %dma_start3A_1239 = tpu.memref_slice %arg5[%add3A_1231, %dma_start3A_1238] : memref<512x50xi32, #tpu.memory_space<vmem>> -> memref<1x50xi32, #tpu.memory_space<vmem>>
        %dma_start3A_1240 = tpu.memref_squeeze %dma_start3A_1239 : memref<1x50xi32, #tpu.memory_space<vmem>> -> memref<50xi32, #tpu.memory_space<vmem>>
        %dma_start3A_1241 = arith.constant 0 : i32
        %dma_start3A_1242 = arith.constant 0 : i32
        %dma_start3A_1243 = tpu.memref_slice %arg3[%dma_start3A_1241, %dma_start3A_1242] : memref<1000000x32xf32, #tpu.memory_space<hbm>> -> memref<1000000x32xf32, #tpu.memory_space<hbm>>
        tpu.enqueue_indirect_dma source(%dma_start3A_1243 : memref<1000000x32xf32, #tpu.memory_space<hbm>>) target(%dma_start3A_1237 : memref<50x32xf32, #tpu.memory_space<vmem>>) offsets(%dma_start3A_1240 : memref<50xi32, #tpu.memory_space<vmem>>) semaphore(%arg7 : memref<!tpu.dma_semaphore, #tpu.memory_space<semaphore_mem>>)
        %mul3A_1244 = arith.constant 32 : i32
        %mul3A_1245 = arith.muli %add3A_987, %mul3A_1244 : i32
        %add3A_1246 = arith.constant 16 : i32
        %add3A_1247 = arith.addi %mul3A_1245, %add3A_1246 : i32
        %dma_start3A_1248 = arith.constant 0 : i32
        %dma_start3A_1249 = arith.constant 16 : i32
        %dma_start3A_1250 = arith.constant 0 : i32
        %dma_start3A_1251 = arith.constant 0 : i32
        %dma_start3A_1252 = tpu.memref_slice %arg6[%dma_start3A_1248, %dma_start3A_1249, %dma_start3A_1250, %dma_start3A_1251] : memref<2x32x50x32xf32, #tpu.memory_space<vmem>> -> memref<1x1x50x32xf32, #tpu.memory_space<vmem>>
        %dma_start3A_1253 = tpu.memref_squeeze %dma_start3A_1252 : memref<1x1x50x32xf32, #tpu.memory_space<vmem>> -> memref<50x32xf32, #tpu.memory_space<vmem>>
        %dma_start3A_1254 = arith.constant 0 : i32
        %dma_start3A_1255 = tpu.memref_slice %arg5[%add3A_1247, %dma_start3A_1254] : memref<512x50xi32, #tpu.memory_space<vmem>> -> memref<1x50xi32, #tpu.memory_space<vmem>>
        %dma_start3A_1256 = tpu.memref_squeeze %dma_start3A_1255 : memref<1x50xi32, #tpu.memory_space<vmem>> -> memref<50xi32, #tpu.memory_space<vmem>>
        %dma_start3A_1257 = arith.constant 0 : i32
        %dma_start3A_1258 = arith.constant 0 : i32
        %dma_start3A_1259 = tpu.memref_slice %arg3[%dma_start3A_1257, %dma_start3A_1258] : memref<1000000x32xf32, #tpu.memory_space<hbm>> -> memref<1000000x32xf32, #tpu.memory_space<hbm>>
        tpu.enqueue_indirect_dma source(%dma_start3A_1259 : memref<1000000x32xf32, #tpu.memory_space<hbm>>) target(%dma_start3A_1253 : memref<50x32xf32, #tpu.memory_space<vmem>>) offsets(%dma_start3A_1256 : memref<50xi32, #tpu.memory_space<vmem>>) semaphore(%arg7 : memref<!tpu.dma_semaphore, #tpu.memory_space<semaphore_mem>>)
        %mul3A_1260 = arith.constant 32 : i32
        %mul3A_1261 = arith.muli %add3A_987, %mul3A_1260 : i32
        %add3A_1262 = arith.constant 17 : i32
        %add3A_1263 = arith.addi %mul3A_1261, %add3A_1262 : i32
        %dma_start3A_1264 = arith.constant 0 : i32
        %dma_start3A_1265 = arith.constant 17 : i32
        %dma_start3A_1266 = arith.constant 0 : i32
        %dma_start3A_1267 = arith.constant 0 : i32
        %dma_start3A_1268 = tpu.memref_slice %arg6[%dma_start3A_1264, %dma_start3A_1265, %dma_start3A_1266, %dma_start3A_1267] : memref<2x32x50x32xf32, #tpu.memory_space<vmem>> -> memref<1x1x50x32xf32, #tpu.memory_space<vmem>>
        %dma_start3A_1269 = tpu.memref_squeeze %dma_start3A_1268 : memref<1x1x50x32xf32, #tpu.memory_space<vmem>> -> memref<50x32xf32, #tpu.memory_space<vmem>>
        %dma_start3A_1270 = arith.constant 0 : i32
        %dma_start3A_1271 = tpu.memref_slice %arg5[%add3A_1263, %dma_start3A_1270] : memref<512x50xi32, #tpu.memory_space<vmem>> -> memref<1x50xi32, #tpu.memory_space<vmem>>
        %dma_start3A_1272 = tpu.memref_squeeze %dma_start3A_1271 : memref<1x50xi32, #tpu.memory_space<vmem>> -> memref<50xi32, #tpu.memory_space<vmem>>
        %dma_start3A_1273 = arith.constant 0 : i32
        %dma_start3A_1274 = arith.constant 0 : i32
        %dma_start3A_1275 = tpu.memref_slice %arg3[%dma_start3A_1273, %dma_start3A_1274] : memref<1000000x32xf32, #tpu.memory_space<hbm>> -> memref<1000000x32xf32, #tpu.memory_space<hbm>>
        tpu.enqueue_indirect_dma source(%dma_start3A_1275 : memref<1000000x32xf32, #tpu.memory_space<hbm>>) target(%dma_start3A_1269 : memref<50x32xf32, #tpu.memory_space<vmem>>) offsets(%dma_start3A_1272 : memref<50xi32, #tpu.memory_space<vmem>>) semaphore(%arg7 : memref<!tpu.dma_semaphore, #tpu.memory_space<semaphore_mem>>)
        %mul3A_1276 = arith.constant 32 : i32
        %mul3A_1277 = arith.muli %add3A_987, %mul3A_1276 : i32
        %add3A_1278 = arith.constant 18 : i32
        %add3A_1279 = arith.addi %mul3A_1277, %add3A_1278 : i32
        %dma_start3A_1280 = arith.constant 0 : i32
        %dma_start3A_1281 = arith.constant 18 : i32
        %dma_start3A_1282 = arith.constant 0 : i32
        %dma_start3A_1283 = arith.constant 0 : i32
        %dma_start3A_1284 = tpu.memref_slice %arg6[%dma_start3A_1280, %dma_start3A_1281, %dma_start3A_1282, %dma_start3A_1283] : memref<2x32x50x32xf32, #tpu.memory_space<vmem>> -> memref<1x1x50x32xf32, #tpu.memory_space<vmem>>
        %dma_start3A_1285 = tpu.memref_squeeze %dma_start3A_1284 : memref<1x1x50x32xf32, #tpu.memory_space<vmem>> -> memref<50x32xf32, #tpu.memory_space<vmem>>
        %dma_start3A_1286 = arith.constant 0 : i32
        %dma_start3A_1287 = tpu.memref_slice %arg5[%add3A_1279, %dma_start3A_1286] : memref<512x50xi32, #tpu.memory_space<vmem>> -> memref<1x50xi32, #tpu.memory_space<vmem>>
        %dma_start3A_1288 = tpu.memref_squeeze %dma_start3A_1287 : memref<1x50xi32, #tpu.memory_space<vmem>> -> memref<50xi32, #tpu.memory_space<vmem>>
        %dma_start3A_1289 = arith.constant 0 : i32
        %dma_start3A_1290 = arith.constant 0 : i32
        %dma_start3A_1291 = tpu.memref_slice %arg3[%dma_start3A_1289, %dma_start3A_1290] : memref<1000000x32xf32, #tpu.memory_space<hbm>> -> memref<1000000x32xf32, #tpu.memory_space<hbm>>
        tpu.enqueue_indirect_dma source(%dma_start3A_1291 : memref<1000000x32xf32, #tpu.memory_space<hbm>>) target(%dma_start3A_1285 : memref<50x32xf32, #tpu.memory_space<vmem>>) offsets(%dma_start3A_1288 : memref<50xi32, #tpu.memory_space<vmem>>) semaphore(%arg7 : memref<!tpu.dma_semaphore, #tpu.memory_space<semaphore_mem>>)
        %mul3A_1292 = arith.constant 32 : i32
        %mul3A_1293 = arith.muli %add3A_987, %mul3A_1292 : i32
        %add3A_1294 = arith.constant 19 : i32
        %add3A_1295 = arith.addi %mul3A_1293, %add3A_1294 : i32
        %dma_start3A_1296 = arith.constant 0 : i32
        %dma_start3A_1297 = arith.constant 19 : i32
        %dma_start3A_1298 = arith.constant 0 : i32
        %dma_start3A_1299 = arith.constant 0 : i32
        %dma_start3A_1300 = tpu.memref_slice %arg6[%dma_start3A_1296, %dma_start3A_1297, %dma_start3A_1298, %dma_start3A_1299] : memref<2x32x50x32xf32, #tpu.memory_space<vmem>> -> memref<1x1x50x32xf32, #tpu.memory_space<vmem>>
        %dma_start3A_1301 = tpu.memref_squeeze %dma_start3A_1300 : memref<1x1x50x32xf32, #tpu.memory_space<vmem>> -> memref<50x32xf32, #tpu.memory_space<vmem>>
        %dma_start3A_1302 = arith.constant 0 : i32
        %dma_start3A_1303 = tpu.memref_slice %arg5[%add3A_1295, %dma_start3A_1302] : memref<512x50xi32, #tpu.memory_space<vmem>> -> memref<1x50xi32, #tpu.memory_space<vmem>>
        %dma_start3A_1304 = tpu.memref_squeeze %dma_start3A_1303 : memref<1x50xi32, #tpu.memory_space<vmem>> -> memref<50xi32, #tpu.memory_space<vmem>>
        %dma_start3A_1305 = arith.constant 0 : i32
        %dma_start3A_1306 = arith.constant 0 : i32
        %dma_start3A_1307 = tpu.memref_slice %arg3[%dma_start3A_1305, %dma_start3A_1306] : memref<1000000x32xf32, #tpu.memory_space<hbm>> -> memref<1000000x32xf32, #tpu.memory_space<hbm>>
        tpu.enqueue_indirect_dma source(%dma_start3A_1307 : memref<1000000x32xf32, #tpu.memory_space<hbm>>) target(%dma_start3A_1301 : memref<50x32xf32, #tpu.memory_space<vmem>>) offsets(%dma_start3A_1304 : memref<50xi32, #tpu.memory_space<vmem>>) semaphore(%arg7 : memref<!tpu.dma_semaphore, #tpu.memory_space<semaphore_mem>>)
        %mul3A_1308 = arith.constant 32 : i32
        %mul3A_1309 = arith.muli %add3A_987, %mul3A_1308 : i32
        %add3A_1310 = arith.constant 20 : i32
        %add3A_1311 = arith.addi %mul3A_1309, %add3A_1310 : i32
        %dma_start3A_1312 = arith.constant 0 : i32
        %dma_start3A_1313 = arith.constant 20 : i32
        %dma_start3A_1314 = arith.constant 0 : i32
        %dma_start3A_1315 = arith.constant 0 : i32
        %dma_start3A_1316 = tpu.memref_slice %arg6[%dma_start3A_1312, %dma_start3A_1313, %dma_start3A_1314, %dma_start3A_1315] : memref<2x32x50x32xf32, #tpu.memory_space<vmem>> -> memref<1x1x50x32xf32, #tpu.memory_space<vmem>>
        %dma_start3A_1317 = tpu.memref_squeeze %dma_start3A_1316 : memref<1x1x50x32xf32, #tpu.memory_space<vmem>> -> memref<50x32xf32, #tpu.memory_space<vmem>>
        %dma_start3A_1318 = arith.constant 0 : i32
        %dma_start3A_1319 = tpu.memref_slice %arg5[%add3A_1311, %dma_start3A_1318] : memref<512x50xi32, #tpu.memory_space<vmem>> -> memref<1x50xi32, #tpu.memory_space<vmem>>
        %dma_start3A_1320 = tpu.memref_squeeze %dma_start3A_1319 : memref<1x50xi32, #tpu.memory_space<vmem>> -> memref<50xi32, #tpu.memory_space<vmem>>
        %dma_start3A_1321 = arith.constant 0 : i32
        %dma_start3A_1322 = arith.constant 0 : i32
        %dma_start3A_1323 = tpu.memref_slice %arg3[%dma_start3A_1321, %dma_start3A_1322] : memref<1000000x32xf32, #tpu.memory_space<hbm>> -> memref<1000000x32xf32, #tpu.memory_space<hbm>>
        tpu.enqueue_indirect_dma source(%dma_start3A_1323 : memref<1000000x32xf32, #tpu.memory_space<hbm>>) target(%dma_start3A_1317 : memref<50x32xf32, #tpu.memory_space<vmem>>) offsets(%dma_start3A_1320 : memref<50xi32, #tpu.memory_space<vmem>>) semaphore(%arg7 : memref<!tpu.dma_semaphore, #tpu.memory_space<semaphore_mem>>)
        %mul3A_1324 = arith.constant 32 : i32
        %mul3A_1325 = arith.muli %add3A_987, %mul3A_1324 : i32
        %add3A_1326 = arith.constant 21 : i32
        %add3A_1327 = arith.addi %mul3A_1325, %add3A_1326 : i32
        %dma_start3A_1328 = arith.constant 0 : i32
        %dma_start3A_1329 = arith.constant 21 : i32
        %dma_start3A_1330 = arith.constant 0 : i32
        %dma_start3A_1331 = arith.constant 0 : i32
        %dma_start3A_1332 = tpu.memref_slice %arg6[%dma_start3A_1328, %dma_start3A_1329, %dma_start3A_1330, %dma_start3A_1331] : memref<2x32x50x32xf32, #tpu.memory_space<vmem>> -> memref<1x1x50x32xf32, #tpu.memory_space<vmem>>
        %dma_start3A_1333 = tpu.memref_squeeze %dma_start3A_1332 : memref<1x1x50x32xf32, #tpu.memory_space<vmem>> -> memref<50x32xf32, #tpu.memory_space<vmem>>
        %dma_start3A_1334 = arith.constant 0 : i32
        %dma_start3A_1335 = tpu.memref_slice %arg5[%add3A_1327, %dma_start3A_1334] : memref<512x50xi32, #tpu.memory_space<vmem>> -> memref<1x50xi32, #tpu.memory_space<vmem>>
        %dma_start3A_1336 = tpu.memref_squeeze %dma_start3A_1335 : memref<1x50xi32, #tpu.memory_space<vmem>> -> memref<50xi32, #tpu.memory_space<vmem>>
        %dma_start3A_1337 = arith.constant 0 : i32
        %dma_start3A_1338 = arith.constant 0 : i32
        %dma_start3A_1339 = tpu.memref_slice %arg3[%dma_start3A_1337, %dma_start3A_1338] : memref<1000000x32xf32, #tpu.memory_space<hbm>> -> memref<1000000x32xf32, #tpu.memory_space<hbm>>
        tpu.enqueue_indirect_dma source(%dma_start3A_1339 : memref<1000000x32xf32, #tpu.memory_space<hbm>>) target(%dma_start3A_1333 : memref<50x32xf32, #tpu.memory_space<vmem>>) offsets(%dma_start3A_1336 : memref<50xi32, #tpu.memory_space<vmem>>) semaphore(%arg7 : memref<!tpu.dma_semaphore, #tpu.memory_space<semaphore_mem>>)
        %mul3A_1340 = arith.constant 32 : i32
        %mul3A_1341 = arith.muli %add3A_987, %mul3A_1340 : i32
        %add3A_1342 = arith.constant 22 : i32
        %add3A_1343 = arith.addi %mul3A_1341, %add3A_1342 : i32
        %dma_start3A_1344 = arith.constant 0 : i32
        %dma_start3A_1345 = arith.constant 22 : i32
        %dma_start3A_1346 = arith.constant 0 : i32
        %dma_start3A_1347 = arith.constant 0 : i32
        %dma_start3A_1348 = tpu.memref_slice %arg6[%dma_start3A_1344, %dma_start3A_1345, %dma_start3A_1346, %dma_start3A_1347] : memref<2x32x50x32xf32, #tpu.memory_space<vmem>> -> memref<1x1x50x32xf32, #tpu.memory_space<vmem>>
        %dma_start3A_1349 = tpu.memref_squeeze %dma_start3A_1348 : memref<1x1x50x32xf32, #tpu.memory_space<vmem>> -> memref<50x32xf32, #tpu.memory_space<vmem>>
        %dma_start3A_1350 = arith.constant 0 : i32
        %dma_start3A_1351 = tpu.memref_slice %arg5[%add3A_1343, %dma_start3A_1350] : memref<512x50xi32, #tpu.memory_space<vmem>> -> memref<1x50xi32, #tpu.memory_space<vmem>>
        %dma_start3A_1352 = tpu.memref_squeeze %dma_start3A_1351 : memref<1x50xi32, #tpu.memory_space<vmem>> -> memref<50xi32, #tpu.memory_space<vmem>>
        %dma_start3A_1353 = arith.constant 0 : i32
        %dma_start3A_1354 = arith.constant 0 : i32
        %dma_start3A_1355 = tpu.memref_slice %arg3[%dma_start3A_1353, %dma_start3A_1354] : memref<1000000x32xf32, #tpu.memory_space<hbm>> -> memref<1000000x32xf32, #tpu.memory_space<hbm>>
        tpu.enqueue_indirect_dma source(%dma_start3A_1355 : memref<1000000x32xf32, #tpu.memory_space<hbm>>) target(%dma_start3A_1349 : memref<50x32xf32, #tpu.memory_space<vmem>>) offsets(%dma_start3A_1352 : memref<50xi32, #tpu.memory_space<vmem>>) semaphore(%arg7 : memref<!tpu.dma_semaphore, #tpu.memory_space<semaphore_mem>>)
        %mul3A_1356 = arith.constant 32 : i32
        %mul3A_1357 = arith.muli %add3A_987, %mul3A_1356 : i32
        %add3A_1358 = arith.constant 23 : i32
        %add3A_1359 = arith.addi %mul3A_1357, %add3A_1358 : i32
        %dma_start3A_1360 = arith.constant 0 : i32
        %dma_start3A_1361 = arith.constant 23 : i32
        %dma_start3A_1362 = arith.constant 0 : i32
        %dma_start3A_1363 = arith.constant 0 : i32
        %dma_start3A_1364 = tpu.memref_slice %arg6[%dma_start3A_1360, %dma_start3A_1361, %dma_start3A_1362, %dma_start3A_1363] : memref<2x32x50x32xf32, #tpu.memory_space<vmem>> -> memref<1x1x50x32xf32, #tpu.memory_space<vmem>>
        %dma_start3A_1365 = tpu.memref_squeeze %dma_start3A_1364 : memref<1x1x50x32xf32, #tpu.memory_space<vmem>> -> memref<50x32xf32, #tpu.memory_space<vmem>>
        %dma_start3A_1366 = arith.constant 0 : i32
        %dma_start3A_1367 = tpu.memref_slice %arg5[%add3A_1359, %dma_start3A_1366] : memref<512x50xi32, #tpu.memory_space<vmem>> -> memref<1x50xi32, #tpu.memory_space<vmem>>
        %dma_start3A_1368 = tpu.memref_squeeze %dma_start3A_1367 : memref<1x50xi32, #tpu.memory_space<vmem>> -> memref<50xi32, #tpu.memory_space<vmem>>
        %dma_start3A_1369 = arith.constant 0 : i32
        %dma_start3A_1370 = arith.constant 0 : i32
        %dma_start3A_1371 = tpu.memref_slice %arg3[%dma_start3A_1369, %dma_start3A_1370] : memref<1000000x32xf32, #tpu.memory_space<hbm>> -> memref<1000000x32xf32, #tpu.memory_space<hbm>>
        tpu.enqueue_indirect_dma source(%dma_start3A_1371 : memref<1000000x32xf32, #tpu.memory_space<hbm>>) target(%dma_start3A_1365 : memref<50x32xf32, #tpu.memory_space<vmem>>) offsets(%dma_start3A_1368 : memref<50xi32, #tpu.memory_space<vmem>>) semaphore(%arg7 : memref<!tpu.dma_semaphore, #tpu.memory_space<semaphore_mem>>)
        %mul3A_1372 = arith.constant 32 : i32
        %mul3A_1373 = arith.muli %add3A_987, %mul3A_1372 : i32
        %add3A_1374 = arith.constant 24 : i32
        %add3A_1375 = arith.addi %mul3A_1373, %add3A_1374 : i32
        %dma_start3A_1376 = arith.constant 0 : i32
        %dma_start3A_1377 = arith.constant 24 : i32
        %dma_start3A_1378 = arith.constant 0 : i32
        %dma_start3A_1379 = arith.constant 0 : i32
        %dma_start3A_1380 = tpu.memref_slice %arg6[%dma_start3A_1376, %dma_start3A_1377, %dma_start3A_1378, %dma_start3A_1379] : memref<2x32x50x32xf32, #tpu.memory_space<vmem>> -> memref<1x1x50x32xf32, #tpu.memory_space<vmem>>
        %dma_start3A_1381 = tpu.memref_squeeze %dma_start3A_1380 : memref<1x1x50x32xf32, #tpu.memory_space<vmem>> -> memref<50x32xf32, #tpu.memory_space<vmem>>
        %dma_start3A_1382 = arith.constant 0 : i32
        %dma_start3A_1383 = tpu.memref_slice %arg5[%add3A_1375, %dma_start3A_1382] : memref<512x50xi32, #tpu.memory_space<vmem>> -> memref<1x50xi32, #tpu.memory_space<vmem>>
        %dma_start3A_1384 = tpu.memref_squeeze %dma_start3A_1383 : memref<1x50xi32, #tpu.memory_space<vmem>> -> memref<50xi32, #tpu.memory_space<vmem>>
        %dma_start3A_1385 = arith.constant 0 : i32
        %dma_start3A_1386 = arith.constant 0 : i32
        %dma_start3A_1387 = tpu.memref_slice %arg3[%dma_start3A_1385, %dma_start3A_1386] : memref<1000000x32xf32, #tpu.memory_space<hbm>> -> memref<1000000x32xf32, #tpu.memory_space<hbm>>
        tpu.enqueue_indirect_dma source(%dma_start3A_1387 : memref<1000000x32xf32, #tpu.memory_space<hbm>>) target(%dma_start3A_1381 : memref<50x32xf32, #tpu.memory_space<vmem>>) offsets(%dma_start3A_1384 : memref<50xi32, #tpu.memory_space<vmem>>) semaphore(%arg7 : memref<!tpu.dma_semaphore, #tpu.memory_space<semaphore_mem>>)
        %mul3A_1388 = arith.constant 32 : i32
        %mul3A_1389 = arith.muli %add3A_987, %mul3A_1388 : i32
        %add3A_1390 = arith.constant 25 : i32
        %add3A_1391 = arith.addi %mul3A_1389, %add3A_1390 : i32
        %dma_start3A_1392 = arith.constant 0 : i32
        %dma_start3A_1393 = arith.constant 25 : i32
        %dma_start3A_1394 = arith.constant 0 : i32
        %dma_start3A_1395 = arith.constant 0 : i32
        %dma_start3A_1396 = tpu.memref_slice %arg6[%dma_start3A_1392, %dma_start3A_1393, %dma_start3A_1394, %dma_start3A_1395] : memref<2x32x50x32xf32, #tpu.memory_space<vmem>> -> memref<1x1x50x32xf32, #tpu.memory_space<vmem>>
        %dma_start3A_1397 = tpu.memref_squeeze %dma_start3A_1396 : memref<1x1x50x32xf32, #tpu.memory_space<vmem>> -> memref<50x32xf32, #tpu.memory_space<vmem>>
        %dma_start3A_1398 = arith.constant 0 : i32
        %dma_start3A_1399 = tpu.memref_slice %arg5[%add3A_1391, %dma_start3A_1398] : memref<512x50xi32, #tpu.memory_space<vmem>> -> memref<1x50xi32, #tpu.memory_space<vmem>>
        %dma_start3A_1400 = tpu.memref_squeeze %dma_start3A_1399 : memref<1x50xi32, #tpu.memory_space<vmem>> -> memref<50xi32, #tpu.memory_space<vmem>>
        %dma_start3A_1401 = arith.constant 0 : i32
        %dma_start3A_1402 = arith.constant 0 : i32
        %dma_start3A_1403 = tpu.memref_slice %arg3[%dma_start3A_1401, %dma_start3A_1402] : memref<1000000x32xf32, #tpu.memory_space<hbm>> -> memref<1000000x32xf32, #tpu.memory_space<hbm>>
        tpu.enqueue_indirect_dma source(%dma_start3A_1403 : memref<1000000x32xf32, #tpu.memory_space<hbm>>) target(%dma_start3A_1397 : memref<50x32xf32, #tpu.memory_space<vmem>>) offsets(%dma_start3A_1400 : memref<50xi32, #tpu.memory_space<vmem>>) semaphore(%arg7 : memref<!tpu.dma_semaphore, #tpu.memory_space<semaphore_mem>>)
        %mul3A_1404 = arith.constant 32 : i32
        %mul3A_1405 = arith.muli %add3A_987, %mul3A_1404 : i32
        %add3A_1406 = arith.constant 26 : i32
        %add3A_1407 = arith.addi %mul3A_1405, %add3A_1406 : i32
        %dma_start3A_1408 = arith.constant 0 : i32
        %dma_start3A_1409 = arith.constant 26 : i32
        %dma_start3A_1410 = arith.constant 0 : i32
        %dma_start3A_1411 = arith.constant 0 : i32
        %dma_start3A_1412 = tpu.memref_slice %arg6[%dma_start3A_1408, %dma_start3A_1409, %dma_start3A_1410, %dma_start3A_1411] : memref<2x32x50x32xf32, #tpu.memory_space<vmem>> -> memref<1x1x50x32xf32, #tpu.memory_space<vmem>>
        %dma_start3A_1413 = tpu.memref_squeeze %dma_start3A_1412 : memref<1x1x50x32xf32, #tpu.memory_space<vmem>> -> memref<50x32xf32, #tpu.memory_space<vmem>>
        %dma_start3A_1414 = arith.constant 0 : i32
        %dma_start3A_1415 = tpu.memref_slice %arg5[%add3A_1407, %dma_start3A_1414] : memref<512x50xi32, #tpu.memory_space<vmem>> -> memref<1x50xi32, #tpu.memory_space<vmem>>
        %dma_start3A_1416 = tpu.memref_squeeze %dma_start3A_1415 : memref<1x50xi32, #tpu.memory_space<vmem>> -> memref<50xi32, #tpu.memory_space<vmem>>
        %dma_start3A_1417 = arith.constant 0 : i32
        %dma_start3A_1418 = arith.constant 0 : i32
        %dma_start3A_1419 = tpu.memref_slice %arg3[%dma_start3A_1417, %dma_start3A_1418] : memref<1000000x32xf32, #tpu.memory_space<hbm>> -> memref<1000000x32xf32, #tpu.memory_space<hbm>>
        tpu.enqueue_indirect_dma source(%dma_start3A_1419 : memref<1000000x32xf32, #tpu.memory_space<hbm>>) target(%dma_start3A_1413 : memref<50x32xf32, #tpu.memory_space<vmem>>) offsets(%dma_start3A_1416 : memref<50xi32, #tpu.memory_space<vmem>>) semaphore(%arg7 : memref<!tpu.dma_semaphore, #tpu.memory_space<semaphore_mem>>)
        %mul3A_1420 = arith.constant 32 : i32
        %mul3A_1421 = arith.muli %add3A_987, %mul3A_1420 : i32
        %add3A_1422 = arith.constant 27 : i32
        %add3A_1423 = arith.addi %mul3A_1421, %add3A_1422 : i32
        %dma_start3A_1424 = arith.constant 0 : i32
        %dma_start3A_1425 = arith.constant 27 : i32
        %dma_start3A_1426 = arith.constant 0 : i32
        %dma_start3A_1427 = arith.constant 0 : i32
        %dma_start3A_1428 = tpu.memref_slice %arg6[%dma_start3A_1424, %dma_start3A_1425, %dma_start3A_1426, %dma_start3A_1427] : memref<2x32x50x32xf32, #tpu.memory_space<vmem>> -> memref<1x1x50x32xf32, #tpu.memory_space<vmem>>
        %dma_start3A_1429 = tpu.memref_squeeze %dma_start3A_1428 : memref<1x1x50x32xf32, #tpu.memory_space<vmem>> -> memref<50x32xf32, #tpu.memory_space<vmem>>
        %dma_start3A_1430 = arith.constant 0 : i32
        %dma_start3A_1431 = tpu.memref_slice %arg5[%add3A_1423, %dma_start3A_1430] : memref<512x50xi32, #tpu.memory_space<vmem>> -> memref<1x50xi32, #tpu.memory_space<vmem>>
        %dma_start3A_1432 = tpu.memref_squeeze %dma_start3A_1431 : memref<1x50xi32, #tpu.memory_space<vmem>> -> memref<50xi32, #tpu.memory_space<vmem>>
        %dma_start3A_1433 = arith.constant 0 : i32
        %dma_start3A_1434 = arith.constant 0 : i32
        %dma_start3A_1435 = tpu.memref_slice %arg3[%dma_start3A_1433, %dma_start3A_1434] : memref<1000000x32xf32, #tpu.memory_space<hbm>> -> memref<1000000x32xf32, #tpu.memory_space<hbm>>
        tpu.enqueue_indirect_dma source(%dma_start3A_1435 : memref<1000000x32xf32, #tpu.memory_space<hbm>>) target(%dma_start3A_1429 : memref<50x32xf32, #tpu.memory_space<vmem>>) offsets(%dma_start3A_1432 : memref<50xi32, #tpu.memory_space<vmem>>) semaphore(%arg7 : memref<!tpu.dma_semaphore, #tpu.memory_space<semaphore_mem>>)
        %mul3A_1436 = arith.constant 32 : i32
        %mul3A_1437 = arith.muli %add3A_987, %mul3A_1436 : i32
        %add3A_1438 = arith.constant 28 : i32
        %add3A_1439 = arith.addi %mul3A_1437, %add3A_1438 : i32
        %dma_start3A_1440 = arith.constant 0 : i32
        %dma_start3A_1441 = arith.constant 28 : i32
        %dma_start3A_1442 = arith.constant 0 : i32
        %dma_start3A_1443 = arith.constant 0 : i32
        %dma_start3A_1444 = tpu.memref_slice %arg6[%dma_start3A_1440, %dma_start3A_1441, %dma_start3A_1442, %dma_start3A_1443] : memref<2x32x50x32xf32, #tpu.memory_space<vmem>> -> memref<1x1x50x32xf32, #tpu.memory_space<vmem>>
        %dma_start3A_1445 = tpu.memref_squeeze %dma_start3A_1444 : memref<1x1x50x32xf32, #tpu.memory_space<vmem>> -> memref<50x32xf32, #tpu.memory_space<vmem>>
        %dma_start3A_1446 = arith.constant 0 : i32
        %dma_start3A_1447 = tpu.memref_slice %arg5[%add3A_1439, %dma_start3A_1446] : memref<512x50xi32, #tpu.memory_space<vmem>> -> memref<1x50xi32, #tpu.memory_space<vmem>>
        %dma_start3A_1448 = tpu.memref_squeeze %dma_start3A_1447 : memref<1x50xi32, #tpu.memory_space<vmem>> -> memref<50xi32, #tpu.memory_space<vmem>>
        %dma_start3A_1449 = arith.constant 0 : i32
        %dma_start3A_1450 = arith.constant 0 : i32
        %dma_start3A_1451 = tpu.memref_slice %arg3[%dma_start3A_1449, %dma_start3A_1450] : memref<1000000x32xf32, #tpu.memory_space<hbm>> -> memref<1000000x32xf32, #tpu.memory_space<hbm>>
        tpu.enqueue_indirect_dma source(%dma_start3A_1451 : memref<1000000x32xf32, #tpu.memory_space<hbm>>) target(%dma_start3A_1445 : memref<50x32xf32, #tpu.memory_space<vmem>>) offsets(%dma_start3A_1448 : memref<50xi32, #tpu.memory_space<vmem>>) semaphore(%arg7 : memref<!tpu.dma_semaphore, #tpu.memory_space<semaphore_mem>>)
        %mul3A_1452 = arith.constant 32 : i32
        %mul3A_1453 = arith.muli %add3A_987, %mul3A_1452 : i32
        %add3A_1454 = arith.constant 29 : i32
        %add3A_1455 = arith.addi %mul3A_1453, %add3A_1454 : i32
        %dma_start3A_1456 = arith.constant 0 : i32
        %dma_start3A_1457 = arith.constant 29 : i32
        %dma_start3A_1458 = arith.constant 0 : i32
        %dma_start3A_1459 = arith.constant 0 : i32
        %dma_start3A_1460 = tpu.memref_slice %arg6[%dma_start3A_1456, %dma_start3A_1457, %dma_start3A_1458, %dma_start3A_1459] : memref<2x32x50x32xf32, #tpu.memory_space<vmem>> -> memref<1x1x50x32xf32, #tpu.memory_space<vmem>>
        %dma_start3A_1461 = tpu.memref_squeeze %dma_start3A_1460 : memref<1x1x50x32xf32, #tpu.memory_space<vmem>> -> memref<50x32xf32, #tpu.memory_space<vmem>>
        %dma_start3A_1462 = arith.constant 0 : i32
        %dma_start3A_1463 = tpu.memref_slice %arg5[%add3A_1455, %dma_start3A_1462] : memref<512x50xi32, #tpu.memory_space<vmem>> -> memref<1x50xi32, #tpu.memory_space<vmem>>
        %dma_start3A_1464 = tpu.memref_squeeze %dma_start3A_1463 : memref<1x50xi32, #tpu.memory_space<vmem>> -> memref<50xi32, #tpu.memory_space<vmem>>
        %dma_start3A_1465 = arith.constant 0 : i32
        %dma_start3A_1466 = arith.constant 0 : i32
        %dma_start3A_1467 = tpu.memref_slice %arg3[%dma_start3A_1465, %dma_start3A_1466] : memref<1000000x32xf32, #tpu.memory_space<hbm>> -> memref<1000000x32xf32, #tpu.memory_space<hbm>>
        tpu.enqueue_indirect_dma source(%dma_start3A_1467 : memref<1000000x32xf32, #tpu.memory_space<hbm>>) target(%dma_start3A_1461 : memref<50x32xf32, #tpu.memory_space<vmem>>) offsets(%dma_start3A_1464 : memref<50xi32, #tpu.memory_space<vmem>>) semaphore(%arg7 : memref<!tpu.dma_semaphore, #tpu.memory_space<semaphore_mem>>)
        %mul3A_1468 = arith.constant 32 : i32
        %mul3A_1469 = arith.muli %add3A_987, %mul3A_1468 : i32
        %add3A_1470 = arith.constant 30 : i32
        %add3A_1471 = arith.addi %mul3A_1469, %add3A_1470 : i32
        %dma_start3A_1472 = arith.constant 0 : i32
        %dma_start3A_1473 = arith.constant 30 : i32
        %dma_start3A_1474 = arith.constant 0 : i32
        %dma_start3A_1475 = arith.constant 0 : i32
        %dma_start3A_1476 = tpu.memref_slice %arg6[%dma_start3A_1472, %dma_start3A_1473, %dma_start3A_1474, %dma_start3A_1475] : memref<2x32x50x32xf32, #tpu.memory_space<vmem>> -> memref<1x1x50x32xf32, #tpu.memory_space<vmem>>
        %dma_start3A_1477 = tpu.memref_squeeze %dma_start3A_1476 : memref<1x1x50x32xf32, #tpu.memory_space<vmem>> -> memref<50x32xf32, #tpu.memory_space<vmem>>
        %dma_start3A_1478 = arith.constant 0 : i32
        %dma_start3A_1479 = tpu.memref_slice %arg5[%add3A_1471, %dma_start3A_1478] : memref<512x50xi32, #tpu.memory_space<vmem>> -> memref<1x50xi32, #tpu.memory_space<vmem>>
        %dma_start3A_1480 = tpu.memref_squeeze %dma_start3A_1479 : memref<1x50xi32, #tpu.memory_space<vmem>> -> memref<50xi32, #tpu.memory_space<vmem>>
        %dma_start3A_1481 = arith.constant 0 : i32
        %dma_start3A_1482 = arith.constant 0 : i32
        %dma_start3A_1483 = tpu.memref_slice %arg3[%dma_start3A_1481, %dma_start3A_1482] : memref<1000000x32xf32, #tpu.memory_space<hbm>> -> memref<1000000x32xf32, #tpu.memory_space<hbm>>
        tpu.enqueue_indirect_dma source(%dma_start3A_1483 : memref<1000000x32xf32, #tpu.memory_space<hbm>>) target(%dma_start3A_1477 : memref<50x32xf32, #tpu.memory_space<vmem>>) offsets(%dma_start3A_1480 : memref<50xi32, #tpu.memory_space<vmem>>) semaphore(%arg7 : memref<!tpu.dma_semaphore, #tpu.memory_space<semaphore_mem>>)
        %mul3A_1484 = arith.constant 32 : i32
        %mul3A_1485 = arith.muli %add3A_987, %mul3A_1484 : i32
        %add3A_1486 = arith.constant 31 : i32
        %add3A_1487 = arith.addi %mul3A_1485, %add3A_1486 : i32
        %dma_start3A_1488 = arith.constant 0 : i32
        %dma_start3A_1489 = arith.constant 31 : i32
        %dma_start3A_1490 = arith.constant 0 : i32
        %dma_start3A_1491 = arith.constant 0 : i32
        %dma_start3A_1492 = tpu.memref_slice %arg6[%dma_start3A_1488, %dma_start3A_1489, %dma_start3A_1490, %dma_start3A_1491] : memref<2x32x50x32xf32, #tpu.memory_space<vmem>> -> memref<1x1x50x32xf32, #tpu.memory_space<vmem>>
        %dma_start3A_1493 = tpu.memref_squeeze %dma_start3A_1492 : memref<1x1x50x32xf32, #tpu.memory_space<vmem>> -> memref<50x32xf32, #tpu.memory_space<vmem>>
        %dma_start3A_1494 = arith.constant 0 : i32
        %dma_start3A_1495 = tpu.memref_slice %arg5[%add3A_1487, %dma_start3A_1494] : memref<512x50xi32, #tpu.memory_space<vmem>> -> memref<1x50xi32, #tpu.memory_space<vmem>>
        %dma_start3A_1496 = tpu.memref_squeeze %dma_start3A_1495 : memref<1x50xi32, #tpu.memory_space<vmem>> -> memref<50xi32, #tpu.memory_space<vmem>>
        %dma_start3A_1497 = arith.constant 0 : i32
        %dma_start3A_1498 = arith.constant 0 : i32
        %dma_start3A_1499 = tpu.memref_slice %arg3[%dma_start3A_1497, %dma_start3A_1498] : memref<1000000x32xf32, #tpu.memory_space<hbm>> -> memref<1000000x32xf32, #tpu.memory_space<hbm>>
        tpu.enqueue_indirect_dma source(%dma_start3A_1499 : memref<1000000x32xf32, #tpu.memory_space<hbm>>) target(%dma_start3A_1493 : memref<50x32xf32, #tpu.memory_space<vmem>>) offsets(%dma_start3A_1496 : memref<50xi32, #tpu.memory_space<vmem>>) semaphore(%arg7 : memref<!tpu.dma_semaphore, #tpu.memory_space<semaphore_mem>>)
      } else {
      }
      %add3A_980 = arith.constant 1 : i32
      %add3A_981 = arith.addi %mul3A_425, %add3A_980 : i32
      %mul3A_982 = arith.constant 32 : i32
      %mul3A_983 = arith.muli %add3A_981, %mul3A_982 : i32
      %add3A_984 = arith.addi %mul3A_2, %mul3A_983 : i32
      %run_scoped3A_985 = arith.constant 1 : i32
      "tpu.region"() ({
        %run_scoped3A_986 = tpu.sem_alloc : memref<!tpu.dma_semaphore, #tpu.memory_space<semaphore_mem>>
        %dma_start3A_987 = arith.constant 0 : i32
        %dma_start3A_988 = arith.constant 0 : i32
        %dma_start3A_989 = arith.constant 0 : i32
        %dma_start3A_990 = tpu.memref_slice %arg6[%run_scoped3A_985, %dma_start3A_987, %dma_start3A_988, %dma_start3A_989] : memref<2x32x50x32xf32, #tpu.memory_space<vmem>> -> memref<1x32x50x32xf32, #tpu.memory_space<vmem>>
        %dma_start3A_991 = tpu.memref_squeeze %dma_start3A_990 : memref<1x32x50x32xf32, #tpu.memory_space<vmem>> -> memref<32x50x32xf32, #tpu.memory_space<vmem>>
        %dma_start3A_992 = arith.constant 0 : i32
        %dma_start3A_993 = arith.constant 0 : i32
        %dma_start3A_994 = tpu.memref_slice %arg4[%add3A_984, %dma_start3A_992, %dma_start3A_993] : memref<16384x50x32xf32, #tpu.memory_space<hbm>> -> memref<32x50x32xf32, #tpu.memory_space<hbm>>
        %dma_start3A_995 = arith.constant 0 : i32
        %dma_start3A_996 = arith.constant 0 : i32
        %dma_start3A_997 = tpu.memref_slice %arg4[%add3A_984, %dma_start3A_995, %dma_start3A_996] : memref<16384x50x32xf32, #tpu.memory_space<hbm>> -> memref<32x50x32xf32, #tpu.memory_space<hbm>>
        %dma_start3A_998 = arith.constant 0 : i32
        %dma_start3A_999 = arith.constant 0 : i32
        %dma_start3A_1000 = arith.constant 0 : i32
        %dma_start3A_1001 = tpu.memref_slice %arg6[%run_scoped3A_985, %dma_start3A_998, %dma_start3A_999, %dma_start3A_1000] : memref<2x32x50x32xf32, #tpu.memory_space<vmem>> -> memref<1x32x50x32xf32, #tpu.memory_space<vmem>>
        %dma_start3A_1002 = tpu.memref_squeeze %dma_start3A_1001 : memref<1x32x50x32xf32, #tpu.memory_space<vmem>> -> memref<32x50x32xf32, #tpu.memory_space<vmem>>
        tpu.enqueue_dma source(%dma_start3A_1002 : memref<32x50x32xf32, #tpu.memory_space<vmem>>) target(%dma_start3A_997 : memref<32x50x32xf32, #tpu.memory_space<hbm>>) target_semaphore(%run_scoped3A_986 : memref<!tpu.dma_semaphore, #tpu.memory_space<semaphore_mem>>)
        %dma_wait3A_1003 = arith.constant 0 : i32
        %dma_wait3A_1004 = arith.constant 0 : i32
        %dma_wait3A_1005 = arith.constant 0 : i32
        %dma_wait3A_1006 = tpu.memref_slice %arg6[%run_scoped3A_985, %dma_wait3A_1003, %dma_wait3A_1004, %dma_wait3A_1005] : memref<2x32x50x32xf32, #tpu.memory_space<vmem>> -> memref<1x32x50x32xf32, #tpu.memory_space<vmem>>
        %dma_wait3A_1007 = tpu.memref_squeeze %dma_wait3A_1006 : memref<1x32x50x32xf32, #tpu.memory_space<vmem>> -> memref<32x50x32xf32, #tpu.memory_space<vmem>>
        %dma_wait3A_1008 = arith.constant 0 : i32
        %dma_wait3A_1009 = arith.constant 0 : i32
        %dma_wait3A_1010 = tpu.memref_slice %arg4[%add3A_984, %dma_wait3A_1008, %dma_wait3A_1009] : memref<16384x50x32xf32, #tpu.memory_space<hbm>> -> memref<32x50x32xf32, #tpu.memory_space<hbm>>
        %dma_wait3A_1011 = arith.constant 0 : i32
        %dma_wait3A_1012 = arith.constant 0 : i32
        %dma_wait3A_1013 = tpu.memref_slice %arg4[%add3A_984, %dma_wait3A_1011, %dma_wait3A_1012] : memref<16384x50x32xf32, #tpu.memory_space<hbm>> -> memref<32x50x32xf32, #tpu.memory_space<hbm>>
        %dma_wait3A_1014 = arith.constant 0 : i32
        %dma_wait3A_1015 = arith.constant 0 : i32
        %dma_wait3A_1016 = arith.constant 0 : i32
        %dma_wait3A_1017 = tpu.memref_slice %arg6[%run_scoped3A_985, %dma_wait3A_1014, %dma_wait3A_1015, %dma_wait3A_1016] : memref<2x32x50x32xf32, #tpu.memory_space<vmem>> -> memref<1x32x50x32xf32, #tpu.memory_space<vmem>>
        %dma_wait3A_1018 = tpu.memref_squeeze %dma_wait3A_1017 : memref<1x32x50x32xf32, #tpu.memory_space<vmem>> -> memref<32x50x32xf32, #tpu.memory_space<vmem>>
        tpu.wait_dma2 semaphore(%run_scoped3A_986 : memref<!tpu.dma_semaphore, #tpu.memory_space<semaphore_mem>>) src(%dma_wait3A_1018 : memref<32x50x32xf32, #tpu.memory_space<vmem>>) dst(%dma_wait3A_1013 : memref<32x50x32xf32, #tpu.memory_space<hbm>>)
        tpu.yield
      }) : () -> ()
    }
    %scan3A_422 = arith.constant 8 : i32
    return
  }
}

</mosaic_0001>

<sc_bundles>
// kernel: kernel.3.cloned.1.call-start
scs
__scs_entry_jumppad:
0x0: {  	(pc) =	sbr.rel $0x88, $3  }
0x1: {  	(tag) =	ssettag $0x0;
	lr =	simm.s32 $0x1  }
0x2: {  	[smem:$0x3F9F] =	sst lr;
	_ =	strace $0xD0000000  }
0x3: {  	_ = 	snop  }
0x4: {  	_ = 	snop  }
0x5: {  	_ = 	snop  }
0x6: {  	_ = 	snop  }
0x7: {  	_ = 	snop  }
__scs_overlays_trampoline_lowered:
0x8: {  	[smem:$0x3FAE] =	sst s0  }
0x9: {  	[smem:$0x3FAF] =	sst s1  }
0xa: {  	[smem:$0x3FB0] =	sst s2  }
0xb: {  	[smem:$0x3FB1] =	sst s3  }
0xc: {  	[smem:$0x3FB2] =	sst s4  }
0xd: {  	[smem:$0x3FB3] =	sst s5  }
0xe: {  	[smem:$0x3FB4] =	sst s6  }
0xf: {  	[smem:$0x3FB5] =	sst s7  }
0x10: {  	[smem:$0x3FB6] =	sst s8  }
0x11: {  	[smem:$0x3FB7] =	sst s9;
	s0 =	simm.s32 @!p0 $0x0  }
0x12: {  	s1 =	sld [smem:$0x3F9D];
	s0 =	simm.s32 @p0 $0x1  }
0x13: {  	[smem:$0x3FB8] =	sst s0;
	s0 =	simm.s32 @!p1 $0x0  }
0x14: {  	s2 =	sld [smem:$0x3F9C];
	s0 =	simm.s32 @p1 $0x1  }
0x15: {  	[smem:$0x3FB9] =	sst s0;
	s0 =	simm.s32 @!p2 $0x0  }
0x16: {  	s3 =	sld [smem:$0x3FDB];
	s0 =	simm.s32 @p2 $0x1  }
0x17: {  	s4 =	simm.s32 $0x1BF5;
	[smem:$0x3FBB] =	sst s0  }
0x18: {  	s0 =	sld [smem:$0x3F9E];
	_ =	swait.ge [sflag:s4], $0x0  }
0x19: {  	s7 =	sld [smem:$0x3F9F]  }
0x1a: {  	s8 =	sadd.s32 $0xFFFFE003, lr  }
0x1b: {  	s9 =	sadd.s32 $0xFFFFFEF7, lr;
	s5 =	simm.s32 $0xFFFFFFFF;
	p2 =	slt.u32 s8, $0xFFFFF086  }
0x1c: {  	p1 =	slt.u32 s9, $0xF7A;
	s5 =	simm.s32 @!p2 $0x0  }
0x1d: {  	s5 =	simm.s32 @p1 $0x1;
	p0 =	seq.s32 s7, s2  }
0x1e: {  	s7 =	smul.u32 @!p0 $0xF7A, s2;
	p2 =	seq.s32 @!p0 s5, $0x0  }
0x1f: {  	s9 =	smul.u32 $0xF7A, s1;
	s8 =	simm.s32 @!p0 $0x1BF5;
	p2 =	por !p2, p0  }
0x20: {  	[sflag:s8] =	ssyncset.s32 @!p0 $0xFFFFF086;
	s6 =	sadd.s32 @!p0 s3, s7;
	s7 =	simm.s32 @!p0 $0x108  }
0x21: {  	s3 =	sadd.s32 s3, s9;
	s6 =	sadd.s32 @!p0 $0x88, s6;
	s7 =	simm.s32 @p2 $0x1082  }
0x22: {  	[simem:s7], [sflag:s8] =	dma.local @!p0 [hbm:s6], $0xF7A  }
0x23: {  	s9 =	sor.u32 $0xD0000000, s2;
	s6 =	simm.s32 $0x108;
	_ =	swait.ge @!p0 [sflag:s8], $0x0  }
0x24: {  	s3 =	sadd.s32 $0x88, s3;
	s6 =	simm.s32 @!p1 $0x1082;
	[sflag:s4] =	ssyncset.s32 $0xFFFFF086  }
0x25: {  	[simem:s6], [sflag:s4] =	dma.local [hbm:s3], $0xF7A  }
0x26: {  	[smem:$0x3F9F] =	sst s1;
	(tag) =	ssettag s2;
	_ =	strace s9  }
0x27: {  	s1 =	sld [smem:$0x3FAF]  }
0x28: {  	s2 =	sld [smem:$0x3FB0]  }
0x29: {  	s4 =	sld [smem:$0x3FB2]  }
0x2a: {  	p0 =	seq.s32 s5, $0x0;
	s5 =	sld [smem:$0x3FB3]  }
0x2b: {  	s6 =	sld [smem:$0x3FB4]  }
0x2c: {  	s7 =	sld [smem:$0x3FB5]  }
0x2d: {  	s3 =	simm.s32 $0x108;
	s8 =	sld [smem:$0x3FB6]  }
0x2e: {  	s3 =	simm.s32 @!p0 $0x1082;
	s9 =	sld [smem:$0x3FB7]  }
0x2f: {  	lr =	sadd.s32 s0, s3;
	s0 =	sld [smem:$0x3FAE]  }
0x30: {  	s3 =	sld [smem:$0x3FB1]  }
0x31: {  	[smem:$0x3FBA] =	sst s10  }
0x32: {  	s10 =	sld [smem:$0x3FB8];
	_ =	sdelay $0x3  }
0x33: {  	p0 =	seq.s32 s10, $0x1;
	s10 =	sld [smem:$0x3FBA];
	_ =	sdelay $0x3  }
0x34: {  	[smem:$0x3FBA] =	sst s10  }
0x35: {  	s10 =	sld [smem:$0x3FB9];
	_ =	sdelay $0x3  }
0x36: {  	p1 =	seq.s32 s10, $0x1;
	s10 =	sld [smem:$0x3FBA];
	_ =	sdelay $0x3  }
0x37: {  	[smem:$0x3FBA] =	sst s10  }
0x38: {  	s10 =	sld [smem:$0x3FBB]  }
0x39: {  	_ = 	snop;
	(pc) =	sbr.ind lr, $3  }
0x3a: {  	_ = 	snop  }
0x3b: {  	_ = 	snop  }
0x3c: {  	p2 =	seq.s32 s10, $0x1;
	s10 =	sld [smem:$0x3FBA]  }
0x3d: {  	_ =	shalt  }
0x3e: {  	_ =	shalt  }
0x3f: {  	_ =	shalt  }
0x40: {  	_ =	shalt  }
0x41: {  	_ =	shalt  }
0x42: {  	_ =	shalt  }
0x43: {  	_ =	shalt  }
0x44: {  	_ =	shalt  }
0x45: {  	_ =	shalt  }
0x46: {  	_ =	shalt  }
0x47: {  	_ =	shalt  }
0x48: {  	_ =	shalt  }
0x49: {  	_ =	shalt  }
0x4a: {  	_ =	shalt  }
0x4b: {  	_ =	shalt  }
0x4c: {  	_ =	shalt  }
0x4d: {  	_ =	shalt  }
0x4e: {  	_ =	shalt  }
0x4f: {  	_ =	shalt  }
0x50: {  	_ =	shalt  }
0x51: {  	_ =	shalt  }
0x52: {  	_ =	shalt  }
0x53: {  	_ =	shalt  }
0x54: {  	_ =	shalt  }
0x55: {  	_ =	shalt  }
0x56: {  	_ =	shalt  }
0x57: {  	_ =	shalt  }
0x58: {  	_ =	shalt  }
0x59: {  	_ =	shalt  }
0x5a: {  	_ =	shalt  }
0x5b: {  	_ =	shalt  }
0x5c: {  	_ =	shalt  }
0x5d: {  	_ =	shalt  }
0x5e: {  	_ =	shalt  }
0x5f: {  	_ =	shalt  }
0x60: {  	_ =	shalt  }
0x61: {  	_ =	shalt  }
0x62: {  	_ =	shalt  }
0x63: {  	_ =	shalt  }
0x64: {  	_ =	shalt  }
0x65: {  	_ =	shalt  }
0x66: {  	_ =	shalt  }
0x67: {  	_ =	shalt  }
0x68: {  	_ =	shalt  }
0x69: {  	_ =	shalt  }
0x6a: {  	_ =	shalt  }
0x6b: {  	_ =	shalt  }
0x6c: {  	_ =	shalt  }
0x6d: {  	_ =	shalt  }
0x6e: {  	_ =	shalt  }
0x6f: {  	_ =	shalt  }
0x70: {  	_ =	shalt  }
0x71: {  	_ =	shalt  }
0x72: {  	_ =	shalt  }
0x73: {  	_ =	shalt  }
0x74: {  	_ =	shalt  }
0x75: {  	_ =	shalt  }
0x76: {  	_ =	shalt  }
0x77: {  	_ =	shalt  }
0x78: {  	_ =	shalt  }
0x79: {  	_ =	shalt  }
0x7a: {  	_ =	shalt  }
0x7b: {  	_ =	shalt  }
0x7c: {  	_ =	shalt  }
0x7d: {  	_ =	shalt  }
0x7e: {  	_ =	shalt  }
0x7f: {  	_ =	shalt  }
0x80: {  	_ =	shalt  }
0x81: {  	_ =	shalt  }
0x82: {  	_ =	shalt  }
0x83: {  	_ =	shalt  }
0x84: {  	_ =	shalt  }
0x85: {  	_ =	shalt  }
0x86: {  	_ =	shalt  }
0x87: {  	_ =	shalt  }
.Lfunc_end0:
.L_simem_size_0:
called_computation.1_lowered:
.L_overlay_start_0:
0x88: {  	s2 =	sld [smem:$0x3FD9]  }
0x89: {  	s3 =	sld [smem:$0x3FFE];
	_ =	sdelay $0x1  }
0x8a: {  	s1 =	srdreg.scid  }
0x8b: {  	s0 =	sand.u32 $0x1, s1  }
0x8c: {  	s17 =	sshll.u32 s0, $0xA;
	s2 =	sadd.s32 s3, s2  }
0x8d: {  	s2 =	sadd.s32 s2, s17  }
0x8e: {  	[smem:$0x3FC6] =	sst s2  }
0x8f: {  	_ = 	snop  }
0x90: {  	s2 =	sld [smem:$0x3FD0];
	(tm) =	ssettm $0x1  }
0x91: {  	s18 =	sld [smem:$0x3FFB];
	_ =	sdelay $0x3  }
0x92: {  	_ =	strace s18  }
0x93: {  	s3 =	sld [smem:$0x3FFC];
	_ =	sdelay $0x3  }
0x94: {  	_ =	strace s3  }
0x95: {  	s3 =	sld [smem:$0x3FFD];
	_ =	sdelay $0x3  }
0x96: {  	_ =	strace s3  }
0x97: {  	_ =	strace $0x8FFFFFFF  }
0x98: {  	s19 =	sld [smem:$0x3FDB];
	_ =	sdelay $0x1  }
0x99: {  	s4 =	simm.s32 $_scs_section_size  }
0x9a: {  	s5 =	simm.s32 $_size__tile_overlayer_lowered;
	s6 =	simm.s32 $_tile_overlayer_lowered  }
0x9b: {  	s22 =	simm.s32 $0x1BFF;
	s21 =	sshll.u32 s6, $0x1;
	s3 =	sadd.s32 s4, s19  }
0x9c: {  	s7 =	simm.s32 $0x0;
	s20 =	sshll.u32 s5, $0x1;
	s5 =	sadd.s32 s21, s3  }
0x9d: {  	[timem:s7], [sflag:s22] =	dma.local [hbm:s5], s20  }
0x9e: {  	_ =	swait.ge [sflag:s22], s20  }
0x9f: {  	s4 =	ssub.s32 $0x0, s20;
	[sflag:s22] =	ssyncset.done $0x0  }
0xa0: {  	[sflag:s22] =	ssyncadd.s32 s4;
	_ =	sdelay $0x1  }
0xa1: {  	s23 =	simm.s32 $0x1B8B  }
0xa2: {  	_ =	swait.ge [sflag:s23], $0x1  }
0xa3: {  	[sflag:s23] =	ssyncset.done $0x0  }
0xa4: {  	s25 =	simm.s32 $0x1B8E;
	s24 =	sld [smem:$0x3FFE];
	[sflag:s23] =	ssyncadd.s32 $0xFFFFFFFF  }
0xa5: {  	s26 =	simm.s32 $execute0_lowered;
	[smem:$0x3FD2] =	sst s25  }
0xa6: {  	s5 =	sshll.u32 s26, $0x1;
	_ =	strace $0x80000046;
	[dreg:$0x1] =	wrdreg $0xFFFFFFFF  }
0xa7: {  	s28 =	simm.s32 $_size_execute0_lowered;
	s3 =	sadd.s32 s3, s5;
	[dreg:$0x0] =	wrdreg $0x0  }
0xa8: {  	s5 =	sshll.u32 s28, $0x1;
	[dreg:$0x2] =	wrdreg s3  }
0xa9: {  	[dreg:$0x3] =	wrdreg s5  }
0xaa: {  	[dreg:$0x4] =	wrdreg $0xC0  }
0xab: {  	_ =	task [dreg:s7], $0x5FFFF  }
0xac: {  	[dreg:$0x1] =	wrdreg $0xFFFFFFFF  }
0xad: {  	[dreg:$0x0] =	wrdreg $0x60  }
0xae: {  	[dreg:$0x2] =	wrdreg s24  }
0xaf: {  	[dreg:$0x3] =	wrdreg s2  }
0xb0: {  	[dreg:$0x4] =	wrdreg $0x9  }
0xb1: {  	_ =	task.clear_ibuf [dreg:s7], $0x5FFFF;
	_ =	strace $0x90000046  }
0xb2: {  	s29 =	simm.s32 $0x9;
	_ =	strace $0x80000048  }
0xb3: {  	_ =	swait.ge [sflag:s29], $0x1  }
0xb4: {  	[sflag:s29] =	ssyncadd.s32 $0xFFFFFFFF  }
0xb5: {  	_ =	strace $0x90000048  }
0xb6: {  	_ =	sfence  }
0xb7: {  	s30 =	sld [smem:$0x0];
	_ =	sdelay $0x2  }
0xb8: {  	s31 =	sshll.u32 s1, $0xD;
	s1 =	sshrl.u32 s1, $0x2  }
0xb9: {  	s3 =	sand.u32 $0x4000, s31;
	s1 =	sadd.s32 s1, s30  }
0xba: {  	s0 =	sor.u32 s3, s0;
	s1 =	sshll.u32 s1, $0x11  }
0xbb: {  	s0 =	sor.u32 s1, s0  }
0xbc: {  	s0 =	sadd.s32 $0x8F2B, s0  }
0xbd: {  	[sflag:s0] =	ssyncadd.remote.s32 $0x1  }
0xbe: {  	_ =	sfence.sel $0xFFFF  }
0xbf: {  	[dreg:$0x0] =	wrdreg $0xFFFFFFFF;
	(pc) =	sbr.abs _section_cstart, $3  }
0xc0: {  	[dreg:$0x1] =	wrdreg $0xFFFFFFFF  }
0xc1: {  	_ =	task.clear_ibuf [dreg:s7], $0x2FFFF;
	_ =	strace $0x9FFFFFFF  }
0xc2: {  	(tm) =	ssettm $0x7FFFFFFF  }
0xc3: {  	_ =	shalt  }
tec
execute0_lowered:
.L_overlay_start_1:
0x0: {  	(tag) =	ssettag $0x1  }
0x1: {  	s0 =	srdreg.scid;
	s1 =	rddreg [dreg:$0x0]  }
0x2: {  	s7 =	stileid.u32;
	s4 =	rddreg [dreg:$0x1]  }
0x3: {  	s2 =	simm.s32 $0x0;
	s8 =	simm.s32 $0x32;
	s9 =	simm.s32 $0x7000  }
0x4: {  	s21 =	simm.s32 $0x1;
	s23 =	simm.s32 $0x13800;
	s29 =	simm.s32 $0x13E40  }
0x5: {  	s24 =	simm.s32 $0x19C00;
	s11 =	simm.s32 $0x1B500;
	s13 =	simm.s32 $0x1BB40  }
0x6: {  	s15 =	simm.s32 $0x1C180;
	s17 =	simm.s32 $0x1C7C0;
	s19 =	simm.s32 $0x1CE00  }
0x7: {  	s25 =	simm.s32 $0x1D440;
	s28 =	simm.s32 $0x1DA80;
	s30 =	simm.s32 $0x1E0C0  }
0x8: {  	s10 =	simm.s32 $0x1ED40;
	s14 =	simm.s32 $0x1F380;
	s18 =	simm.s32 $0x1F9C0  }
0x9: {  	s22 =	simm.s32 $0x2;
	s16 =	simm.s32 $0x0;
	s0 =	sand.u32 $0x1, s0  }
0xa: {  	s3 =	sshll.u32 s7, $0xA;
	[smem:$0x7FF] =	sst s2;
	s7 =	smul.u32 $0x32000, s7  }
0xb: {  	s5 =	sshll.u32 s0, $0x9;
	_ =	strace $0x80000047;
	s6 =	ssub.s32 $0x2, s0  }
0xc: {  	s0 =	smul.u32 $0x19000, s0;
	s3 =	sor.u32 s5, s3;
	s31 =	sshrl.u32 s6, $0x1  }
0xd: {  	s4 =	sadd.s32 s7, s4;
	s7 =	simm.s32 $0x3;
	s3 =	smul.u32 $0x7, s3  }
.Ltmp0:
0xe: {  	s0 =	sadd.s32 s0, s4;
	s4 =	simm.s32 $0x1A240;
	(pc) =	sbr.rel .LBB2_1-.Ltmp0, $4  }
0xf: {  	[dreg:$0x5] =	wrdreg s0;
	s0 =	simm.s32 $0x195C0;
	s26 =	sadd.s32 s3, s1  }
0x10: {  	s3 =	sadd.s32 $0xF42E00, s1;
	s1 =	ssub.s32 s6, s31;
	s5 =	sadd.s32 $0xA00, s26  }
0x11: {  	s6 =	simm.s32 $0x1AEC0;
	s1 =	smax.u32 s1, $0x1;
	[dreg:$0x3] =	wrdreg s5  }
0x12: {  	[dreg:$0x4] =	wrdreg s1;
	s5 =	simm.s32 $0x1A880;
	s1 =	simm.s32 $0x1E700  }
.LBB2_5:
0x13: {  	s16 =	rddreg [dreg:$0x6]  }
0x14: {  	s12 =	rddreg [dreg:$0x4];
	s16 =	sadd.s32 $0x1, s16  }
0x15: {  	p0 =	sne.s32 s16, s12  }
.Ltmp1:
0x16: {  	_ = 	snop;
	(pc) =	sbr.rel @!p0 .LBB2_6-.Ltmp1, $1  }
0x17: {  	_ =	sdelay $0x3  }
.LBB2_1:
0x18: {  	[dreg:$0x6] =	wrdreg s16  }
0x19: {  	s12 =	rddreg [dreg:$0x3]  }
0x1a: {  	[tilespmem:s2], [sflag:$0x3] =	stream.linear.gather [hbm4b:s12+s2], $0x7000, $0x38;
	v63 =	vld [tilespmem:$0x0]  }
0x1b: {  	_ =	swait.ge [sflag:s7], $0x7000  }
0x1c: {  	[sflag:s7] =	ssyncset.done $0x0  }
0x1d: {  	[sflag:s7] =	ssyncadd.s32 $0xFFFF9000  }
0x1e: {  	[tilespmem:s9], [sflag:$0x1] =	stream.indirect.gather [hbm4b:s3+s8], $0x20, s2, s8, $0xb8;
	v63 =	vld [tilespmem:$0x0]  }
0x1f: {  	s16 =	simm.s32 $0x38;
	s20 =	simm.s32 $0x7640  }
0x20: {  	[tilespmem:s20], [sflag:$0x1] =	stream.indirect.gather [hbm4b:s3+s8], $0x20, s16, s8, $0xb8;
	v63 =	vld [tilespmem:$0x0]  }
0x21: {  	s26 =	simm.s32 $0x70;
	s16 =	simm.s32 $0x7C80  }
0x22: {  	[tilespmem:s16], [sflag:$0x1] =	stream.indirect.gather [hbm4b:s3+s8], $0x20, s26, s8, $0xb8;
	v63 =	vld [tilespmem:$0x0]  }
0x23: {  	s26 =	simm.s32 $0xA8;
	s16 =	simm.s32 $0x82C0  }
0x24: {  	[tilespmem:s16], [sflag:$0x1] =	stream.indirect.gather [hbm4b:s3+s8], $0x20, s26, s8, $0xb8;
	v63 =	vld [tilespmem:$0x0]  }
0x25: {  	s26 =	simm.s32 $0xE0;
	s16 =	simm.s32 $0x8900  }
0x26: {  	[tilespmem:s16], [sflag:$0x1] =	stream.indirect.gather [hbm4b:s3+s8], $0x20, s26, s8, $0xb8;
	v63 =	vld [tilespmem:$0x0]  }
0x27: {  	s26 =	simm.s32 $0x118;
	s16 =	simm.s32 $0x8F40  }
0x28: {  	[tilespmem:s16], [sflag:$0x1] =	stream.indirect.gather [hbm4b:s3+s8], $0x20, s26, s8, $0xb8;
	v63 =	vld [tilespmem:$0x0]  }
0x29: {  	s26 =	simm.s32 $0x150;
	s16 =	simm.s32 $0x9580  }
0x2a: {  	[tilespmem:s16], [sflag:$0x1] =	stream.indirect.gather [hbm4b:s3+s8], $0x20, s26, s8, $0xb8;
	v63 =	vld [tilespmem:$0x0]  }
0x2b: {  	s26 =	simm.s32 $0x188;
	s16 =	simm.s32 $0x9BC0  }
0x2c: {  	[tilespmem:s16], [sflag:$0x1] =	stream.indirect.gather [hbm4b:s3+s8], $0x20, s26, s8, $0xb8;
	v63 =	vld [tilespmem:$0x0]  }
0x2d: {  	s26 =	simm.s32 $0x1C0;
	s16 =	simm.s32 $0xA200  }
0x2e: {  	[tilespmem:s16], [sflag:$0x1] =	stream.indirect.gather [hbm4b:s3+s8], $0x20, s26, s8, $0xb8;
	v63 =	vld [tilespmem:$0x0]  }
0x2f: {  	s26 =	simm.s32 $0x1F8;
	s16 =	simm.s32 $0xA840  }
0x30: {  	[tilespmem:s16], [sflag:$0x1] =	stream.indirect.gather [hbm4b:s3+s8], $0x20, s26, s8, $0xb8;
	v63 =	vld [tilespmem:$0x0]  }
0x31: {  	s26 =	simm.s32 $0x230;
	s16 =	simm.s32 $0xAE80  }
0x32: {  	[tilespmem:s16], [sflag:$0x1] =	stream.indirect.gather [hbm4b:s3+s8], $0x20, s26, s8, $0xb8;
	v63 =	vld [tilespmem:$0x0]  }
0x33: {  	s26 =	simm.s32 $0x268;
	s16 =	simm.s32 $0xB4C0  }
0x34: {  	[tilespmem:s16], [sflag:$0x1] =	stream.indirect.gather [hbm4b:s3+s8], $0x20, s26, s8, $0xb8;
	v63 =	vld [tilespmem:$0x0]  }
0x35: {  	s26 =	simm.s32 $0x2A0;
	s16 =	simm.s32 $0xBB00  }
0x36: {  	[tilespmem:s16], [sflag:$0x1] =	stream.indirect.gather [hbm4b:s3+s8], $0x20, s26, s8, $0xb8;
	v63 =	vld [tilespmem:$0x0]  }
0x37: {  	s26 =	simm.s32 $0x2D8;
	s16 =	simm.s32 $0xC140  }
0x38: {  	[tilespmem:s16], [sflag:$0x1] =	stream.indirect.gather [hbm4b:s3+s8], $0x20, s26, s8, $0xb8;
	v63 =	vld [tilespmem:$0x0]  }
0x39: {  	s26 =	simm.s32 $0x310;
	s16 =	simm.s32 $0xC780  }
0x3a: {  	[tilespmem:s16], [sflag:$0x1] =	stream.indirect.gather [hbm4b:s3+s8], $0x20, s26, s8, $0xb8;
	v63 =	vld [tilespmem:$0x0]  }
0x3b: {  	s26 =	simm.s32 $0x348;
	s16 =	simm.s32 $0xCDC0  }
0x3c: {  	[tilespmem:s16], [sflag:$0x1] =	stream.indirect.gather [hbm4b:s3+s8], $0x20, s26, s8, $0xb8;
	v63 =	vld [tilespmem:$0x0]  }
0x3d: {  	s26 =	simm.s32 $0x380;
	s16 =	simm.s32 $0xD400  }
0x3e: {  	[tilespmem:s16], [sflag:$0x1] =	stream.indirect.gather [hbm4b:s3+s8], $0x20, s26, s8, $0xb8;
	v63 =	vld [tilespmem:$0x0]  }
0x3f: {  	s26 =	simm.s32 $0x3B8;
	s16 =	simm.s32 $0xDA40  }
0x40: {  	[tilespmem:s16], [sflag:$0x1] =	stream.indirect.gather [hbm4b:s3+s8], $0x20, s26, s8, $0xb8;
	v63 =	vld [tilespmem:$0x0]  }
0x41: {  	s26 =	simm.s32 $0x3F0;
	s16 =	simm.s32 $0xE080  }
0x42: {  	[tilespmem:s16], [sflag:$0x1] =	stream.indirect.gather [hbm4b:s3+s8], $0x20, s26, s8, $0xb8;
	v63 =	vld [tilespmem:$0x0]  }
0x43: {  	s26 =	simm.s32 $0x428;
	s16 =	simm.s32 $0xE6C0  }
0x44: {  	[tilespmem:s16], [sflag:$0x1] =	stream.indirect.gather [hbm4b:s3+s8], $0x20, s26, s8, $0xb8;
	v63 =	vld [tilespmem:$0x0]  }
0x45: {  	s26 =	simm.s32 $0x460;
	s16 =	simm.s32 $0xED00  }
0x46: {  	[tilespmem:s16], [sflag:$0x1] =	stream.indirect.gather [hbm4b:s3+s8], $0x20, s26, s8, $0xb8;
	v63 =	vld [tilespmem:$0x0]  }
0x47: {  	s26 =	simm.s32 $0x498;
	s16 =	simm.s32 $0xF340  }
0x48: {  	[tilespmem:s16], [sflag:$0x1] =	stream.indirect.gather [hbm4b:s3+s8], $0x20, s26, s8, $0xb8;
	v63 =	vld [tilespmem:$0x0]  }
0x49: {  	s26 =	simm.s32 $0x4D0;
	s16 =	simm.s32 $0xF980  }
0x4a: {  	[tilespmem:s16], [sflag:$0x1] =	stream.indirect.gather [hbm4b:s3+s8], $0x20, s26, s8, $0xb8;
	v63 =	vld [tilespmem:$0x0]  }
0x4b: {  	s26 =	simm.s32 $0x508;
	s16 =	simm.s32 $0xFFC0  }
0x4c: {  	[tilespmem:s16], [sflag:$0x1] =	stream.indirect.gather [hbm4b:s3+s8], $0x20, s26, s8, $0xb8;
	v63 =	vld [tilespmem:$0x0]  }
0x4d: {  	s26 =	simm.s32 $0x540;
	s16 =	simm.s32 $0x10600  }
0x4e: {  	[tilespmem:s16], [sflag:$0x1] =	stream.indirect.gather [hbm4b:s3+s8], $0x20, s26, s8, $0xb8;
	v63 =	vld [tilespmem:$0x0]  }
0x4f: {  	s26 =	simm.s32 $0x578;
	s16 =	simm.s32 $0x10C40  }
0x50: {  	[tilespmem:s16], [sflag:$0x1] =	stream.indirect.gather [hbm4b:s3+s8], $0x20, s26, s8, $0xb8;
	v63 =	vld [tilespmem:$0x0]  }
0x51: {  	s26 =	simm.s32 $0x5B0;
	s16 =	simm.s32 $0x11280  }
0x52: {  	[tilespmem:s16], [sflag:$0x1] =	stream.indirect.gather [hbm4b:s3+s8], $0x20, s26, s8, $0xb8;
	v63 =	vld [tilespmem:$0x0]  }
0x53: {  	s26 =	simm.s32 $0x5E8;
	s16 =	simm.s32 $0x118C0  }
0x54: {  	[tilespmem:s16], [sflag:$0x1] =	stream.indirect.gather [hbm4b:s3+s8], $0x20, s26, s8, $0xb8;
	v63 =	vld [tilespmem:$0x0]  }
0x55: {  	s26 =	simm.s32 $0x620;
	s16 =	simm.s32 $0x11F00  }
0x56: {  	[tilespmem:s16], [sflag:$0x1] =	stream.indirect.gather [hbm4b:s3+s8], $0x20, s26, s8, $0xb8;
	v63 =	vld [tilespmem:$0x0]  }
0x57: {  	s26 =	simm.s32 $0x658;
	s16 =	simm.s32 $0x12540  }
0x58: {  	[tilespmem:s16], [sflag:$0x1] =	stream.indirect.gather [hbm4b:s3+s8], $0x20, s26, s8, $0xb8;
	v63 =	vld [tilespmem:$0x0]  }
.Ltmp2:
0x59: {  	s26 =	simm.s32 $0x690;
	s16 =	simm.s32 $0x12B80;
	(pc) =	sbr.rel .LBB2_2-.Ltmp2, $4  }
0x5a: {  	[tilespmem:s16], [sflag:$0x1] =	stream.indirect.gather [hbm4b:s3+s8], $0x20, s26, s8, $0xb8;
	v63 =	vld [tilespmem:$0x0]  }
0x5b: {  	s20 =	simm.s32 $0x6C8;
	s26 =	simm.s32 $0x131C0  }
0x5c: {  	[tilespmem:s26], [sflag:$0x1] =	stream.indirect.gather [hbm4b:s3+s8], $0x20, s20, s8, $0xb8;
	v63 =	vld [tilespmem:$0x0]  }
0x5d: {  	s31 =	simm.s32 $0x0;
	s26 =	rddreg [dreg:$0x5]  }
.LBB2_4:
0x5e: {  	s31 =	sadd.s32 $0x3800, s31  }
0x5f: {  	p0 =	sne.s32 s31, $0x1C000  }
.Ltmp3:
0x60: {  	s12 =	sadd.s32 $0x1900, s26;
	(pc) =	sbr.rel @!p0 .LBB2_5-.Ltmp3, $4  }
0x61: {  	[hbm4b:s12+s2] =	stream.linear.scatter [tilespmem:s23], [sflag:$0x3], $0xC800, $0x38;
	v63 =	vld [tilespmem:$0x0]  }
0x62: {  	_ =	swait.ge [sflag:s7], $0xC800  }
0x63: {  	[sflag:s7] =	ssyncset.done $0x0  }
0x64: {  	s26 =	sadd.s32 $0x3200, s26;
	[sflag:s7] =	ssyncadd.s32 $0xFFFF3800  }
.LBB2_2:
0x65: {  	_ =	swait.ge [sflag:s21], $0xC800  }
0x66: {  	s12 =	sshra.s32 s31, $0x2;
	[sflag:s21] =	ssyncset.done $0x0  }
0x67: {  	s20 =	sadd.s32 $0x700, s12;
	[sflag:s21] =	ssyncadd.s32 $0xFFFF3800  }
0x68: {  	[tilespmem:s23], [sflag:$0x2] =	stream.indirect.gather [hbm4b:s3+s8], $0x20, s20, s8, $0xb8;
	v63 =	vld [tilespmem:$0x0]  }
0x69: {  	s16 =	sadd.s32 $0x738, s12  }
0x6a: {  	[tilespmem:s29], [sflag:$0x2] =	stream.indirect.gather [hbm4b:s3+s8], $0x20, s16, s8, $0xb8;
	v63 =	vld [tilespmem:$0x0]  }
0x6b: {  	s20 =	sadd.s32 $0x770, s12;
	s16 =	simm.s32 $0x14480  }
0x6c: {  	[tilespmem:s16], [sflag:$0x2] =	stream.indirect.gather [hbm4b:s3+s8], $0x20, s20, s8, $0xb8;
	v63 =	vld [tilespmem:$0x0]  }
0x6d: {  	s20 =	sadd.s32 $0x7A8, s12;
	s16 =	simm.s32 $0x14AC0  }
0x6e: {  	[tilespmem:s16], [sflag:$0x2] =	stream.indirect.gather [hbm4b:s3+s8], $0x20, s20, s8, $0xb8;
	v63 =	vld [tilespmem:$0x0]  }
0x6f: {  	s20 =	sadd.s32 $0x7E0, s12;
	s16 =	simm.s32 $0x15100  }
0x70: {  	[tilespmem:s16], [sflag:$0x2] =	stream.indirect.gather [hbm4b:s3+s8], $0x20, s20, s8, $0xb8;
	v63 =	vld [tilespmem:$0x0]  }
0x71: {  	s20 =	sadd.s32 $0x818, s12;
	s16 =	simm.s32 $0x15740  }
0x72: {  	[tilespmem:s16], [sflag:$0x2] =	stream.indirect.gather [hbm4b:s3+s8], $0x20, s20, s8, $0xb8;
	v63 =	vld [tilespmem:$0x0]  }
0x73: {  	s20 =	sadd.s32 $0x850, s12;
	s16 =	simm.s32 $0x15D80  }
0x74: {  	[tilespmem:s16], [sflag:$0x2] =	stream.indirect.gather [hbm4b:s3+s8], $0x20, s20, s8, $0xb8;
	v63 =	vld [tilespmem:$0x0]  }
0x75: {  	s20 =	sadd.s32 $0x888, s12;
	s16 =	simm.s32 $0x163C0  }
0x76: {  	[tilespmem:s16], [sflag:$0x2] =	stream.indirect.gather [hbm4b:s3+s8], $0x20, s20, s8, $0xb8;
	v63 =	vld [tilespmem:$0x0]  }
0x77: {  	s20 =	sadd.s32 $0x8C0, s12;
	s16 =	simm.s32 $0x16A00  }
0x78: {  	[tilespmem:s16], [sflag:$0x2] =	stream.indirect.gather [hbm4b:s3+s8], $0x20, s20, s8, $0xb8;
	v63 =	vld [tilespmem:$0x0]  }
0x79: {  	s20 =	sadd.s32 $0x8F8, s12;
	s16 =	simm.s32 $0x17040  }
0x7a: {  	[tilespmem:s16], [sflag:$0x2] =	stream.indirect.gather [hbm4b:s3+s8], $0x20, s20, s8, $0xb8;
	v63 =	vld [tilespmem:$0x0]  }
0x7b: {  	s20 =	sadd.s32 $0x930, s12;
	s16 =	simm.s32 $0x17680  }
0x7c: {  	[tilespmem:s16], [sflag:$0x2] =	stream.indirect.gather [hbm4b:s3+s8], $0x20, s20, s8, $0xb8;
	v63 =	vld [tilespmem:$0x0]  }
0x7d: {  	s20 =	sadd.s32 $0x968, s12;
	s16 =	simm.s32 $0x17CC0  }
0x7e: {  	[tilespmem:s16], [sflag:$0x2] =	stream.indirect.gather [hbm4b:s3+s8], $0x20, s20, s8, $0xb8;
	v63 =	vld [tilespmem:$0x0]  }
0x7f: {  	s20 =	sadd.s32 $0x9A0, s12;
	s16 =	simm.s32 $0x18300  }
0x80: {  	[tilespmem:s16], [sflag:$0x2] =	stream.indirect.gather [hbm4b:s3+s8], $0x20, s20, s8, $0xb8;
	v63 =	vld [tilespmem:$0x0]  }
0x81: {  	s20 =	sadd.s32 $0x9D8, s12;
	s16 =	simm.s32 $0x18940  }
0x82: {  	[tilespmem:s16], [sflag:$0x2] =	stream.indirect.gather [hbm4b:s3+s8], $0x20, s20, s8, $0xb8;
	v63 =	vld [tilespmem:$0x0]  }
0x83: {  	s20 =	sadd.s32 $0xA10, s12;
	s16 =	simm.s32 $0x18F80  }
0x84: {  	[tilespmem:s16], [sflag:$0x2] =	stream.indirect.gather [hbm4b:s3+s8], $0x20, s20, s8, $0xb8;
	v63 =	vld [tilespmem:$0x0]  }
0x85: {  	s16 =	sadd.s32 $0xA48, s12  }
0x86: {  	[tilespmem:s0], [sflag:$0x2] =	stream.indirect.gather [hbm4b:s3+s8], $0x20, s16, s8, $0xb8;
	v63 =	vld [tilespmem:$0x0]  }
0x87: {  	s16 =	sadd.s32 $0xA80, s12  }
0x88: {  	[tilespmem:s24], [sflag:$0x2] =	stream.indirect.gather [hbm4b:s3+s8], $0x20, s16, s8, $0xb8;
	v63 =	vld [tilespmem:$0x0]  }
0x89: {  	s16 =	sadd.s32 $0xAB8, s12  }
0x8a: {  	[tilespmem:s4], [sflag:$0x2] =	stream.indirect.gather [hbm4b:s3+s8], $0x20, s16, s8, $0xb8;
	v63 =	vld [tilespmem:$0x0]  }
0x8b: {  	s16 =	sadd.s32 $0xAF0, s12  }
0x8c: {  	[tilespmem:s5], [sflag:$0x2] =	stream.indirect.gather [hbm4b:s3+s8], $0x20, s16, s8, $0xb8;
	v63 =	vld [tilespmem:$0x0]  }
0x8d: {  	s16 =	sadd.s32 $0xB28, s12  }
0x8e: {  	[tilespmem:s6], [sflag:$0x2] =	stream.indirect.gather [hbm4b:s3+s8], $0x20, s16, s8, $0xb8;
	v63 =	vld [tilespmem:$0x0]  }
0x8f: {  	s16 =	sadd.s32 $0xB60, s12  }
0x90: {  	[tilespmem:s11], [sflag:$0x2] =	stream.indirect.gather [hbm4b:s3+s8], $0x20, s16, s8, $0xb8;
	v63 =	vld [tilespmem:$0x0]  }
0x91: {  	s16 =	sadd.s32 $0xB98, s12  }
0x92: {  	[tilespmem:s13], [sflag:$0x2] =	stream.indirect.gather [hbm4b:s3+s8], $0x20, s16, s8, $0xb8;
	v63 =	vld [tilespmem:$0x0]  }
0x93: {  	s16 =	sadd.s32 $0xBD0, s12  }
0x94: {  	[tilespmem:s15], [sflag:$0x2] =	stream.indirect.gather [hbm4b:s3+s8], $0x20, s16, s8, $0xb8;
	v63 =	vld [tilespmem:$0x0]  }
0x95: {  	s16 =	sadd.s32 $0xC08, s12  }
0x96: {  	[tilespmem:s17], [sflag:$0x2] =	stream.indirect.gather [hbm4b:s3+s8], $0x20, s16, s8, $0xb8;
	v63 =	vld [tilespmem:$0x0]  }
0x97: {  	s16 =	sadd.s32 $0xC40, s12  }
0x98: {  	[tilespmem:s19], [sflag:$0x2] =	stream.indirect.gather [hbm4b:s3+s8], $0x20, s16, s8, $0xb8;
	v63 =	vld [tilespmem:$0x0]  }
0x99: {  	s16 =	sadd.s32 $0xC78, s12  }
0x9a: {  	[tilespmem:s25], [sflag:$0x2] =	stream.indirect.gather [hbm4b:s3+s8], $0x20, s16, s8, $0xb8;
	v63 =	vld [tilespmem:$0x0]  }
0x9b: {  	s16 =	sadd.s32 $0xCB0, s12  }
0x9c: {  	[tilespmem:s28], [sflag:$0x2] =	stream.indirect.gather [hbm4b:s3+s8], $0x20, s16, s8, $0xb8;
	v63 =	vld [tilespmem:$0x0]  }
0x9d: {  	s16 =	sadd.s32 $0xCE8, s12  }
0x9e: {  	[tilespmem:s30], [sflag:$0x2] =	stream.indirect.gather [hbm4b:s3+s8], $0x20, s16, s8, $0xb8;
	v63 =	vld [tilespmem:$0x0]  }
0x9f: {  	s16 =	sadd.s32 $0xD20, s12  }
0xa0: {  	[tilespmem:s1], [sflag:$0x2] =	stream.indirect.gather [hbm4b:s3+s8], $0x20, s16, s8, $0xb8;
	v63 =	vld [tilespmem:$0x0]  }
0xa1: {  	s16 =	sadd.s32 $0xD58, s12  }
0xa2: {  	[tilespmem:s10], [sflag:$0x2] =	stream.indirect.gather [hbm4b:s3+s8], $0x20, s16, s8, $0xb8;
	v63 =	vld [tilespmem:$0x0]  }
0xa3: {  	s16 =	sadd.s32 $0xD90, s12  }
0xa4: {  	[tilespmem:s14], [sflag:$0x2] =	stream.indirect.gather [hbm4b:s3+s8], $0x20, s16, s8, $0xb8;
	v63 =	vld [tilespmem:$0x0]  }
0xa5: {  	s16 =	sadd.s32 $0xDC8, s12  }
0xa6: {  	[tilespmem:s18], [sflag:$0x2] =	stream.indirect.gather [hbm4b:s3+s8], $0x20, s16, s8, $0xb8;
	v63 =	vld [tilespmem:$0x0]  }
0xa7: {  	_ = 	snop  }
0xa8: {  	[hbm4b:s26+s2] =	stream.linear.scatter [tilespmem:s9], [sflag:$0x3], $0xC800, $0x38;
	v63 =	vld [tilespmem:$0x0]  }
0xa9: {  	p0 =	seq.s32 s31, $0x18800;
	_ =	swait.ge [sflag:s7], $0xC800  }
.Ltmp4:
0xaa: {  	[sflag:s7] =	ssyncset.done $0x0;
	(pc) =	sbr.rel @p0 .LBB2_4-.Ltmp4, $4  }
0xab: {  	[sflag:s7] =	ssyncadd.s32 $0xFFFF3800  }
0xac: {  	_ =	swait.ge [sflag:s22], $0xC800  }
0xad: {  	[sflag:s22] =	ssyncset.done $0x0  }
0xae: {  	[sflag:s22] =	ssyncadd.s32 $0xFFFF3800  }
0xaf: {  	s20 =	sadd.s32 $0xE00, s12  }
0xb0: {  	[tilespmem:s9], [sflag:$0x1] =	stream.indirect.gather [hbm4b:s3+s8], $0x20, s20, s8, $0xb8;
	v63 =	vld [tilespmem:$0x0]  }
0xb1: {  	s16 =	sadd.s32 $0xE38, s12;
	s29 =	simm.s32 $0x7640  }
0xb2: {  	[tilespmem:s29], [sflag:$0x1] =	stream.indirect.gather [hbm4b:s3+s8], $0x20, s16, s8, $0xb8;
	v63 =	vld [tilespmem:$0x0]  }
0xb3: {  	s16 =	sadd.s32 $0xE70, s12;
	s29 =	simm.s32 $0x7C80  }
0xb4: {  	[tilespmem:s29], [sflag:$0x1] =	stream.indirect.gather [hbm4b:s3+s8], $0x20, s16, s8, $0xb8;
	v63 =	vld [tilespmem:$0x0]  }
0xb5: {  	s16 =	sadd.s32 $0xEA8, s12;
	s29 =	simm.s32 $0x82C0  }
0xb6: {  	[tilespmem:s29], [sflag:$0x1] =	stream.indirect.gather [hbm4b:s3+s8], $0x20, s16, s8, $0xb8;
	v63 =	vld [tilespmem:$0x0]  }
0xb7: {  	s16 =	sadd.s32 $0xEE0, s12;
	s29 =	simm.s32 $0x8900  }
0xb8: {  	[tilespmem:s29], [sflag:$0x1] =	stream.indirect.gather [hbm4b:s3+s8], $0x20, s16, s8, $0xb8;
	v63 =	vld [tilespmem:$0x0]  }
0xb9: {  	s16 =	sadd.s32 $0xF18, s12;
	s29 =	simm.s32 $0x8F40  }
0xba: {  	[tilespmem:s29], [sflag:$0x1] =	stream.indirect.gather [hbm4b:s3+s8], $0x20, s16, s8, $0xb8;
	v63 =	vld [tilespmem:$0x0]  }
0xbb: {  	s16 =	sadd.s32 $0xF50, s12;
	s29 =	simm.s32 $0x9580  }
0xbc: {  	[tilespmem:s29], [sflag:$0x1] =	stream.indirect.gather [hbm4b:s3+s8], $0x20, s16, s8, $0xb8;
	v63 =	vld [tilespmem:$0x0]  }
0xbd: {  	s16 =	sadd.s32 $0xF88, s12;
	s29 =	simm.s32 $0x9BC0  }
0xbe: {  	[tilespmem:s29], [sflag:$0x1] =	stream.indirect.gather [hbm4b:s3+s8], $0x20, s16, s8, $0xb8;
	v63 =	vld [tilespmem:$0x0]  }
0xbf: {  	s16 =	sadd.s32 $0xFC0, s12;
	s29 =	simm.s32 $0xA200  }
0xc0: {  	[tilespmem:s29], [sflag:$0x1] =	stream.indirect.gather [hbm4b:s3+s8], $0x20, s16, s8, $0xb8;
	v63 =	vld [tilespmem:$0x0]  }
0xc1: {  	s16 =	sadd.s32 $0xFF8, s12;
	s29 =	simm.s32 $0xA840  }
0xc2: {  	[tilespmem:s29], [sflag:$0x1] =	stream.indirect.gather [hbm4b:s3+s8], $0x20, s16, s8, $0xb8;
	v63 =	vld [tilespmem:$0x0]  }
0xc3: {  	s16 =	sadd.s32 $0x1030, s12;
	s29 =	simm.s32 $0xAE80  }
0xc4: {  	[tilespmem:s29], [sflag:$0x1] =	stream.indirect.gather [hbm4b:s3+s8], $0x20, s16, s8, $0xb8;
	v63 =	vld [tilespmem:$0x0]  }
0xc5: {  	s16 =	sadd.s32 $0x1068, s12;
	s29 =	simm.s32 $0xB4C0  }
0xc6: {  	[tilespmem:s29], [sflag:$0x1] =	stream.indirect.gather [hbm4b:s3+s8], $0x20, s16, s8, $0xb8;
	v63 =	vld [tilespmem:$0x0]  }
0xc7: {  	s16 =	sadd.s32 $0x10A0, s12;
	s29 =	simm.s32 $0xBB00  }
0xc8: {  	[tilespmem:s29], [sflag:$0x1] =	stream.indirect.gather [hbm4b:s3+s8], $0x20, s16, s8, $0xb8;
	v63 =	vld [tilespmem:$0x0]  }
0xc9: {  	s16 =	sadd.s32 $0x10D8, s12;
	s29 =	simm.s32 $0xC140  }
0xca: {  	[tilespmem:s29], [sflag:$0x1] =	stream.indirect.gather [hbm4b:s3+s8], $0x20, s16, s8, $0xb8;
	v63 =	vld [tilespmem:$0x0]  }
0xcb: {  	s16 =	sadd.s32 $0x1110, s12;
	s29 =	simm.s32 $0xC780  }
0xcc: {  	[tilespmem:s29], [sflag:$0x1] =	stream.indirect.gather [hbm4b:s3+s8], $0x20, s16, s8, $0xb8;
	v63 =	vld [tilespmem:$0x0]  }
0xcd: {  	s16 =	sadd.s32 $0x1148, s12;
	s29 =	simm.s32 $0xCDC0  }
0xce: {  	[tilespmem:s29], [sflag:$0x1] =	stream.indirect.gather [hbm4b:s3+s8], $0x20, s16, s8, $0xb8;
	v63 =	vld [tilespmem:$0x0]  }
0xcf: {  	s16 =	sadd.s32 $0x1180, s12;
	s29 =	simm.s32 $0xD400  }
0xd0: {  	[tilespmem:s29], [sflag:$0x1] =	stream.indirect.gather [hbm4b:s3+s8], $0x20, s16, s8, $0xb8;
	v63 =	vld [tilespmem:$0x0]  }
0xd1: {  	s16 =	sadd.s32 $0x11B8, s12;
	s29 =	simm.s32 $0xDA40  }
0xd2: {  	[tilespmem:s29], [sflag:$0x1] =	stream.indirect.gather [hbm4b:s3+s8], $0x20, s16, s8, $0xb8;
	v63 =	vld [tilespmem:$0x0]  }
0xd3: {  	s16 =	sadd.s32 $0x11F0, s12;
	s29 =	simm.s32 $0xE080  }
0xd4: {  	[tilespmem:s29], [sflag:$0x1] =	stream.indirect.gather [hbm4b:s3+s8], $0x20, s16, s8, $0xb8;
	v63 =	vld [tilespmem:$0x0]  }
0xd5: {  	s16 =	sadd.s32 $0x1228, s12;
	s29 =	simm.s32 $0xE6C0  }
0xd6: {  	[tilespmem:s29], [sflag:$0x1] =	stream.indirect.gather [hbm4b:s3+s8], $0x20, s16, s8, $0xb8;
	v63 =	vld [tilespmem:$0x0]  }
0xd7: {  	s16 =	sadd.s32 $0x1260, s12;
	s29 =	simm.s32 $0xED00  }
0xd8: {  	[tilespmem:s29], [sflag:$0x1] =	stream.indirect.gather [hbm4b:s3+s8], $0x20, s16, s8, $0xb8;
	v63 =	vld [tilespmem:$0x0]  }
0xd9: {  	s16 =	sadd.s32 $0x1298, s12;
	s29 =	simm.s32 $0xF340  }
0xda: {  	[tilespmem:s29], [sflag:$0x1] =	stream.indirect.gather [hbm4b:s3+s8], $0x20, s16, s8, $0xb8;
	v63 =	vld [tilespmem:$0x0]  }
0xdb: {  	s16 =	sadd.s32 $0x12D0, s12;
	s29 =	simm.s32 $0xF980  }
0xdc: {  	[tilespmem:s29], [sflag:$0x1] =	stream.indirect.gather [hbm4b:s3+s8], $0x20, s16, s8, $0xb8;
	v63 =	vld [tilespmem:$0x0]  }
0xdd: {  	s16 =	sadd.s32 $0x1308, s12;
	s29 =	simm.s32 $0xFFC0  }
0xde: {  	[tilespmem:s29], [sflag:$0x1] =	stream.indirect.gather [hbm4b:s3+s8], $0x20, s16, s8, $0xb8;
	v63 =	vld [tilespmem:$0x0]  }
0xdf: {  	s16 =	sadd.s32 $0x1340, s12;
	s29 =	simm.s32 $0x10600  }
0xe0: {  	[tilespmem:s29], [sflag:$0x1] =	stream.indirect.gather [hbm4b:s3+s8], $0x20, s16, s8, $0xb8;
	v63 =	vld [tilespmem:$0x0]  }
0xe1: {  	s16 =	sadd.s32 $0x1378, s12;
	s29 =	simm.s32 $0x10C40  }
0xe2: {  	[tilespmem:s29], [sflag:$0x1] =	stream.indirect.gather [hbm4b:s3+s8], $0x20, s16, s8, $0xb8;
	v63 =	vld [tilespmem:$0x0]  }
0xe3: {  	s16 =	sadd.s32 $0x13B0, s12;
	s29 =	simm.s32 $0x11280  }
0xe4: {  	[tilespmem:s29], [sflag:$0x1] =	stream.indirect.gather [hbm4b:s3+s8], $0x20, s16, s8, $0xb8;
	v63 =	vld [tilespmem:$0x0]  }
0xe5: {  	s16 =	sadd.s32 $0x13E8, s12;
	s29 =	simm.s32 $0x118C0  }
0xe6: {  	[tilespmem:s29], [sflag:$0x1] =	stream.indirect.gather [hbm4b:s3+s8], $0x20, s16, s8, $0xb8;
	v63 =	vld [tilespmem:$0x0]  }
0xe7: {  	s16 =	sadd.s32 $0x1420, s12;
	s29 =	simm.s32 $0x11F00  }
0xe8: {  	[tilespmem:s29], [sflag:$0x1] =	stream.indirect.gather [hbm4b:s3+s8], $0x20, s16, s8, $0xb8;
	v63 =	vld [tilespmem:$0x0]  }
0xe9: {  	s16 =	sadd.s32 $0x1458, s12;
	s29 =	simm.s32 $0x12540  }
0xea: {  	[tilespmem:s29], [sflag:$0x1] =	stream.indirect.gather [hbm4b:s3+s8], $0x20, s16, s8, $0xb8;
	v63 =	vld [tilespmem:$0x0]  }
.Ltmp5:
0xeb: {  	_ = 	snop;
	(pc) =	sbr.rel .LBB2_4-.Ltmp5, $4  }
0xec: {  	s16 =	sadd.s32 $0x1490, s12;
	s29 =	simm.s32 $0x12B80  }
0xed: {  	[tilespmem:s29], [sflag:$0x1] =	stream.indirect.gather [hbm4b:s3+s8], $0x20, s16, s8, $0xb8;
	v63 =	vld [tilespmem:$0x0]  }
0xee: {  	s20 =	sadd.s32 $0x14C8, s12;
	s29 =	simm.s32 $0x13E40;
	s16 =	simm.s32 $0x131C0  }
0xef: {  	[tilespmem:s16], [sflag:$0x1] =	stream.indirect.gather [hbm4b:s3+s8], $0x20, s20, s8, $0xb8;
	v63 =	vld [tilespmem:$0x0]  }
.LBB2_6:
0xf0: {  	_ =	sfence.sel $0x180000  }
0xf1: {  	[bflag:$0x0] =	sbarrier.arrive $0xFFFF  }
0xf2: {  	_ =	strace $0x90000047  }
0xf3: {  	s0 =	stileid.u32;
	[bflag:$0x2] =	sbarrier.arrive $0xFFFF  }
0xf4: {  	p0 =	sne.s32 s0, $0x0;
	s0 =	rddreg [dreg:$0x2]  }
0xf5: {  	s0 =	sadd.s32 @!p0 $0x100000, s0  }
0xf6: {  	[sflag:s0] =	ssyncadd.tile.s32 @!p0 $0x1;
	_ =	shalt  }
.Lfunc_end2:
_tile_overlayer_lowered:
.L_overlay_start_2:
0xf7: {  	(tag) =	ssettag $0x2  }
0xf8: {  	s0 =	rddreg [dreg:$0x0];
	s2 =	stileid.u32  }
0xf9: {  	s1 =	rddreg [dreg:$0x1];
	p0 =	sne.s32 s2, $0x0  }
0xfa: {  	s3 =	rddreg [dreg:$0x2];
	[bflag:$0x3] =	sbarrier.arrive $0xFFFF;
	s2 =	simm.s32 @!p0 $0x1C03  }
0xfb: {  	[timem:s3], [sflag:s2] =	dma.local @!p0 [hbm:s0], s1  }
0xfc: {  	s0 =	simm.s32 @!p0 $0x3  }
0xfd: {  	_ =	swait.ge @!p0 [sflag:s0], s1  }
0xfe: {  	s1 =	ssub.s32 @!p0 $0x0, s1;
	[sflag:s0] =	ssyncset.done @!p0 $0x0  }
0xff: {  	[sflag:s0] =	ssyncadd.s32 @!p0 s1  }
0x100: {  	[bflag:$0x3] =	sbarrier.arrive $0xFFFF  }
0x101: {  	_ =	shalt  }

// kernel: sparse-core-data-format-call.cloned.1.call-start
scs
called_computation_lowered:
.L_overlay_start_0:
0x0: {  	s2 =	sld [smem:$0x3FD9]  }
0x1: {  	s3 =	sld [smem:$0x3FFE];
	_ =	sdelay $0x1  }
0x2: {  	s1 =	srdreg.scid  }
0x3: {  	s0 =	sand.u32 $0x1, s1  }
0x4: {  	s18 =	sshll.u32 s0, $0xA;
	s2 =	sadd.s32 s3, s2  }
0x5: {  	s2 =	sadd.s32 s2, s18  }
0x6: {  	[smem:$0x3FC6] =	sst s2  }
0x7: {  	_ = 	snop  }
0x8: {  	s2 =	sld [smem:$0x3FD0];
	(tm) =	ssettm $0x1  }
0x9: {  	s19 =	sld [smem:$0x3FFB];
	_ =	sdelay $0x3  }
0xa: {  	_ =	strace s19  }
0xb: {  	s3 =	sld [smem:$0x3FFC];
	_ =	sdelay $0x3  }
0xc: {  	_ =	strace s3  }
0xd: {  	s3 =	sld [smem:$0x3FFD];
	_ =	sdelay $0x3  }
0xe: {  	_ =	strace s3  }
0xf: {  	_ =	strace $0x8FFFFFFF  }
0x10: {  	s20 =	sld [smem:$0x3FDB];
	_ =	sdelay $0x1  }
0x11: {  	s4 =	simm.s32 $_scs_section_size  }
0x12: {  	s5 =	simm.s32 $_size__tile_overlayer_lowered;
	s6 =	simm.s32 $_tile_overlayer_lowered  }
0x13: {  	s23 =	simm.s32 $0x1BFF;
	s22 =	sshll.u32 s6, $0x1;
	s3 =	sadd.s32 s4, s20  }
0x14: {  	s7 =	simm.s32 $0x0;
	s21 =	sshll.u32 s5, $0x1;
	s5 =	sadd.s32 s22, s3  }
0x15: {  	[timem:s7], [sflag:s23] =	dma.local [hbm:s5], s21  }
0x16: {  	_ =	swait.ge [sflag:s23], s21  }
0x17: {  	s4 =	ssub.s32 $0x0, s21;
	[sflag:s23] =	ssyncset.done $0x0  }
0x18: {  	[sflag:s23] =	ssyncadd.s32 s4;
	_ =	sdelay $0x1  }
0x19: {  	s24 =	simm.s32 $0x1B8B  }
0x1a: {  	_ =	swait.ge [sflag:s24], $0x1  }
0x1b: {  	[sflag:s24] =	ssyncset.done $0x0  }
0x1c: {  	s26 =	simm.s32 $0x1B8E;
	s25 =	sld [smem:$0x3FFE];
	[sflag:s24] =	ssyncadd.s32 $0xFFFFFFFF  }
0x1d: {  	s27 =	simm.s32 $execute0_lowered;
	[smem:$0x3FD2] =	sst s26  }
0x1e: {  	s5 =	sshll.u32 s27, $0x1;
	_ =	strace $0x80000049;
	[dreg:$0x1] =	wrdreg $0xFFFFFFFF  }
0x1f: {  	s28 =	simm.s32 $_size_execute0_lowered;
	s3 =	sadd.s32 s3, s5;
	[dreg:$0x0] =	wrdreg $0x0  }
0x20: {  	s5 =	sshll.u32 s28, $0x1;
	[dreg:$0x2] =	wrdreg s3  }
0x21: {  	[dreg:$0x3] =	wrdreg s5  }
0x22: {  	[dreg:$0x4] =	wrdreg $0xC0  }
0x23: {  	_ =	task [dreg:s7], $0x5FFFF  }
0x24: {  	[dreg:$0x1] =	wrdreg $0xFFFFFFFF  }
0x25: {  	[dreg:$0x0] =	wrdreg $0x60  }
0x26: {  	[dreg:$0x2] =	wrdreg s25  }
0x27: {  	[dreg:$0x3] =	wrdreg s2  }
0x28: {  	[dreg:$0x4] =	wrdreg $0x9  }
0x29: {  	_ =	task.clear_ibuf [dreg:s7], $0x5FFFF;
	_ =	strace $0x90000049  }
0x2a: {  	s29 =	simm.s32 $0x9;
	_ =	strace $0x8000004B  }
0x2b: {  	_ =	swait.ge [sflag:s29], $0x1  }
0x2c: {  	[sflag:s29] =	ssyncadd.s32 $0xFFFFFFFF  }
0x2d: {  	_ =	strace $0x9000004B  }
0x2e: {  	_ =	sfence  }
0x2f: {  	s30 =	sld [smem:$0x0];
	_ =	sdelay $0x2  }
0x30: {  	s31 =	sshll.u32 s1, $0xD;
	s1 =	sshrl.u32 s1, $0x2  }
0x31: {  	s3 =	sand.u32 $0x4000, s31;
	s1 =	sadd.s32 s1, s30  }
0x32: {  	s0 =	sor.u32 s3, s0;
	s1 =	sshll.u32 s1, $0x11  }
0x33: {  	s0 =	sor.u32 s1, s0  }
0x34: {  	s0 =	sadd.s32 $0x8F2B, s0  }
0x35: {  	[sflag:s0] =	ssyncadd.remote.s32 $0x1  }
0x36: {  	_ =	sfence.sel $0xFFFF  }
0x37: {  	[dreg:$0x0] =	wrdreg $0xFFFFFFFF;
	(pc) =	sbr.abs _section_cstart, $3  }
0x38: {  	[dreg:$0x1] =	wrdreg $0xFFFFFFFF  }
0x39: {  	_ =	task.clear_ibuf [dreg:s7], $0x2FFFF;
	_ =	strace $0x9FFFFFFF  }
0x3a: {  	(tm) =	ssettm $0x7FFFFFFF  }
0x3b: {  	_ =	shalt  }
tec
execute0_lowered:
.L_overlay_start_1:
0x0: {  	(tag) =	ssettag $0x1  }
0x1: {  	s0 =	srdreg.scid  }
0x2: {  	s1 =	sshll.u32 s0, $0x4  }
0x3: {  	s0 =	stileid.u32;
	s1 =	sand.u32 $0x10, s1  }
0x4: {  	s1 =	sor.u32 s0, s1  }
0x5: {  	s6 =	rddreg [dreg:$0x0];
	s4 =	simm.s32 $0x1;
	s2 =	sshll.u32 s1, $0x7  }
0x6: {  	s7 =	simm.s32 $0x2;
	s12 =	simm.s32 $0x0;
	s1 =	ssub.s32 $0x4000, s2  }
0x7: {  	s8 =	simm.s32 $0x20000;
	s13 =	simm.s32 $0x0;
	s3 =	sand.u32 $0xF80, s1  }
0x8: {  	s9 =	simm.s32 $0x0;
	s5 =	sshrl.u32 s1, $0xC;
	p0 =	sne.s32 s3, $0x0  }
.Ltmp0:
0x9: {  	s1 =	rddreg [dreg:$0x2];
	s4 =	simm.s32 @!p0 $0x0;
	(pc) =	sbr.rel .LBB1_1-.Ltmp0, $4  }
0xa: {  	s11 =	simm.s32 $0x0;
	s3 =	rddreg [dreg:$0x1];
	s5 =	sadd.s32 s4, s5  }
0xb: {  	_ =	strace $0x8000004A;
	s4 =	simm.s32 $0x1;
	s5 =	smul.u32 $0x32, s5  }
0xc: {  	s6 =	sadd.s32 $0xA00, s6;
	s10 =	smov.u32 s2;
	[sflag:s4] =	ssyncpa.u1 $0x0  }
0xd: {  	p0 =	por $0x0, $0x0;
	[sflag:s7] =	ssyncpa.u1 $0x0;
	s7 =	sor.u32 $0x1, s5  }
.LBB1_4:
0xe: {  	s16 =	sshll.u32 s13, $0x3;
	s17 =	sand.u32 $0x78, s13  }
0xf: {  	s30 =	sand.u32 $0xF800, s13;
	s12 =	sshll.u32 s12, $0x10;
	s16 =	sand.u32 $0x3C00, s16  }
0x10: {  	s31 =	sand.u32 $0x7, s13;
	s16 =	sor.u32 s17, s16;
	s17 =	sadd.s32 s3, s30  }
0x11: {  	s13 =	sshll.u32 s31, $0x12;
	s16 =	sshrl.u32 s16, $0x3;
	s12 =	sadd.s32 s12, s17  }
0x12: {  	[tilespmem:s15+$0x0 ss:$0x81] =	vst.msk $0xffff, v0;
	s13 =	sor.u32 $0x400, s13;
	s12 =	sadd.s32 s16, s12  }
0x13: {  	[hbm4b:s12+s13] =	stream.strided.scatter [tilespmem:s14], [sflag:$0x2], $0x1000, s8, s13, $0x20;
	[tilespmem:$0x4040] =	vst v63  }
.LBB1_5:
0x14: {  	s14 =	sadd.s32 $0x1, s9  }
0x15: {  	s12 =	sadd.s32 $0x1000, s10;
	s16 =	smov.u32 s10;
	p2 =	sgt.s32 s14, $0x31  }
0x16: {  	s16 =	smov.u32 @p2 s12  }
0x17: {  	s14 =	simm.s32 @p2 $0x0;
	p2 =	sgt.s32 s16, $0x3FFF  }
0x18: {  	s16 =	smov.u32 @p2 s2;
	p2 =	sne.s32 s11, s7  }
.Ltmp1:
0x19: {  	p1 =	slt.u32 s11, $0x2;
	(pc) =	sbr.rel @!p2 .LBB1_6-.Ltmp1, $4  }
0x1a: {  	s15 =	simm.s32 @!p1 $0x2  }
0x1b: {  	s13 =	smov.u32 s10;
	p0 =	por !p0, !p0;
	_ =	swait.ge @!p1 [sflag:s15], $0x1000  }
0x1c: {  	s12 =	smov.u32 s9;
	[sflag:s15] =	ssyncset.done @!p1 $0x0;
	s9 =	smov.u32 s14  }
0x1d: {  	s11 =	sadd.s32 $0x1, s11;
	[sflag:s15] =	ssyncadd.s32 @!p1 $0xFFFFF000;
	s10 =	smov.u32 s16  }
.LBB1_1:
0x1e: {  	p1 =	sge.u32 s11, s5  }
0x1f: {  	s14 =	sand.u32 @!p1 $0x1FFFFFF, s9  }
0x20: {  	s15 =	smulhi.u32 @!p1 $0x4924925, s14;
	_ =	sdelay $0x1  }
0x21: {  	s15 =	smul.u32 @!p1 $0x38, s15  }
0x22: {  	s16 =	sxor.u32 @!p1 $0xFFFFFFFF, s11;
	s17 =	smul.u32 @!p1 $0x380, s10  }
0x23: {  	s31 =	sadd.s32 $0xFFFFFFFF, s11;
	s16 =	sshll.u32 @!p1 s16, $0xC;
	s14 =	ssub.s32 @!p1 s14, s15  }
0x24: {  	s15 =	sand.u32 @!p1 $0x1000, s16;
	s16 =	sadd.s32 @!p1 s6, s17;
	s14 =	sshll.u32 @!p1 s14, $0x4  }
0x25: {  	s17 =	simm.s32 @!p1 $0x1C00;
	s14 =	sadd.s32 @!p1 s14, s16;
	s16 =	simm.s32 @!p1 $0x20  }
0x26: {  	[tilespmem:s15], [sflag:$0x1] =	stream.strided.gather @!p1 [hbm4b:s14+s16], $0x1000, s17, s16, $0x38;
	[tilespmem:$0x4040] =	vst v63  }
0x27: {  	p1 =	sge.u32 s31, s5  }
.Ltmp2:
0x28: {  	_ = 	snop;
	(pc) =	sbr.rel @p1 .LBB1_5-.Ltmp2, $1  }
0x29: {  	_ =	sdelay $0x3  }
0x2a: {  	s14 =	simm.s32 $0x1  }
0x2b: {  	_ =	swait.ge [sflag:s4], $0x1000;
	s14 =	simm.s32 @!p0 $0x0  }
0x2c: {  	[sflag:s4] =	ssyncset.done $0x0;
	s15 =	sshll.u32 s14, $0xC  }
0x2d: {  	[sflag:s4] =	ssyncadd.s32 $0xFFFFF000;
	s18 =	sor.u32 $0x10, s15  }
0x2e: {  	s14 =	smul.u32 $0x4080, s14;
	v1 =	vld [tilespmem:s18+$0x0]  }
0x2f: {  	s30 =	sand.u32 $0x1, s11;
	v0 =	vld [tilespmem:s18+$0xFFFFFFF0]  }
0x30: {  	s15 =	smul.u32 $0x4080, s30;
	s14 =	sshrl.u32 s14, $0x2  }
0x31: {  	s16 =	sor.u32 $0x2000, s14  }
0x32: {  	s31 =	sshrl.u32 s15, $0x2;
	s15 =	sadd.s32 $0x0, s16  }
0x33: {  	s17 =	simm.s32 $0x4;
	s18 =	sadd.s32 $0x20, s18;
	s14 =	sor.u32 $0x2000, s31;
	[tilespmem:s15+$0x810 ss:$0x81] =	vst.msk $0xffff, v1  }
.LBB1_3:
0x34: {  	v1 =	vld [tilespmem:s18+$0x0];
	p1 =	sne.s32 s17, $0x1FC;
	[tilespmem:s15+$0x0 ss:$0x81] =	vst.msk $0xffff, v0;
	s15 =	smov.u32 s17;
	s17 =	sadd.s32 $0x4, s17  }
.Ltmp3:
0x35: {  	v0 =	vld [tilespmem:s18+$0xFFFFFFF0];
	(pc) =	sbr.rel @p1 .LBB1_3-.Ltmp3, $4  }
0x36: {  	_ = 	snop  }
0x37: {  	s15 =	sshra.s32 s15, $0x2  }
0x38: {  	s15 =	sadd.s32 s15, s16  }
0x39: {  	s18 =	sadd.s32 $0x20, s18;
	[tilespmem:s15+$0x810 ss:$0x81] =	vst.msk $0xffff, v1  }
.Ltmp4:
0x3a: {  	_ = 	snop;
	(pc) =	sbr.rel .LBB1_4-.Ltmp4, $1  }
0x3b: {  	_ =	sdelay $0x3  }
.LBB1_6:
0x3c: {  	_ =	sfence.sel $0x180000  }
0x3d: {  	s2 =	simm.s32 $0x1;
	[bflag:$0x0] =	sbarrier.arrive $0xFFFF  }
0x3e: {  	s31 =	simm.s32 $0x2;
	[sflag:s2] =	ssyncpa.u1 $0x1  }
0x3f: {  	[sflag:s31] =	ssyncpa.u1 $0x1  }
0x40: {  	p0 =	sne.s32 s0, $0x0;
	_ =	strace $0x9000004A  }
0x41: {  	s0 =	sadd.s32 @!p0 $0x100000, s1;
	[bflag:$0x2] =	sbarrier.arrive $0xFFFF  }
0x42: {  	[sflag:s0] =	ssyncadd.tile.s32 @!p0 $0x1;
	_ =	shalt  }
.Lfunc_end1:
_tile_overlayer_lowered:
.L_overlay_start_2:
0x43: {  	(tag) =	ssettag $0x2  }
0x44: {  	s0 =	rddreg [dreg:$0x0];
	s2 =	stileid.u32  }
0x45: {  	s1 =	rddreg [dreg:$0x1];
	p0 =	sne.s32 s2, $0x0  }
0x46: {  	s3 =	rddreg [dreg:$0x2];
	[bflag:$0x3] =	sbarrier.arrive $0xFFFF;
	s2 =	simm.s32 @!p0 $0x1C01  }
0x47: {  	[timem:s3], [sflag:s2] =	dma.local @!p0 [hbm:s0], s1  }
0x48: {  	s0 =	simm.s32 @!p0 $0x1  }
0x49: {  	_ =	swait.ge @!p0 [sflag:s0], s1  }
0x4a: {  	s1 =	ssub.s32 @!p0 $0x0, s1;
	[sflag:s0] =	ssyncset.done @!p0 $0x0  }
0x4b: {  	[sflag:s0] =	ssyncadd.s32 @!p0 s1  }
0x4c: {  	[bflag:$0x3] =	sbarrier.arrive $0xFFFF  }
0x4d: {  	_ =	shalt  }

</sc_bundles>
